<compile_context>
chip_gen: v7x
topology: tpu7x:2x2x1
jax: 0.10.2.dev20260603
libtpu: 0.0.44.dev20260713+nightly
codegen_flags: <defaults>
</compile_context>

<pallas_src>
import functools

import jax
import jax.numpy as jnp
from jax import lax
from jax.experimental import pallas as pl
from jax.experimental.pallas import tpu as pltpu
from jax.experimental.pallas import tpu_sc as plsc

N = 10000
NP = 10112
E = 160000
D = 128
DE = 16
PAD_V = -999.0

NC = 2
NS = 16
NW = NC * NS
WN = 32
EP = 163840
WPW = EP // (NW * WN)
RPT = NP // NS

BE = 8000


def _a_body(e_ref, w_ref, b_ref, o_ref):
    e = e_ref[...]
    a = jnp.dot(e, w_ref[...], preferred_element_type=jnp.float32)
    a = a + b_ref[...]
    o_ref[...] = jnp.where(e[:, 0:1] == PAD_V, 0.0, a)


def _edge_net(e2, W, b):
    return pl.pallas_call(
        _a_body,
        grid=(E // BE,),
        in_specs=[
            pl.BlockSpec((BE, DE), lambda i: (i, 0)),
            pl.BlockSpec((DE, D), lambda i: (0, 0)),
            pl.BlockSpec((1, D), lambda i: (0, 0)),
        ],
        out_specs=pl.BlockSpec((BE, D), lambda i: (i, 0)),
        out_shape=jax.ShapeDtypeStruct((E, D), jnp.float32),
    )(e2, W, b.reshape(1, D))


def _sc_body(a_hbm, x_hbm, dst_hbm, src_hbm, out_hbm,
             dst_v, src_v, sdst_v, ssrc_v, a_v, xs_v, xd_v, mos_v, mod_v,
             m_sh, semi, sema, semg, semsc):
    cid = lax.axis_index("c")
    sid = lax.axis_index("s")
    wid = sid * NC + cid

    def zrow(i, c):
        for j in range(D // 16):
            xs_v.at[0][i, pl.ds(j * 16, 16)] = jnp.zeros((16,), jnp.float32)
        return c

    lax.fori_loop(0, WN, zrow, 0)
    for r in range(RPT // WN):
        pltpu.sync_copy(xs_v.at[0], m_sh.at[pl.ds(sid * RPT + r * WN, WN)])
    REM = RPT % WN
    pltpu.sync_copy(xs_v.at[0].at[pl.ds(0, REM)],
                    m_sh.at[pl.ds(sid * RPT + (RPT // WN) * WN, REM)])
    plsc.subcore_barrier()

    def issue(t, p):
        base = (wid * WPW + t) * WN
        abase = jnp.minimum(base, E - WN)
        pltpu.async_copy(dst_hbm.at[pl.ds(base, WN)], dst_v.at[p], semi[p])
        pltpu.async_copy(src_hbm.at[pl.ds(base, WN)], src_v.at[p], semi[p])
        pltpu.async_copy(a_hbm.at[pl.ds(abase, WN)], a_v.at[p], sema[p])

    def gather_issue(p):
        pltpu.make_async_copy(dst_hbm.at[pl.ds(0, WN)], dst_v.at[p], semi[p]).wait()
        pltpu.make_async_copy(src_hbm.at[pl.ds(0, WN)], src_v.at[p], semi[p]).wait()
        pltpu.async_copy(x_hbm.at[src_v.at[p]], xs_v.at[p], semg[p])
        pltpu.async_copy(x_hbm.at[dst_v.at[p]], xd_v.at[p], semg[p])

    def process(t, p, sc_pending=True):
        if sc_pending:
            drain_scatter(p)
        else:
            pl.when(first_guard[0])(lambda: drain_scatter(p))
        pltpu.make_async_copy(a_hbm.at[pl.ds(0, WN)], a_v.at[p], sema[p]).wait()
        pltpu.make_async_copy(x_hbm.at[src_v.at[p]], xs_v.at[p], semg[p]).wait()
        pltpu.make_async_copy(x_hbm.at[dst_v.at[p]], xd_v.at[p], semg[p]).wait()

        def mulrow(i, c):
            for j in range(D // 16):
                sl = pl.ds(j * 16, 16)
                av = a_v.at[p][i, sl]
                mos_v.at[p][i, sl] = xs_v.at[p][i, sl] * av
                mod_v.at[p][i, sl] = xd_v.at[p][i, sl] * av
            return c

        lax.fori_loop(0, WN, mulrow, 0)

        for j in range(WN // 16):
            sl = pl.ds(j * 16, 16)
            sdst_v.at[p][sl] = dst_v.at[p][sl]
            ssrc_v.at[p][sl] = src_v.at[p][sl]

        pltpu.async_copy(mos_v.at[p], m_sh.at[sdst_v.at[p]], semsc[p], add=True)
        pltpu.async_copy(mod_v.at[p], m_sh.at[ssrc_v.at[p]], semsc[p], add=True)

    def drain_scatter(p):
        pltpu.make_async_copy(mos_v.at[p], m_sh.at[sdst_v.at[p]], semsc[p]).wait()
        pltpu.make_async_copy(mod_v.at[p], m_sh.at[ssrc_v.at[p]], semsc[p]).wait()

    issue(0, 0)
    issue(1, 1)
    gather_issue(0)

    first_guard = [None]

    def pair(k, carry):
        t = k * 2
        first_guard[0] = k > 0
        gather_issue(1)
        process(t, 0, sc_pending=False)

        @pl.when(k < WPW // 2 - 1)
        def _nxt():
            issue(t + 2, 0)
            gather_issue(0)
        process(t + 1, 1, sc_pending=False)

        @pl.when(k < WPW // 2 - 1)
        def _nxt2():
            issue(t + 3, 1)
        return carry

    lax.fori_loop(0, WPW // 2, pair, 0)
    drain_scatter(0)
    drain_scatter(1)
    plsc.subcore_barrier()

    pltpu.sync_copy(m_sh.at[pl.ds(sid * RPT, RPT)],
                    out_hbm.at[cid, pl.ds(sid * RPT, RPT)])


@functools.cache
def _sc_scatter_kernel():
  return functools.partial(
    pl.kernel,
    out_type=jax.ShapeDtypeStruct((NC, NP, D), jnp.float32),
    mesh=plsc.VectorSubcoreMesh(core_axis_name="c", subcore_axis_name="s",
                                num_cores=NC, num_subcores=NS),
    scratch_types=[
        pltpu.VMEM((2, WN), jnp.int32),
        pltpu.VMEM((2, WN), jnp.int32),
        pltpu.VMEM((2, WN), jnp.int32),
        pltpu.VMEM((2, WN), jnp.int32),
        pltpu.VMEM((2, WN, D), jnp.float32),
        pltpu.VMEM((2, WN, D), jnp.float32),
        pltpu.VMEM((2, WN, D), jnp.float32),
        pltpu.VMEM((2, WN, D), jnp.float32),
        pltpu.VMEM((2, WN, D), jnp.float32),
        pltpu.VMEM_SHARED((NP, D), jnp.float32),
        [pltpu.SemaphoreType.DMA, pltpu.SemaphoreType.DMA],
        [pltpu.SemaphoreType.DMA, pltpu.SemaphoreType.DMA],
        [pltpu.SemaphoreType.DMA, pltpu.SemaphoreType.DMA],
        [pltpu.SemaphoreType.DMA, pltpu.SemaphoreType.DMA],
    ],
  )(_sc_body)


def _sum_body(p_ref, o_ref):
    o_ref[...] = p_ref[0] + p_ref[1]


def _sum_partials(partial):
    BN = 1000
    return pl.pallas_call(
        _sum_body,
        grid=(N // BN,),
        in_specs=[pl.BlockSpec((NC, BN, D), lambda i: (0, i, 0))],
        out_specs=pl.BlockSpec((BN, D), lambda i: (i, 0)),
        out_shape=jax.ShapeDtypeStruct((N, D), jnp.float32),
    )(partial)


def kernel(x, edges, pairs_idx, W, b):
    x2 = x[0]
    p2 = pairs_idx[0].astype(jnp.int32)

    xp = jnp.concatenate([x2, jnp.zeros((NP - N, D), jnp.float32)], axis=0)
    pad_idx = N + (jnp.arange(EP - E, dtype=jnp.int32) % (NP - N))
    dst = jnp.concatenate([p2[:, 0], pad_idx])
    src = jnp.concatenate([p2[:, 1], pad_idx])

    a = _edge_net(edges[0], W, b)
    partial = _sc_scatter_kernel()(a, xp, dst, src)
    m = _sum_partials(partial)
    return m[None]

# --- scband reference (transcript-rebuilt; emitter-appended) ---
"""Pipeline reference for scband-ennmessage-20959440404659 (READ-ONLY COPY).

The authoritative reference and input builder live on the scoring server;
editing this copy changes nothing except your own understanding.
"""

import jax, jax.numpy as jnp
import numpy as np

B = 1
N = 10000
E = 160000
D_MODEL = 128
D_EDGE = 16
K = 1
PAD_VAL = -999.0


def setup_inputs(seed: int = 0) -> dict:
    key = jax.random.key(seed)
    k1, k2, k3, k4 = jax.random.split(key, 4)
    x = jax.random.normal(k1, (B, N, D_MODEL), dtype=jnp.float32)
    edges = jax.random.normal(k2, (B, E, D_EDGE), dtype=jnp.float32)
    pairs_idx = jax.random.randint(k3, (B, E, 2), 0, N).astype(jnp.int64)
    # FullyConnectedNet(d_edge, d_model*kernel_sz) with default enn_args={} modeled as a
    # single linear layer: W [d_edge, d_model*k], b [d_model*k]
    W = jax.random.normal(k4, (D_EDGE, D_MODEL * K), dtype=jnp.float32) * (1.0 / np.sqrt(D_EDGE))
    b = jnp.zeros((D_MODEL * K,), dtype=jnp.float32)
    return {"x": x, "edges": edges, "pairs_idx": pairs_idx, "W": W, "b": b}


def reference(x, edges, pairs_idx, W, b):
    # set_a_mat: enn(edges) -> a_vect [B, E, d_model*k]
    a_vect = edges @ W + b
    a_vect = a_vect / (K ** 0.5)
    mask = (edges[:, :, 0:1] == PAD_VAL)
    a_vect = jnp.where(jnp.broadcast_to(mask, a_vect.shape), 0.0, a_vect)
    a_mat = a_vect.reshape(B, E, D_MODEL, K)
    a_mat = jnp.concatenate([a_mat, a_mat], axis=1)  # bidirectional: [B, 2E, d, k]
    # expand pairs to bidirectional
    pairs = jnp.concatenate([pairs_idx, pairs_idx[:, :, ::-1]], axis=1)  # [B, 2E, 2]
    # gather source nodes x_{j}
    idx_in = jnp.broadcast_to(pairs[:, :, 1][..., None], (B, 2 * E, D_MODEL))
    x_in = jnp.take_along_axis(x, idx_in, axis=1)  # [B, 2E, d]
    # kernel_sz < d_model path: pad + unfold
    pad_l = K // 2
    pad_r = K // 2 - (1 if K % 2 == 0 else 0)
    x_padded = jnp.pad(x_in, ((0, 0), (0, 0), (pad_l, pad_r)))
    win = jnp.arange(D_MODEL)[:, None] + jnp.arange(K)[None, :]
    x_unfolded = x_padded[..., win]  # [B, 2E, d, k]
    ax = (x_unfolded * a_mat).sum(-1)  # [B, 2E, d]
    # scatter-add messages to destination nodes
    m = jnp.zeros_like(x)
    bidx = jnp.arange(B)[:, None]
    m = m.at[bidx, pairs[:, :, 0]].add(ax)
    return m

if __name__ == "__main__":
    import jax
    _d = setup_inputs()
    print(jax.jit(kernel)(*tuple(_d.values())))

</pallas_src>

<mosaic_0001>
#map = affine_map<(d0, d1) -> (0, 0)>
#map1 = affine_map<(d0, d1) -> (0)>
#map2 = affine_map<(d0, d1) -> (0, 0, 0)>
module attributes {stable_mosaic.version = 14 : i64} {
  func.func @_sc_body(%arg0: i32, %arg1: i32, %arg2: memref<160000x128xf32, #tpu.memory_space<hbm>>, %arg3: memref<10112x128xf32, #tpu.memory_space<hbm>>, %arg4: memref<163840xi32, #tpu.memory_space<hbm>>, %arg5: memref<163840xi32, #tpu.memory_space<hbm>>, %arg6: memref<2x10112x128xf32, #tpu.memory_space<hbm>>, %arg7: memref<2x32xi32, #tpu.memory_space<vmem>>, %arg8: memref<2x32xi32, #tpu.memory_space<vmem>>, %arg9: memref<2x32xi32, #tpu.memory_space<vmem>>, %arg10: memref<2x32xi32, #tpu.memory_space<vmem>>, %arg11: memref<2x32x128xf32, #tpu.memory_space<vmem>>, %arg12: memref<2x32x128xf32, #tpu.memory_space<vmem>>, %arg13: memref<2x32x128xf32, #tpu.memory_space<vmem>>, %arg14: memref<2x32x128xf32, #tpu.memory_space<vmem>>, %arg15: memref<2x32x128xf32, #tpu.memory_space<vmem>>, %arg16: memref<10112x128xf32, #tpu.memory_space<vmem_shared>>, %arg17: memref<!tpu.dma_semaphore, #tpu.memory_space<semaphore_mem>>, %arg18: memref<!tpu.dma_semaphore, #tpu.memory_space<semaphore_mem>>, %arg19: memref<!tpu.dma_semaphore, #tpu.memory_space<semaphore_mem>>, %arg20: memref<!tpu.dma_semaphore, #tpu.memory_space<semaphore_mem>>, %arg21: memref<!tpu.dma_semaphore, #tpu.memory_space<semaphore_mem>>, %arg22: memref<!tpu.dma_semaphore, #tpu.memory_space<semaphore_mem>>, %arg23: memref<!tpu.dma_semaphore, #tpu.memory_space<semaphore_mem>>, %arg24: memref<!tpu.dma_semaphore, #tpu.memory_space<semaphore_mem>>) attributes {dimension_semantics = [#tpu.dimension_semantics<core_parallel>, #tpu.dimension_semantics<subcore_parallel>], iteration_bounds = array<i64: 2, 16>, scalar_prefetch = 0 : i64, scratch_operands = 18 : i64, tpu.core_type = #tpu.core_type<sc_vector_subcore>, window_params = [{transform_indices = #map}, {transform_indices = #map}, {transform_indices = #map1}, {transform_indices = #map1}, {transform_indices = #map2}]} {
    %mul3A = arith.constant 2 : i32
    %mul3A_0 = arith.muli %arg1, %mul3A : i32
    %add3A = arith.addi %mul3A_0, %arg0 : i32
    %scan3A = arith.constant 0 : i32
    %scan3A_1 = arith.constant 0 : i32
    %scan3A_2 = arith.constant 32 : i32
    %scan3A_3 = arith.addi %scan3A_1, %scan3A_2 : i32
    %scan3A_4 = arith.constant 1 : i32
    scf.for %scan3A_285 = %scan3A_1 to %scan3A_3 step %scan3A_4  : i32 {
      %broadcast_in_dim3A = arith.constant 0.000000e+00 : f32
      %broadcast_in_dim3A_286 = vector.broadcast %broadcast_in_dim3A : f32 to vector<16xf32>
      %swap3A = arith.constant 0 : i32
      %swap3A_287 = arith.constant 0 : i32
      %swap3A_288 = arith.constant 0 : i32
      %swap3A_289 = tpu.memref_slice %arg12[%swap3A, %swap3A_287, %swap3A_288] : memref<2x32x128xf32, #tpu.memory_space<vmem>> -> memref<1x32x128xf32, #tpu.memory_space<vmem>>
      %swap3A_290 = tpu.memref_squeeze %swap3A_289 : memref<1x32x128xf32, #tpu.memory_space<vmem>> -> memref<32x128xf32, #tpu.memory_space<vmem>>
      %swap3A_291 = arith.index_cast %scan3A_285 : i32 to index
      %swap3A_292 = arith.constant 0 : index
      %swap3A_293 = tpu.vector_load %swap3A_290[%swap3A_291, %swap3A_292] {strides = array<i32>} : memref<32x128xf32, #tpu.memory_space<vmem>>, vector<1x16xf32>,
      %swap3A_294 = vector.shape_cast %swap3A_293 : vector<1x16xf32> to vector<16xf32>
      %swap3A_295 = vector.shape_cast %broadcast_in_dim3A_286 : vector<16xf32> to vector<1x16xf32>
      tpu.vector_store %swap3A_290[%swap3A_291, %swap3A_292], %swap3A_295 {strides = array<i32>} : memref<32x128xf32, #tpu.memory_space<vmem>>, vector<1x16xf32>,
      %broadcast_in_dim3A_296 = arith.constant 0.000000e+00 : f32
      %broadcast_in_dim3A_297 = vector.broadcast %broadcast_in_dim3A_296 : f32 to vector<16xf32>
      %swap3A_298 = arith.constant 0 : i32
      %swap3A_299 = arith.constant 0 : i32
      %swap3A_300 = arith.constant 0 : i32
      %swap3A_301 = tpu.memref_slice %arg12[%swap3A_298, %swap3A_299, %swap3A_300] : memref<2x32x128xf32, #tpu.memory_space<vmem>> -> memref<1x32x128xf32, #tpu.memory_space<vmem>>
      %swap3A_302 = tpu.memref_squeeze %swap3A_301 : memref<1x32x128xf32, #tpu.memory_space<vmem>> -> memref<32x128xf32, #tpu.memory_space<vmem>>
      %swap3A_303 = arith.index_cast %scan3A_285 : i32 to index
      %swap3A_304 = arith.constant 16 : index
      %swap3A_305 = tpu.vector_load %swap3A_302[%swap3A_303, %swap3A_304] {strides = array<i32>} : memref<32x128xf32, #tpu.memory_space<vmem>>, vector<1x16xf32>,
      %swap3A_306 = vector.shape_cast %swap3A_305 : vector<1x16xf32> to vector<16xf32>
      %swap3A_307 = vector.shape_cast %broadcast_in_dim3A_297 : vector<16xf32> to vector<1x16xf32>
      tpu.vector_store %swap3A_302[%swap3A_303, %swap3A_304], %swap3A_307 {strides = array<i32>} : memref<32x128xf32, #tpu.memory_space<vmem>>, vector<1x16xf32>,
      %broadcast_in_dim3A_308 = arith.constant 0.000000e+00 : f32
      %broadcast_in_dim3A_309 = vector.broadcast %broadcast_in_dim3A_308 : f32 to vector<16xf32>
      %swap3A_310 = arith.constant 0 : i32
      %swap3A_311 = arith.constant 0 : i32
      %swap3A_312 = arith.constant 0 : i32
      %swap3A_313 = tpu.memref_slice %arg12[%swap3A_310, %swap3A_311, %swap3A_312] : memref<2x32x128xf32, #tpu.memory_space<vmem>> -> memref<1x32x128xf32, #tpu.memory_space<vmem>>
      %swap3A_314 = tpu.memref_squeeze %swap3A_313 : memref<1x32x128xf32, #tpu.memory_space<vmem>> -> memref<32x128xf32, #tpu.memory_space<vmem>>
      %swap3A_315 = arith.index_cast %scan3A_285 : i32 to index
      %swap3A_316 = arith.constant 32 : index
      %swap3A_317 = tpu.vector_load %swap3A_314[%swap3A_315, %swap3A_316] {strides = array<i32>} : memref<32x128xf32, #tpu.memory_space<vmem>>, vector<1x16xf32>,
      %swap3A_318 = vector.shape_cast %swap3A_317 : vector<1x16xf32> to vector<16xf32>
      %swap3A_319 = vector.shape_cast %broadcast_in_dim3A_309 : vector<16xf32> to vector<1x16xf32>
      tpu.vector_store %swap3A_314[%swap3A_315, %swap3A_316], %swap3A_319 {strides = array<i32>} : memref<32x128xf32, #tpu.memory_space<vmem>>, vector<1x16xf32>,
      %broadcast_in_dim3A_320 = arith.constant 0.000000e+00 : f32
      %broadcast_in_dim3A_321 = vector.broadcast %broadcast_in_dim3A_320 : f32 to vector<16xf32>
      %swap3A_322 = arith.constant 0 : i32
      %swap3A_323 = arith.constant 0 : i32
      %swap3A_324 = arith.constant 0 : i32
      %swap3A_325 = tpu.memref_slice %arg12[%swap3A_322, %swap3A_323, %swap3A_324] : memref<2x32x128xf32, #tpu.memory_space<vmem>> -> memref<1x32x128xf32, #tpu.memory_space<vmem>>
      %swap3A_326 = tpu.memref_squeeze %swap3A_325 : memref<1x32x128xf32, #tpu.memory_space<vmem>> -> memref<32x128xf32, #tpu.memory_space<vmem>>
      %swap3A_327 = arith.index_cast %scan3A_285 : i32 to index
      %swap3A_328 = arith.constant 48 : index
      %swap3A_329 = tpu.vector_load %swap3A_326[%swap3A_327, %swap3A_328] {strides = array<i32>} : memref<32x128xf32, #tpu.memory_space<vmem>>, vector<1x16xf32>,
      %swap3A_330 = vector.shape_cast %swap3A_329 : vector<1x16xf32> to vector<16xf32>
      %swap3A_331 = vector.shape_cast %broadcast_in_dim3A_321 : vector<16xf32> to vector<1x16xf32>
      tpu.vector_store %swap3A_326[%swap3A_327, %swap3A_328], %swap3A_331 {strides = array<i32>} : memref<32x128xf32, #tpu.memory_space<vmem>>, vector<1x16xf32>,
      %broadcast_in_dim3A_332 = arith.constant 0.000000e+00 : f32
      %broadcast_in_dim3A_333 = vector.broadcast %broadcast_in_dim3A_332 : f32 to vector<16xf32>
      %swap3A_334 = arith.constant 0 : i32
      %swap3A_335 = arith.constant 0 : i32
      %swap3A_336 = arith.constant 0 : i32
      %swap3A_337 = tpu.memref_slice %arg12[%swap3A_334, %swap3A_335, %swap3A_336] : memref<2x32x128xf32, #tpu.memory_space<vmem>> -> memref<1x32x128xf32, #tpu.memory_space<vmem>>
      %swap3A_338 = tpu.memref_squeeze %swap3A_337 : memref<1x32x128xf32, #tpu.memory_space<vmem>> -> memref<32x128xf32, #tpu.memory_space<vmem>>
      %swap3A_339 = arith.index_cast %scan3A_285 : i32 to index
      %swap3A_340 = arith.constant 64 : index
      %swap3A_341 = tpu.vector_load %swap3A_338[%swap3A_339, %swap3A_340] {strides = array<i32>} : memref<32x128xf32, #tpu.memory_space<vmem>>, vector<1x16xf32>,
      %swap3A_342 = vector.shape_cast %swap3A_341 : vector<1x16xf32> to vector<16xf32>
      %swap3A_343 = vector.shape_cast %broadcast_in_dim3A_333 : vector<16xf32> to vector<1x16xf32>
      tpu.vector_store %swap3A_338[%swap3A_339, %swap3A_340], %swap3A_343 {strides = array<i32>} : memref<32x128xf32, #tpu.memory_space<vmem>>, vector<1x16xf32>,
      %broadcast_in_dim3A_344 = arith.constant 0.000000e+00 : f32
      %broadcast_in_dim3A_345 = vector.broadcast %broadcast_in_dim3A_344 : f32 to vector<16xf32>
      %swap3A_346 = arith.constant 0 : i32
      %swap3A_347 = arith.constant 0 : i32
      %swap3A_348 = arith.constant 0 : i32
      %swap3A_349 = tpu.memref_slice %arg12[%swap3A_346, %swap3A_347, %swap3A_348] : memref<2x32x128xf32, #tpu.memory_space<vmem>> -> memref<1x32x128xf32, #tpu.memory_space<vmem>>
      %swap3A_350 = tpu.memref_squeeze %swap3A_349 : memref<1x32x128xf32, #tpu.memory_space<vmem>> -> memref<32x128xf32, #tpu.memory_space<vmem>>
      %swap3A_351 = arith.index_cast %scan3A_285 : i32 to index
      %swap3A_352 = arith.constant 80 : index
      %swap3A_353 = tpu.vector_load %swap3A_350[%swap3A_351, %swap3A_352] {strides = array<i32>} : memref<32x128xf32, #tpu.memory_space<vmem>>, vector<1x16xf32>,
      %swap3A_354 = vector.shape_cast %swap3A_353 : vector<1x16xf32> to vector<16xf32>
      %swap3A_355 = vector.shape_cast %broadcast_in_dim3A_345 : vector<16xf32> to vector<1x16xf32>
      tpu.vector_store %swap3A_350[%swap3A_351, %swap3A_352], %swap3A_355 {strides = array<i32>} : memref<32x128xf32, #tpu.memory_space<vmem>>, vector<1x16xf32>,
      %broadcast_in_dim3A_356 = arith.constant 0.000000e+00 : f32
      %broadcast_in_dim3A_357 = vector.broadcast %broadcast_in_dim3A_356 : f32 to vector<16xf32>
      %swap3A_358 = arith.constant 0 : i32
      %swap3A_359 = arith.constant 0 : i32
      %swap3A_360 = arith.constant 0 : i32
      %swap3A_361 = tpu.memref_slice %arg12[%swap3A_358, %swap3A_359, %swap3A_360] : memref<2x32x128xf32, #tpu.memory_space<vmem>> -> memref<1x32x128xf32, #tpu.memory_space<vmem>>
      %swap3A_362 = tpu.memref_squeeze %swap3A_361 : memref<1x32x128xf32, #tpu.memory_space<vmem>> -> memref<32x128xf32, #tpu.memory_space<vmem>>
      %swap3A_363 = arith.index_cast %scan3A_285 : i32 to index
      %swap3A_364 = arith.constant 96 : index
      %swap3A_365 = tpu.vector_load %swap3A_362[%swap3A_363, %swap3A_364] {strides = array<i32>} : memref<32x128xf32, #tpu.memory_space<vmem>>, vector<1x16xf32>,
      %swap3A_366 = vector.shape_cast %swap3A_365 : vector<1x16xf32> to vector<16xf32>
      %swap3A_367 = vector.shape_cast %broadcast_in_dim3A_357 : vector<16xf32> to vector<1x16xf32>
      tpu.vector_store %swap3A_362[%swap3A_363, %swap3A_364], %swap3A_367 {strides = array<i32>} : memref<32x128xf32, #tpu.memory_space<vmem>>, vector<1x16xf32>,
      %broadcast_in_dim3A_368 = arith.constant 0.000000e+00 : f32
      %broadcast_in_dim3A_369 = vector.broadcast %broadcast_in_dim3A_368 : f32 to vector<16xf32>
      %swap3A_370 = arith.constant 0 : i32
      %swap3A_371 = arith.constant 0 : i32
      %swap3A_372 = arith.constant 0 : i32
      %swap3A_373 = tpu.memref_slice %arg12[%swap3A_370, %swap3A_371, %swap3A_372] : memref<2x32x128xf32, #tpu.memory_space<vmem>> -> memref<1x32x128xf32, #tpu.memory_space<vmem>>
      %swap3A_374 = tpu.memref_squeeze %swap3A_373 : memref<1x32x128xf32, #tpu.memory_space<vmem>> -> memref<32x128xf32, #tpu.memory_space<vmem>>
      %swap3A_375 = arith.index_cast %scan3A_285 : i32 to index
      %swap3A_376 = arith.constant 112 : index
      %swap3A_377 = tpu.vector_load %swap3A_374[%swap3A_375, %swap3A_376] {strides = array<i32>} : memref<32x128xf32, #tpu.memory_space<vmem>>, vector<1x16xf32>,
      %swap3A_378 = vector.shape_cast %swap3A_377 : vector<1x16xf32> to vector<16xf32>
      %swap3A_379 = vector.shape_cast %broadcast_in_dim3A_369 : vector<16xf32> to vector<1x16xf32>
      tpu.vector_store %swap3A_374[%swap3A_375, %swap3A_376], %swap3A_379 {strides = array<i32>} : memref<32x128xf32, #tpu.memory_space<vmem>>, vector<1x16xf32>,
    }
    %scan3A_5 = arith.constant 32 : i32
    %mul3A_6 = arith.constant 632 : i32
    %mul3A_7 = arith.muli %arg1, %mul3A_6 : i32
    %add3A_8 = arith.constant 0 : i32
    %add3A_9 = arith.addi %mul3A_7, %add3A_8 : i32
    %run_scoped3A = arith.constant 0 : i32
    "tpu.region"() ({
      %run_scoped3A_285 = tpu.sem_alloc : memref<!tpu.dma_semaphore, #tpu.memory_space<semaphore_mem>>
      %dma_start3A_286 = arith.constant 0 : i32
      %dma_start3A_287 = arith.constant 0 : i32
      %dma_start3A_288 = tpu.memref_slice %arg12[%run_scoped3A, %dma_start3A_286, %dma_start3A_287] : memref<2x32x128xf32, #tpu.memory_space<vmem>> -> memref<1x32x128xf32, #tpu.memory_space<vmem>>
      %dma_start3A_289 = tpu.memref_squeeze %dma_start3A_288 : memref<1x32x128xf32, #tpu.memory_space<vmem>> -> memref<32x128xf32, #tpu.memory_space<vmem>>
      %dma_start3A_290 = arith.constant 0 : i32
      %dma_start3A_291 = tpu.memref_slice %arg16[%add3A_9, %dma_start3A_290] : memref<10112x128xf32, #tpu.memory_space<vmem_shared>> -> memref<32x128xf32, #tpu.memory_space<vmem_shared>>
      %dma_start3A_292 = arith.constant 0 : i32
      %dma_start3A_293 = tpu.memref_slice %arg16[%add3A_9, %dma_start3A_292] : memref<10112x128xf32, #tpu.memory_space<vmem_shared>> -> memref<32x128xf32, #tpu.memory_space<vmem_shared>>
      %dma_start3A_294 = arith.constant 0 : i32
      %dma_start3A_295 = arith.constant 0 : i32
      %dma_start3A_296 = tpu.memref_slice %arg12[%run_scoped3A, %dma_start3A_294, %dma_start3A_295] : memref<2x32x128xf32, #tpu.memory_space<vmem>> -> memref<1x32x128xf32, #tpu.memory_space<vmem>>
      %dma_start3A_297 = tpu.memref_squeeze %dma_start3A_296 : memref<1x32x128xf32, #tpu.memory_space<vmem>> -> memref<32x128xf32, #tpu.memory_space<vmem>>
      tpu.enqueue_dma source(%dma_start3A_297 : memref<32x128xf32, #tpu.memory_space<vmem>>) target(%dma_start3A_293 : memref<32x128xf32, #tpu.memory_space<vmem_shared>>) target_semaphore(%run_scoped3A_285 : memref<!tpu.dma_semaphore, #tpu.memory_space<semaphore_mem>>)
      %dma_wait3A_298 = arith.constant 0 : i32
      %dma_wait3A_299 = arith.constant 0 : i32
      %dma_wait3A_300 = tpu.memref_slice %arg12[%run_scoped3A, %dma_wait3A_298, %dma_wait3A_299] : memref<2x32x128xf32, #tpu.memory_space<vmem>> -> memref<1x32x128xf32, #tpu.memory_space<vmem>>
      %dma_wait3A_301 = tpu.memref_squeeze %dma_wait3A_300 : memref<1x32x128xf32, #tpu.memory_space<vmem>> -> memref<32x128xf32, #tpu.memory_space<vmem>>
      %dma_wait3A_302 = arith.constant 0 : i32
      %dma_wait3A_303 = tpu.memref_slice %arg16[%add3A_9, %dma_wait3A_302] : memref<10112x128xf32, #tpu.memory_space<vmem_shared>> -> memref<32x128xf32, #tpu.memory_space<vmem_shared>>
      %dma_wait3A_304 = arith.constant 0 : i32
      %dma_wait3A_305 = tpu.memref_slice %arg16[%add3A_9, %dma_wait3A_304] : memref<10112x128xf32, #tpu.memory_space<vmem_shared>> -> memref<32x128xf32, #tpu.memory_space<vmem_shared>>
      %dma_wait3A_306 = arith.constant 0 : i32
      %dma_wait3A_307 = arith.constant 0 : i32
      %dma_wait3A_308 = tpu.memref_slice %arg12[%run_scoped3A, %dma_wait3A_306, %dma_wait3A_307] : memref<2x32x128xf32, #tpu.memory_space<vmem>> -> memref<1x32x128xf32, #tpu.memory_space<vmem>>
      %dma_wait3A_309 = tpu.memref_squeeze %dma_wait3A_308 : memref<1x32x128xf32, #tpu.memory_space<vmem>> -> memref<32x128xf32, #tpu.memory_space<vmem>>
      tpu.wait_dma2 semaphore(%run_scoped3A_285 : memref<!tpu.dma_semaphore, #tpu.memory_space<semaphore_mem>>) src(%dma_wait3A_309 : memref<32x128xf32, #tpu.memory_space<vmem>>) dst(%dma_wait3A_305 : memref<32x128xf32, #tpu.memory_space<vmem_shared>>)
      tpu.yield
    }) : () -> ()
    %mul3A_10 = arith.constant 632 : i32
    %mul3A_11 = arith.muli %arg1, %mul3A_10 : i32
    %add3A_12 = arith.constant 32 : i32
    %add3A_13 = arith.addi %mul3A_11, %add3A_12 : i32
    %run_scoped3A_14 = arith.constant 0 : i32
    "tpu.region"() ({
      %run_scoped3A_285 = tpu.sem_alloc : memref<!tpu.dma_semaphore, #tpu.memory_space<semaphore_mem>>
      %dma_start3A_286 = arith.constant 0 : i32
      %dma_start3A_287 = arith.constant 0 : i32
      %dma_start3A_288 = tpu.memref_slice %arg12[%run_scoped3A_14, %dma_start3A_286, %dma_start3A_287] : memref<2x32x128xf32, #tpu.memory_space<vmem>> -> memref<1x32x128xf32, #tpu.memory_space<vmem>>
      %dma_start3A_289 = tpu.memref_squeeze %dma_start3A_288 : memref<1x32x128xf32, #tpu.memory_space<vmem>> -> memref<32x128xf32, #tpu.memory_space<vmem>>
      %dma_start3A_290 = arith.constant 0 : i32
      %dma_start3A_291 = tpu.memref_slice %arg16[%add3A_13, %dma_start3A_290] : memref<10112x128xf32, #tpu.memory_space<vmem_shared>> -> memref<32x128xf32, #tpu.memory_space<vmem_shared>>
      %dma_start3A_292 = arith.constant 0 : i32
      %dma_start3A_293 = tpu.memref_slice %arg16[%add3A_13, %dma_start3A_292] : memref<10112x128xf32, #tpu.memory_space<vmem_shared>> -> memref<32x128xf32, #tpu.memory_space<vmem_shared>>
      %dma_start3A_294 = arith.constant 0 : i32
      %dma_start3A_295 = arith.constant 0 : i32
      %dma_start3A_296 = tpu.memref_slice %arg12[%run_scoped3A_14, %dma_start3A_294, %dma_start3A_295] : memref<2x32x128xf32, #tpu.memory_space<vmem>> -> memref<1x32x128xf32, #tpu.memory_space<vmem>>
      %dma_start3A_297 = tpu.memref_squeeze %dma_start3A_296 : memref<1x32x128xf32, #tpu.memory_space<vmem>> -> memref<32x128xf32, #tpu.memory_space<vmem>>
      tpu.enqueue_dma source(%dma_start3A_297 : memref<32x128xf32, #tpu.memory_space<vmem>>) target(%dma_start3A_293 : memref<32x128xf32, #tpu.memory_space<vmem_shared>>) target_semaphore(%run_scoped3A_285 : memref<!tpu.dma_semaphore, #tpu.memory_space<semaphore_mem>>)
      %dma_wait3A_298 = arith.constant 0 : i32
      %dma_wait3A_299 = arith.constant 0 : i32
      %dma_wait3A_300 = tpu.memref_slice %arg12[%run_scoped3A_14, %dma_wait3A_298, %dma_wait3A_299] : memref<2x32x128xf32, #tpu.memory_space<vmem>> -> memref<1x32x128xf32, #tpu.memory_space<vmem>>
      %dma_wait3A_301 = tpu.memref_squeeze %dma_wait3A_300 : memref<1x32x128xf32, #tpu.memory_space<vmem>> -> memref<32x128xf32, #tpu.memory_space<vmem>>
      %dma_wait3A_302 = arith.constant 0 : i32
      %dma_wait3A_303 = tpu.memref_slice %arg16[%add3A_13, %dma_wait3A_302] : memref<10112x128xf32, #tpu.memory_space<vmem_shared>> -> memref<32x128xf32, #tpu.memory_space<vmem_shared>>
      %dma_wait3A_304 = arith.constant 0 : i32
      %dma_wait3A_305 = tpu.memref_slice %arg16[%add3A_13, %dma_wait3A_304] : memref<10112x128xf32, #tpu.memory_space<vmem_shared>> -> memref<32x128xf32, #tpu.memory_space<vmem_shared>>
      %dma_wait3A_306 = arith.constant 0 : i32
      %dma_wait3A_307 = arith.constant 0 : i32
      %dma_wait3A_308 = tpu.memref_slice %arg12[%run_scoped3A_14, %dma_wait3A_306, %dma_wait3A_307] : memref<2x32x128xf32, #tpu.memory_space<vmem>> -> memref<1x32x128xf32, #tpu.memory_space<vmem>>
      %dma_wait3A_309 = tpu.memref_squeeze %dma_wait3A_308 : memref<1x32x128xf32, #tpu.memory_space<vmem>> -> memref<32x128xf32, #tpu.memory_space<vmem>>
      tpu.wait_dma2 semaphore(%run_scoped3A_285 : memref<!tpu.dma_semaphore, #tpu.memory_space<semaphore_mem>>) src(%dma_wait3A_309 : memref<32x128xf32, #tpu.memory_space<vmem>>) dst(%dma_wait3A_305 : memref<32x128xf32, #tpu.memory_space<vmem_shared>>)
      tpu.yield
    }) : () -> ()
    %mul3A_15 = arith.constant 632 : i32
    %mul3A_16 = arith.muli %arg1, %mul3A_15 : i32
    %add3A_17 = arith.constant 64 : i32
    %add3A_18 = arith.addi %mul3A_16, %add3A_17 : i32
    %run_scoped3A_19 = arith.constant 0 : i32
    "tpu.region"() ({
      %run_scoped3A_285 = tpu.sem_alloc : memref<!tpu.dma_semaphore, #tpu.memory_space<semaphore_mem>>
      %dma_start3A_286 = arith.constant 0 : i32
      %dma_start3A_287 = arith.constant 0 : i32
      %dma_start3A_288 = tpu.memref_slice %arg12[%run_scoped3A_19, %dma_start3A_286, %dma_start3A_287] : memref<2x32x128xf32, #tpu.memory_space<vmem>> -> memref<1x32x128xf32, #tpu.memory_space<vmem>>
      %dma_start3A_289 = tpu.memref_squeeze %dma_start3A_288 : memref<1x32x128xf32, #tpu.memory_space<vmem>> -> memref<32x128xf32, #tpu.memory_space<vmem>>
      %dma_start3A_290 = arith.constant 0 : i32
      %dma_start3A_291 = tpu.memref_slice %arg16[%add3A_18, %dma_start3A_290] : memref<10112x128xf32, #tpu.memory_space<vmem_shared>> -> memref<32x128xf32, #tpu.memory_space<vmem_shared>>
      %dma_start3A_292 = arith.constant 0 : i32
      %dma_start3A_293 = tpu.memref_slice %arg16[%add3A_18, %dma_start3A_292] : memref<10112x128xf32, #tpu.memory_space<vmem_shared>> -> memref<32x128xf32, #tpu.memory_space<vmem_shared>>
      %dma_start3A_294 = arith.constant 0 : i32
      %dma_start3A_295 = arith.constant 0 : i32
      %dma_start3A_296 = tpu.memref_slice %arg12[%run_scoped3A_19, %dma_start3A_294, %dma_start3A_295] : memref<2x32x128xf32, #tpu.memory_space<vmem>> -> memref<1x32x128xf32, #tpu.memory_space<vmem>>
      %dma_start3A_297 = tpu.memref_squeeze %dma_start3A_296 : memref<1x32x128xf32, #tpu.memory_space<vmem>> -> memref<32x128xf32, #tpu.memory_space<vmem>>
      tpu.enqueue_dma source(%dma_start3A_297 : memref<32x128xf32, #tpu.memory_space<vmem>>) target(%dma_start3A_293 : memref<32x128xf32, #tpu.memory_space<vmem_shared>>) target_semaphore(%run_scoped3A_285 : memref<!tpu.dma_semaphore, #tpu.memory_space<semaphore_mem>>)
      %dma_wait3A_298 = arith.constant 0 : i32
      %dma_wait3A_299 = arith.constant 0 : i32
      %dma_wait3A_300 = tpu.memref_slice %arg12[%run_scoped3A_19, %dma_wait3A_298, %dma_wait3A_299] : memref<2x32x128xf32, #tpu.memory_space<vmem>> -> memref<1x32x128xf32, #tpu.memory_space<vmem>>
      %dma_wait3A_301 = tpu.memref_squeeze %dma_wait3A_300 : memref<1x32x128xf32, #tpu.memory_space<vmem>> -> memref<32x128xf32, #tpu.memory_space<vmem>>
      %dma_wait3A_302 = arith.constant 0 : i32
      %dma_wait3A_303 = tpu.memref_slice %arg16[%add3A_18, %dma_wait3A_302] : memref<10112x128xf32, #tpu.memory_space<vmem_shared>> -> memref<32x128xf32, #tpu.memory_space<vmem_shared>>
      %dma_wait3A_304 = arith.constant 0 : i32
      %dma_wait3A_305 = tpu.memref_slice %arg16[%add3A_18, %dma_wait3A_304] : memref<10112x128xf32, #tpu.memory_space<vmem_shared>> -> memref<32x128xf32, #tpu.memory_space<vmem_shared>>
      %dma_wait3A_306 = arith.constant 0 : i32
      %dma_wait3A_307 = arith.constant 0 : i32
      %dma_wait3A_308 = tpu.memref_slice %arg12[%run_scoped3A_19, %dma_wait3A_306, %dma_wait3A_307] : memref<2x32x128xf32, #tpu.memory_space<vmem>> -> memref<1x32x128xf32, #tpu.memory_space<vmem>>
      %dma_wait3A_309 = tpu.memref_squeeze %dma_wait3A_308 : memref<1x32x128xf32, #tpu.memory_space<vmem>> -> memref<32x128xf32, #tpu.memory_space<vmem>>
      tpu.wait_dma2 semaphore(%run_scoped3A_285 : memref<!tpu.dma_semaphore, #tpu.memory_space<semaphore_mem>>) src(%dma_wait3A_309 : memref<32x128xf32, #tpu.memory_space<vmem>>) dst(%dma_wait3A_305 : memref<32x128xf32, #tpu.memory_space<vmem_shared>>)
      tpu.yield
    }) : () -> ()
    %mul3A_20 = arith.constant 632 : i32
    %mul3A_21 = arith.muli %arg1, %mul3A_20 : i32
    %add3A_22 = arith.constant 96 : i32
    %add3A_23 = arith.addi %mul3A_21, %add3A_22 : i32
    %run_scoped3A_24 = arith.constant 0 : i32
    "tpu.region"() ({
      %run_scoped3A_285 = tpu.sem_alloc : memref<!tpu.dma_semaphore, #tpu.memory_space<semaphore_mem>>
      %dma_start3A_286 = arith.constant 0 : i32
      %dma_start3A_287 = arith.constant 0 : i32
      %dma_start3A_288 = tpu.memref_slice %arg12[%run_scoped3A_24, %dma_start3A_286, %dma_start3A_287] : memref<2x32x128xf32, #tpu.memory_space<vmem>> -> memref<1x32x128xf32, #tpu.memory_space<vmem>>
      %dma_start3A_289 = tpu.memref_squeeze %dma_start3A_288 : memref<1x32x128xf32, #tpu.memory_space<vmem>> -> memref<32x128xf32, #tpu.memory_space<vmem>>
      %dma_start3A_290 = arith.constant 0 : i32
      %dma_start3A_291 = tpu.memref_slice %arg16[%add3A_23, %dma_start3A_290] : memref<10112x128xf32, #tpu.memory_space<vmem_shared>> -> memref<32x128xf32, #tpu.memory_space<vmem_shared>>
      %dma_start3A_292 = arith.constant 0 : i32
      %dma_start3A_293 = tpu.memref_slice %arg16[%add3A_23, %dma_start3A_292] : memref<10112x128xf32, #tpu.memory_space<vmem_shared>> -> memref<32x128xf32, #tpu.memory_space<vmem_shared>>
      %dma_start3A_294 = arith.constant 0 : i32
      %dma_start3A_295 = arith.constant 0 : i32
      %dma_start3A_296 = tpu.memref_slice %arg12[%run_scoped3A_24, %dma_start3A_294, %dma_start3A_295] : memref<2x32x128xf32, #tpu.memory_space<vmem>> -> memref<1x32x128xf32, #tpu.memory_space<vmem>>
      %dma_start3A_297 = tpu.memref_squeeze %dma_start3A_296 : memref<1x32x128xf32, #tpu.memory_space<vmem>> -> memref<32x128xf32, #tpu.memory_space<vmem>>
      tpu.enqueue_dma source(%dma_start3A_297 : memref<32x128xf32, #tpu.memory_space<vmem>>) target(%dma_start3A_293 : memref<32x128xf32, #tpu.memory_space<vmem_shared>>) target_semaphore(%run_scoped3A_285 : memref<!tpu.dma_semaphore, #tpu.memory_space<semaphore_mem>>)
      %dma_wait3A_298 = arith.constant 0 : i32
      %dma_wait3A_299 = arith.constant 0 : i32
      %dma_wait3A_300 = tpu.memref_slice %arg12[%run_scoped3A_24, %dma_wait3A_298, %dma_wait3A_299] : memref<2x32x128xf32, #tpu.memory_space<vmem>> -> memref<1x32x128xf32, #tpu.memory_space<vmem>>
      %dma_wait3A_301 = tpu.memref_squeeze %dma_wait3A_300 : memref<1x32x128xf32, #tpu.memory_space<vmem>> -> memref<32x128xf32, #tpu.memory_space<vmem>>
      %dma_wait3A_302 = arith.constant 0 : i32
      %dma_wait3A_303 = tpu.memref_slice %arg16[%add3A_23, %dma_wait3A_302] : memref<10112x128xf32, #tpu.memory_space<vmem_shared>> -> memref<32x128xf32, #tpu.memory_space<vmem_shared>>
      %dma_wait3A_304 = arith.constant 0 : i32
      %dma_wait3A_305 = tpu.memref_slice %arg16[%add3A_23, %dma_wait3A_304] : memref<10112x128xf32, #tpu.memory_space<vmem_shared>> -> memref<32x128xf32, #tpu.memory_space<vmem_shared>>
      %dma_wait3A_306 = arith.constant 0 : i32
      %dma_wait3A_307 = arith.constant 0 : i32
      %dma_wait3A_308 = tpu.memref_slice %arg12[%run_scoped3A_24, %dma_wait3A_306, %dma_wait3A_307] : memref<2x32x128xf32, #tpu.memory_space<vmem>> -> memref<1x32x128xf32, #tpu.memory_space<vmem>>
      %dma_wait3A_309 = tpu.memref_squeeze %dma_wait3A_308 : memref<1x32x128xf32, #tpu.memory_space<vmem>> -> memref<32x128xf32, #tpu.memory_space<vmem>>
      tpu.wait_dma2 semaphore(%run_scoped3A_285 : memref<!tpu.dma_semaphore, #tpu.memory_space<semaphore_mem>>) src(%dma_wait3A_309 : memref<32x128xf32, #tpu.memory_space<vmem>>) dst(%dma_wait3A_305 : memref<32x128xf32, #tpu.memory_space<vmem_shared>>)
      tpu.yield
    }) : () -> ()
    %mul3A_25 = arith.constant 632 : i32
    %mul3A_26 = arith.muli %arg1, %mul3A_25 : i32
    %add3A_27 = arith.constant 128 : i32
    %add3A_28 = arith.addi %mul3A_26, %add3A_27 : i32
    %run_scoped3A_29 = arith.constant 0 : i32
    "tpu.region"() ({
      %run_scoped3A_285 = tpu.sem_alloc : memref<!tpu.dma_semaphore, #tpu.memory_space<semaphore_mem>>
      %dma_start3A_286 = arith.constant 0 : i32
      %dma_start3A_287 = arith.constant 0 : i32
      %dma_start3A_288 = tpu.memref_slice %arg12[%run_scoped3A_29, %dma_start3A_286, %dma_start3A_287] : memref<2x32x128xf32, #tpu.memory_space<vmem>> -> memref<1x32x128xf32, #tpu.memory_space<vmem>>
      %dma_start3A_289 = tpu.memref_squeeze %dma_start3A_288 : memref<1x32x128xf32, #tpu.memory_space<vmem>> -> memref<32x128xf32, #tpu.memory_space<vmem>>
      %dma_start3A_290 = arith.constant 0 : i32
      %dma_start3A_291 = tpu.memref_slice %arg16[%add3A_28, %dma_start3A_290] : memref<10112x128xf32, #tpu.memory_space<vmem_shared>> -> memref<32x128xf32, #tpu.memory_space<vmem_shared>>
      %dma_start3A_292 = arith.constant 0 : i32
      %dma_start3A_293 = tpu.memref_slice %arg16[%add3A_28, %dma_start3A_292] : memref<10112x128xf32, #tpu.memory_space<vmem_shared>> -> memref<32x128xf32, #tpu.memory_space<vmem_shared>>
      %dma_start3A_294 = arith.constant 0 : i32
      %dma_start3A_295 = arith.constant 0 : i32
      %dma_start3A_296 = tpu.memref_slice %arg12[%run_scoped3A_29, %dma_start3A_294, %dma_start3A_295] : memref<2x32x128xf32, #tpu.memory_space<vmem>> -> memref<1x32x128xf32, #tpu.memory_space<vmem>>
      %dma_start3A_297 = tpu.memref_squeeze %dma_start3A_296 : memref<1x32x128xf32, #tpu.memory_space<vmem>> -> memref<32x128xf32, #tpu.memory_space<vmem>>
      tpu.enqueue_dma source(%dma_start3A_297 : memref<32x128xf32, #tpu.memory_space<vmem>>) target(%dma_start3A_293 : memref<32x128xf32, #tpu.memory_space<vmem_shared>>) target_semaphore(%run_scoped3A_285 : memref<!tpu.dma_semaphore, #tpu.memory_space<semaphore_mem>>)
      %dma_wait3A_298 = arith.constant 0 : i32
      %dma_wait3A_299 = arith.constant 0 : i32
      %dma_wait3A_300 = tpu.memref_slice %arg12[%run_scoped3A_29, %dma_wait3A_298, %dma_wait3A_299] : memref<2x32x128xf32, #tpu.memory_space<vmem>> -> memref<1x32x128xf32, #tpu.memory_space<vmem>>
      %dma_wait3A_301 = tpu.memref_squeeze %dma_wait3A_300 : memref<1x32x128xf32, #tpu.memory_space<vmem>> -> memref<32x128xf32, #tpu.memory_space<vmem>>
      %dma_wait3A_302 = arith.constant 0 : i32
      %dma_wait3A_303 = tpu.memref_slice %arg16[%add3A_28, %dma_wait3A_302] : memref<10112x128xf32, #tpu.memory_space<vmem_shared>> -> memref<32x128xf32, #tpu.memory_space<vmem_shared>>
      %dma_wait3A_304 = arith.constant 0 : i32
      %dma_wait3A_305 = tpu.memref_slice %arg16[%add3A_28, %dma_wait3A_304] : memref<10112x128xf32, #tpu.memory_space<vmem_shared>> -> memref<32x128xf32, #tpu.memory_space<vmem_shared>>
      %dma_wait3A_306 = arith.constant 0 : i32
      %dma_wait3A_307 = arith.constant 0 : i32
      %dma_wait3A_308 = tpu.memref_slice %arg12[%run_scoped3A_29, %dma_wait3A_306, %dma_wait3A_307] : memref<2x32x128xf32, #tpu.memory_space<vmem>> -> memref<1x32x128xf32, #tpu.memory_space<vmem>>
      %dma_wait3A_309 = tpu.memref_squeeze %dma_wait3A_308 : memref<1x32x128xf32, #tpu.memory_space<vmem>> -> memref<32x128xf32, #tpu.memory_space<vmem>>
      tpu.wait_dma2 semaphore(%run_scoped3A_285 : memref<!tpu.dma_semaphore, #tpu.memory_space<semaphore_mem>>) src(%dma_wait3A_309 : memref<32x128xf32, #tpu.memory_space<vmem>>) dst(%dma_wait3A_305 : memref<32x128xf32, #tpu.memory_space<vmem_shared>>)
      tpu.yield
    }) : () -> ()
    %mul3A_30 = arith.constant 632 : i32
    %mul3A_31 = arith.muli %arg1, %mul3A_30 : i32
    %add3A_32 = arith.constant 160 : i32
    %add3A_33 = arith.addi %mul3A_31, %add3A_32 : i32
    %run_scoped3A_34 = arith.constant 0 : i32
    "tpu.region"() ({
      %run_scoped3A_285 = tpu.sem_alloc : memref<!tpu.dma_semaphore, #tpu.memory_space<semaphore_mem>>
      %dma_start3A_286 = arith.constant 0 : i32
      %dma_start3A_287 = arith.constant 0 : i32
      %dma_start3A_288 = tpu.memref_slice %arg12[%run_scoped3A_34, %dma_start3A_286, %dma_start3A_287] : memref<2x32x128xf32, #tpu.memory_space<vmem>> -> memref<1x32x128xf32, #tpu.memory_space<vmem>>
      %dma_start3A_289 = tpu.memref_squeeze %dma_start3A_288 : memref<1x32x128xf32, #tpu.memory_space<vmem>> -> memref<32x128xf32, #tpu.memory_space<vmem>>
      %dma_start3A_290 = arith.constant 0 : i32
      %dma_start3A_291 = tpu.memref_slice %arg16[%add3A_33, %dma_start3A_290] : memref<10112x128xf32, #tpu.memory_space<vmem_shared>> -> memref<32x128xf32, #tpu.memory_space<vmem_shared>>
      %dma_start3A_292 = arith.constant 0 : i32
      %dma_start3A_293 = tpu.memref_slice %arg16[%add3A_33, %dma_start3A_292] : memref<10112x128xf32, #tpu.memory_space<vmem_shared>> -> memref<32x128xf32, #tpu.memory_space<vmem_shared>>
      %dma_start3A_294 = arith.constant 0 : i32
      %dma_start3A_295 = arith.constant 0 : i32
      %dma_start3A_296 = tpu.memref_slice %arg12[%run_scoped3A_34, %dma_start3A_294, %dma_start3A_295] : memref<2x32x128xf32, #tpu.memory_space<vmem>> -> memref<1x32x128xf32, #tpu.memory_space<vmem>>
      %dma_start3A_297 = tpu.memref_squeeze %dma_start3A_296 : memref<1x32x128xf32, #tpu.memory_space<vmem>> -> memref<32x128xf32, #tpu.memory_space<vmem>>
      tpu.enqueue_dma source(%dma_start3A_297 : memref<32x128xf32, #tpu.memory_space<vmem>>) target(%dma_start3A_293 : memref<32x128xf32, #tpu.memory_space<vmem_shared>>) target_semaphore(%run_scoped3A_285 : memref<!tpu.dma_semaphore, #tpu.memory_space<semaphore_mem>>)
      %dma_wait3A_298 = arith.constant 0 : i32
      %dma_wait3A_299 = arith.constant 0 : i32
      %dma_wait3A_300 = tpu.memref_slice %arg12[%run_scoped3A_34, %dma_wait3A_298, %dma_wait3A_299] : memref<2x32x128xf32, #tpu.memory_space<vmem>> -> memref<1x32x128xf32, #tpu.memory_space<vmem>>
      %dma_wait3A_301 = tpu.memref_squeeze %dma_wait3A_300 : memref<1x32x128xf32, #tpu.memory_space<vmem>> -> memref<32x128xf32, #tpu.memory_space<vmem>>
      %dma_wait3A_302 = arith.constant 0 : i32
      %dma_wait3A_303 = tpu.memref_slice %arg16[%add3A_33, %dma_wait3A_302] : memref<10112x128xf32, #tpu.memory_space<vmem_shared>> -> memref<32x128xf32, #tpu.memory_space<vmem_shared>>
      %dma_wait3A_304 = arith.constant 0 : i32
      %dma_wait3A_305 = tpu.memref_slice %arg16[%add3A_33, %dma_wait3A_304] : memref<10112x128xf32, #tpu.memory_space<vmem_shared>> -> memref<32x128xf32, #tpu.memory_space<vmem_shared>>
      %dma_wait3A_306 = arith.constant 0 : i32
      %dma_wait3A_307 = arith.constant 0 : i32
      %dma_wait3A_308 = tpu.memref_slice %arg12[%run_scoped3A_34, %dma_wait3A_306, %dma_wait3A_307] : memref<2x32x128xf32, #tpu.memory_space<vmem>> -> memref<1x32x128xf32, #tpu.memory_space<vmem>>
      %dma_wait3A_309 = tpu.memref_squeeze %dma_wait3A_308 : memref<1x32x128xf32, #tpu.memory_space<vmem>> -> memref<32x128xf32, #tpu.memory_space<vmem>>
      tpu.wait_dma2 semaphore(%run_scoped3A_285 : memref<!tpu.dma_semaphore, #tpu.memory_space<semaphore_mem>>) src(%dma_wait3A_309 : memref<32x128xf32, #tpu.memory_space<vmem>>) dst(%dma_wait3A_305 : memref<32x128xf32, #tpu.memory_space<vmem_shared>>)
      tpu.yield
    }) : () -> ()
    %mul3A_35 = arith.constant 632 : i32
    %mul3A_36 = arith.muli %arg1, %mul3A_35 : i32
    %add3A_37 = arith.constant 192 : i32
    %add3A_38 = arith.addi %mul3A_36, %add3A_37 : i32
    %run_scoped3A_39 = arith.constant 0 : i32
    "tpu.region"() ({
      %run_scoped3A_285 = tpu.sem_alloc : memref<!tpu.dma_semaphore, #tpu.memory_space<semaphore_mem>>
      %dma_start3A_286 = arith.constant 0 : i32
      %dma_start3A_287 = arith.constant 0 : i32
      %dma_start3A_288 = tpu.memref_slice %arg12[%run_scoped3A_39, %dma_start3A_286, %dma_start3A_287] : memref<2x32x128xf32, #tpu.memory_space<vmem>> -> memref<1x32x128xf32, #tpu.memory_space<vmem>>
      %dma_start3A_289 = tpu.memref_squeeze %dma_start3A_288 : memref<1x32x128xf32, #tpu.memory_space<vmem>> -> memref<32x128xf32, #tpu.memory_space<vmem>>
      %dma_start3A_290 = arith.constant 0 : i32
      %dma_start3A_291 = tpu.memref_slice %arg16[%add3A_38, %dma_start3A_290] : memref<10112x128xf32, #tpu.memory_space<vmem_shared>> -> memref<32x128xf32, #tpu.memory_space<vmem_shared>>
      %dma_start3A_292 = arith.constant 0 : i32
      %dma_start3A_293 = tpu.memref_slice %arg16[%add3A_38, %dma_start3A_292] : memref<10112x128xf32, #tpu.memory_space<vmem_shared>> -> memref<32x128xf32, #tpu.memory_space<vmem_shared>>
      %dma_start3A_294 = arith.constant 0 : i32
      %dma_start3A_295 = arith.constant 0 : i32
      %dma_start3A_296 = tpu.memref_slice %arg12[%run_scoped3A_39, %dma_start3A_294, %dma_start3A_295] : memref<2x32x128xf32, #tpu.memory_space<vmem>> -> memref<1x32x128xf32, #tpu.memory_space<vmem>>
      %dma_start3A_297 = tpu.memref_squeeze %dma_start3A_296 : memref<1x32x128xf32, #tpu.memory_space<vmem>> -> memref<32x128xf32, #tpu.memory_space<vmem>>
      tpu.enqueue_dma source(%dma_start3A_297 : memref<32x128xf32, #tpu.memory_space<vmem>>) target(%dma_start3A_293 : memref<32x128xf32, #tpu.memory_space<vmem_shared>>) target_semaphore(%run_scoped3A_285 : memref<!tpu.dma_semaphore, #tpu.memory_space<semaphore_mem>>)
      %dma_wait3A_298 = arith.constant 0 : i32
      %dma_wait3A_299 = arith.constant 0 : i32
      %dma_wait3A_300 = tpu.memref_slice %arg12[%run_scoped3A_39, %dma_wait3A_298, %dma_wait3A_299] : memref<2x32x128xf32, #tpu.memory_space<vmem>> -> memref<1x32x128xf32, #tpu.memory_space<vmem>>
      %dma_wait3A_301 = tpu.memref_squeeze %dma_wait3A_300 : memref<1x32x128xf32, #tpu.memory_space<vmem>> -> memref<32x128xf32, #tpu.memory_space<vmem>>
      %dma_wait3A_302 = arith.constant 0 : i32
      %dma_wait3A_303 = tpu.memref_slice %arg16[%add3A_38, %dma_wait3A_302] : memref<10112x128xf32, #tpu.memory_space<vmem_shared>> -> memref<32x128xf32, #tpu.memory_space<vmem_shared>>
      %dma_wait3A_304 = arith.constant 0 : i32
      %dma_wait3A_305 = tpu.memref_slice %arg16[%add3A_38, %dma_wait3A_304] : memref<10112x128xf32, #tpu.memory_space<vmem_shared>> -> memref<32x128xf32, #tpu.memory_space<vmem_shared>>
      %dma_wait3A_306 = arith.constant 0 : i32
      %dma_wait3A_307 = arith.constant 0 : i32
      %dma_wait3A_308 = tpu.memref_slice %arg12[%run_scoped3A_39, %dma_wait3A_306, %dma_wait3A_307] : memref<2x32x128xf32, #tpu.memory_space<vmem>> -> memref<1x32x128xf32, #tpu.memory_space<vmem>>
      %dma_wait3A_309 = tpu.memref_squeeze %dma_wait3A_308 : memref<1x32x128xf32, #tpu.memory_space<vmem>> -> memref<32x128xf32, #tpu.memory_space<vmem>>
      tpu.wait_dma2 semaphore(%run_scoped3A_285 : memref<!tpu.dma_semaphore, #tpu.memory_space<semaphore_mem>>) src(%dma_wait3A_309 : memref<32x128xf32, #tpu.memory_space<vmem>>) dst(%dma_wait3A_305 : memref<32x128xf32, #tpu.memory_space<vmem_shared>>)
      tpu.yield
    }) : () -> ()
    %mul3A_40 = arith.constant 632 : i32
    %mul3A_41 = arith.muli %arg1, %mul3A_40 : i32
    %add3A_42 = arith.constant 224 : i32
    %add3A_43 = arith.addi %mul3A_41, %add3A_42 : i32
    %run_scoped3A_44 = arith.constant 0 : i32
    "tpu.region"() ({
      %run_scoped3A_285 = tpu.sem_alloc : memref<!tpu.dma_semaphore, #tpu.memory_space<semaphore_mem>>
      %dma_start3A_286 = arith.constant 0 : i32
      %dma_start3A_287 = arith.constant 0 : i32
      %dma_start3A_288 = tpu.memref_slice %arg12[%run_scoped3A_44, %dma_start3A_286, %dma_start3A_287] : memref<2x32x128xf32, #tpu.memory_space<vmem>> -> memref<1x32x128xf32, #tpu.memory_space<vmem>>
      %dma_start3A_289 = tpu.memref_squeeze %dma_start3A_288 : memref<1x32x128xf32, #tpu.memory_space<vmem>> -> memref<32x128xf32, #tpu.memory_space<vmem>>
      %dma_start3A_290 = arith.constant 0 : i32
      %dma_start3A_291 = tpu.memref_slice %arg16[%add3A_43, %dma_start3A_290] : memref<10112x128xf32, #tpu.memory_space<vmem_shared>> -> memref<32x128xf32, #tpu.memory_space<vmem_shared>>
      %dma_start3A_292 = arith.constant 0 : i32
      %dma_start3A_293 = tpu.memref_slice %arg16[%add3A_43, %dma_start3A_292] : memref<10112x128xf32, #tpu.memory_space<vmem_shared>> -> memref<32x128xf32, #tpu.memory_space<vmem_shared>>
      %dma_start3A_294 = arith.constant 0 : i32
      %dma_start3A_295 = arith.constant 0 : i32
      %dma_start3A_296 = tpu.memref_slice %arg12[%run_scoped3A_44, %dma_start3A_294, %dma_start3A_295] : memref<2x32x128xf32, #tpu.memory_space<vmem>> -> memref<1x32x128xf32, #tpu.memory_space<vmem>>
      %dma_start3A_297 = tpu.memref_squeeze %dma_start3A_296 : memref<1x32x128xf32, #tpu.memory_space<vmem>> -> memref<32x128xf32, #tpu.memory_space<vmem>>
      tpu.enqueue_dma source(%dma_start3A_297 : memref<32x128xf32, #tpu.memory_space<vmem>>) target(%dma_start3A_293 : memref<32x128xf32, #tpu.memory_space<vmem_shared>>) target_semaphore(%run_scoped3A_285 : memref<!tpu.dma_semaphore, #tpu.memory_space<semaphore_mem>>)
      %dma_wait3A_298 = arith.constant 0 : i32
      %dma_wait3A_299 = arith.constant 0 : i32
      %dma_wait3A_300 = tpu.memref_slice %arg12[%run_scoped3A_44, %dma_wait3A_298, %dma_wait3A_299] : memref<2x32x128xf32, #tpu.memory_space<vmem>> -> memref<1x32x128xf32, #tpu.memory_space<vmem>>
      %dma_wait3A_301 = tpu.memref_squeeze %dma_wait3A_300 : memref<1x32x128xf32, #tpu.memory_space<vmem>> -> memref<32x128xf32, #tpu.memory_space<vmem>>
      %dma_wait3A_302 = arith.constant 0 : i32
      %dma_wait3A_303 = tpu.memref_slice %arg16[%add3A_43, %dma_wait3A_302] : memref<10112x128xf32, #tpu.memory_space<vmem_shared>> -> memref<32x128xf32, #tpu.memory_space<vmem_shared>>
      %dma_wait3A_304 = arith.constant 0 : i32
      %dma_wait3A_305 = tpu.memref_slice %arg16[%add3A_43, %dma_wait3A_304] : memref<10112x128xf32, #tpu.memory_space<vmem_shared>> -> memref<32x128xf32, #tpu.memory_space<vmem_shared>>
      %dma_wait3A_306 = arith.constant 0 : i32
      %dma_wait3A_307 = arith.constant 0 : i32
      %dma_wait3A_308 = tpu.memref_slice %arg12[%run_scoped3A_44, %dma_wait3A_306, %dma_wait3A_307] : memref<2x32x128xf32, #tpu.memory_space<vmem>> -> memref<1x32x128xf32, #tpu.memory_space<vmem>>
      %dma_wait3A_309 = tpu.memref_squeeze %dma_wait3A_308 : memref<1x32x128xf32, #tpu.memory_space<vmem>> -> memref<32x128xf32, #tpu.memory_space<vmem>>
      tpu.wait_dma2 semaphore(%run_scoped3A_285 : memref<!tpu.dma_semaphore, #tpu.memory_space<semaphore_mem>>) src(%dma_wait3A_309 : memref<32x128xf32, #tpu.memory_space<vmem>>) dst(%dma_wait3A_305 : memref<32x128xf32, #tpu.memory_space<vmem_shared>>)
      tpu.yield
    }) : () -> ()
    %mul3A_45 = arith.constant 632 : i32
    %mul3A_46 = arith.muli %arg1, %mul3A_45 : i32
    %add3A_47 = arith.constant 256 : i32
    %add3A_48 = arith.addi %mul3A_46, %add3A_47 : i32
    %run_scoped3A_49 = arith.constant 0 : i32
    "tpu.region"() ({
      %run_scoped3A_285 = tpu.sem_alloc : memref<!tpu.dma_semaphore, #tpu.memory_space<semaphore_mem>>
      %dma_start3A_286 = arith.constant 0 : i32
      %dma_start3A_287 = arith.constant 0 : i32
      %dma_start3A_288 = tpu.memref_slice %arg12[%run_scoped3A_49, %dma_start3A_286, %dma_start3A_287] : memref<2x32x128xf32, #tpu.memory_space<vmem>> -> memref<1x32x128xf32, #tpu.memory_space<vmem>>
      %dma_start3A_289 = tpu.memref_squeeze %dma_start3A_288 : memref<1x32x128xf32, #tpu.memory_space<vmem>> -> memref<32x128xf32, #tpu.memory_space<vmem>>
      %dma_start3A_290 = arith.constant 0 : i32
      %dma_start3A_291 = tpu.memref_slice %arg16[%add3A_48, %dma_start3A_290] : memref<10112x128xf32, #tpu.memory_space<vmem_shared>> -> memref<32x128xf32, #tpu.memory_space<vmem_shared>>
      %dma_start3A_292 = arith.constant 0 : i32
      %dma_start3A_293 = tpu.memref_slice %arg16[%add3A_48, %dma_start3A_292] : memref<10112x128xf32, #tpu.memory_space<vmem_shared>> -> memref<32x128xf32, #tpu.memory_space<vmem_shared>>
      %dma_start3A_294 = arith.constant 0 : i32
      %dma_start3A_295 = arith.constant 0 : i32
      %dma_start3A_296 = tpu.memref_slice %arg12[%run_scoped3A_49, %dma_start3A_294, %dma_start3A_295] : memref<2x32x128xf32, #tpu.memory_space<vmem>> -> memref<1x32x128xf32, #tpu.memory_space<vmem>>
      %dma_start3A_297 = tpu.memref_squeeze %dma_start3A_296 : memref<1x32x128xf32, #tpu.memory_space<vmem>> -> memref<32x128xf32, #tpu.memory_space<vmem>>
      tpu.enqueue_dma source(%dma_start3A_297 : memref<32x128xf32, #tpu.memory_space<vmem>>) target(%dma_start3A_293 : memref<32x128xf32, #tpu.memory_space<vmem_shared>>) target_semaphore(%run_scoped3A_285 : memref<!tpu.dma_semaphore, #tpu.memory_space<semaphore_mem>>)
      %dma_wait3A_298 = arith.constant 0 : i32
      %dma_wait3A_299 = arith.constant 0 : i32
      %dma_wait3A_300 = tpu.memref_slice %arg12[%run_scoped3A_49, %dma_wait3A_298, %dma_wait3A_299] : memref<2x32x128xf32, #tpu.memory_space<vmem>> -> memref<1x32x128xf32, #tpu.memory_space<vmem>>
      %dma_wait3A_301 = tpu.memref_squeeze %dma_wait3A_300 : memref<1x32x128xf32, #tpu.memory_space<vmem>> -> memref<32x128xf32, #tpu.memory_space<vmem>>
      %dma_wait3A_302 = arith.constant 0 : i32
      %dma_wait3A_303 = tpu.memref_slice %arg16[%add3A_48, %dma_wait3A_302] : memref<10112x128xf32, #tpu.memory_space<vmem_shared>> -> memref<32x128xf32, #tpu.memory_space<vmem_shared>>
      %dma_wait3A_304 = arith.constant 0 : i32
      %dma_wait3A_305 = tpu.memref_slice %arg16[%add3A_48, %dma_wait3A_304] : memref<10112x128xf32, #tpu.memory_space<vmem_shared>> -> memref<32x128xf32, #tpu.memory_space<vmem_shared>>
      %dma_wait3A_306 = arith.constant 0 : i32
      %dma_wait3A_307 = arith.constant 0 : i32
      %dma_wait3A_308 = tpu.memref_slice %arg12[%run_scoped3A_49, %dma_wait3A_306, %dma_wait3A_307] : memref<2x32x128xf32, #tpu.memory_space<vmem>> -> memref<1x32x128xf32, #tpu.memory_space<vmem>>
      %dma_wait3A_309 = tpu.memref_squeeze %dma_wait3A_308 : memref<1x32x128xf32, #tpu.memory_space<vmem>> -> memref<32x128xf32, #tpu.memory_space<vmem>>
      tpu.wait_dma2 semaphore(%run_scoped3A_285 : memref<!tpu.dma_semaphore, #tpu.memory_space<semaphore_mem>>) src(%dma_wait3A_309 : memref<32x128xf32, #tpu.memory_space<vmem>>) dst(%dma_wait3A_305 : memref<32x128xf32, #tpu.memory_space<vmem_shared>>)
      tpu.yield
    }) : () -> ()
    %mul3A_50 = arith.constant 632 : i32
    %mul3A_51 = arith.muli %arg1, %mul3A_50 : i32
    %add3A_52 = arith.constant 288 : i32
    %add3A_53 = arith.addi %mul3A_51, %add3A_52 : i32
    %run_scoped3A_54 = arith.constant 0 : i32
    "tpu.region"() ({
      %run_scoped3A_285 = tpu.sem_alloc : memref<!tpu.dma_semaphore, #tpu.memory_space<semaphore_mem>>
      %dma_start3A_286 = arith.constant 0 : i32
      %dma_start3A_287 = arith.constant 0 : i32
      %dma_start3A_288 = tpu.memref_slice %arg12[%run_scoped3A_54, %dma_start3A_286, %dma_start3A_287] : memref<2x32x128xf32, #tpu.memory_space<vmem>> -> memref<1x32x128xf32, #tpu.memory_space<vmem>>
      %dma_start3A_289 = tpu.memref_squeeze %dma_start3A_288 : memref<1x32x128xf32, #tpu.memory_space<vmem>> -> memref<32x128xf32, #tpu.memory_space<vmem>>
      %dma_start3A_290 = arith.constant 0 : i32
      %dma_start3A_291 = tpu.memref_slice %arg16[%add3A_53, %dma_start3A_290] : memref<10112x128xf32, #tpu.memory_space<vmem_shared>> -> memref<32x128xf32, #tpu.memory_space<vmem_shared>>
      %dma_start3A_292 = arith.constant 0 : i32
      %dma_start3A_293 = tpu.memref_slice %arg16[%add3A_53, %dma_start3A_292] : memref<10112x128xf32, #tpu.memory_space<vmem_shared>> -> memref<32x128xf32, #tpu.memory_space<vmem_shared>>
      %dma_start3A_294 = arith.constant 0 : i32
      %dma_start3A_295 = arith.constant 0 : i32
      %dma_start3A_296 = tpu.memref_slice %arg12[%run_scoped3A_54, %dma_start3A_294, %dma_start3A_295] : memref<2x32x128xf32, #tpu.memory_space<vmem>> -> memref<1x32x128xf32, #tpu.memory_space<vmem>>
      %dma_start3A_297 = tpu.memref_squeeze %dma_start3A_296 : memref<1x32x128xf32, #tpu.memory_space<vmem>> -> memref<32x128xf32, #tpu.memory_space<vmem>>
      tpu.enqueue_dma source(%dma_start3A_297 : memref<32x128xf32, #tpu.memory_space<vmem>>) target(%dma_start3A_293 : memref<32x128xf32, #tpu.memory_space<vmem_shared>>) target_semaphore(%run_scoped3A_285 : memref<!tpu.dma_semaphore, #tpu.memory_space<semaphore_mem>>)
      %dma_wait3A_298 = arith.constant 0 : i32
      %dma_wait3A_299 = arith.constant 0 : i32
      %dma_wait3A_300 = tpu.memref_slice %arg12[%run_scoped3A_54, %dma_wait3A_298, %dma_wait3A_299] : memref<2x32x128xf32, #tpu.memory_space<vmem>> -> memref<1x32x128xf32, #tpu.memory_space<vmem>>
      %dma_wait3A_301 = tpu.memref_squeeze %dma_wait3A_300 : memref<1x32x128xf32, #tpu.memory_space<vmem>> -> memref<32x128xf32, #tpu.memory_space<vmem>>
      %dma_wait3A_302 = arith.constant 0 : i32
      %dma_wait3A_303 = tpu.memref_slice %arg16[%add3A_53, %dma_wait3A_302] : memref<10112x128xf32, #tpu.memory_space<vmem_shared>> -> memref<32x128xf32, #tpu.memory_space<vmem_shared>>
      %dma_wait3A_304 = arith.constant 0 : i32
      %dma_wait3A_305 = tpu.memref_slice %arg16[%add3A_53, %dma_wait3A_304] : memref<10112x128xf32, #tpu.memory_space<vmem_shared>> -> memref<32x128xf32, #tpu.memory_space<vmem_shared>>
      %dma_wait3A_306 = arith.constant 0 : i32
      %dma_wait3A_307 = arith.constant 0 : i32
      %dma_wait3A_308 = tpu.memref_slice %arg12[%run_scoped3A_54, %dma_wait3A_306, %dma_wait3A_307] : memref<2x32x128xf32, #tpu.memory_space<vmem>> -> memref<1x32x128xf32, #tpu.memory_space<vmem>>
      %dma_wait3A_309 = tpu.memref_squeeze %dma_wait3A_308 : memref<1x32x128xf32, #tpu.memory_space<vmem>> -> memref<32x128xf32, #tpu.memory_space<vmem>>
      tpu.wait_dma2 semaphore(%run_scoped3A_285 : memref<!tpu.dma_semaphore, #tpu.memory_space<semaphore_mem>>) src(%dma_wait3A_309 : memref<32x128xf32, #tpu.memory_space<vmem>>) dst(%dma_wait3A_305 : memref<32x128xf32, #tpu.memory_space<vmem_shared>>)
      tpu.yield
    }) : () -> ()
    %mul3A_55 = arith.constant 632 : i32
    %mul3A_56 = arith.muli %arg1, %mul3A_55 : i32
    %add3A_57 = arith.constant 320 : i32
    %add3A_58 = arith.addi %mul3A_56, %add3A_57 : i32
    %run_scoped3A_59 = arith.constant 0 : i32
    "tpu.region"() ({
      %run_scoped3A_285 = tpu.sem_alloc : memref<!tpu.dma_semaphore, #tpu.memory_space<semaphore_mem>>
      %dma_start3A_286 = arith.constant 0 : i32
      %dma_start3A_287 = arith.constant 0 : i32
      %dma_start3A_288 = tpu.memref_slice %arg12[%run_scoped3A_59, %dma_start3A_286, %dma_start3A_287] : memref<2x32x128xf32, #tpu.memory_space<vmem>> -> memref<1x32x128xf32, #tpu.memory_space<vmem>>
      %dma_start3A_289 = tpu.memref_squeeze %dma_start3A_288 : memref<1x32x128xf32, #tpu.memory_space<vmem>> -> memref<32x128xf32, #tpu.memory_space<vmem>>
      %dma_start3A_290 = arith.constant 0 : i32
      %dma_start3A_291 = tpu.memref_slice %arg16[%add3A_58, %dma_start3A_290] : memref<10112x128xf32, #tpu.memory_space<vmem_shared>> -> memref<32x128xf32, #tpu.memory_space<vmem_shared>>
      %dma_start3A_292 = arith.constant 0 : i32
      %dma_start3A_293 = tpu.memref_slice %arg16[%add3A_58, %dma_start3A_292] : memref<10112x128xf32, #tpu.memory_space<vmem_shared>> -> memref<32x128xf32, #tpu.memory_space<vmem_shared>>
      %dma_start3A_294 = arith.constant 0 : i32
      %dma_start3A_295 = arith.constant 0 : i32
      %dma_start3A_296 = tpu.memref_slice %arg12[%run_scoped3A_59, %dma_start3A_294, %dma_start3A_295] : memref<2x32x128xf32, #tpu.memory_space<vmem>> -> memref<1x32x128xf32, #tpu.memory_space<vmem>>
      %dma_start3A_297 = tpu.memref_squeeze %dma_start3A_296 : memref<1x32x128xf32, #tpu.memory_space<vmem>> -> memref<32x128xf32, #tpu.memory_space<vmem>>
      tpu.enqueue_dma source(%dma_start3A_297 : memref<32x128xf32, #tpu.memory_space<vmem>>) target(%dma_start3A_293 : memref<32x128xf32, #tpu.memory_space<vmem_shared>>) target_semaphore(%run_scoped3A_285 : memref<!tpu.dma_semaphore, #tpu.memory_space<semaphore_mem>>)
      %dma_wait3A_298 = arith.constant 0 : i32
      %dma_wait3A_299 = arith.constant 0 : i32
      %dma_wait3A_300 = tpu.memref_slice %arg12[%run_scoped3A_59, %dma_wait3A_298, %dma_wait3A_299] : memref<2x32x128xf32, #tpu.memory_space<vmem>> -> memref<1x32x128xf32, #tpu.memory_space<vmem>>
      %dma_wait3A_301 = tpu.memref_squeeze %dma_wait3A_300 : memref<1x32x128xf32, #tpu.memory_space<vmem>> -> memref<32x128xf32, #tpu.memory_space<vmem>>
      %dma_wait3A_302 = arith.constant 0 : i32
      %dma_wait3A_303 = tpu.memref_slice %arg16[%add3A_58, %dma_wait3A_302] : memref<10112x128xf32, #tpu.memory_space<vmem_shared>> -> memref<32x128xf32, #tpu.memory_space<vmem_shared>>
      %dma_wait3A_304 = arith.constant 0 : i32
      %dma_wait3A_305 = tpu.memref_slice %arg16[%add3A_58, %dma_wait3A_304] : memref<10112x128xf32, #tpu.memory_space<vmem_shared>> -> memref<32x128xf32, #tpu.memory_space<vmem_shared>>
      %dma_wait3A_306 = arith.constant 0 : i32
      %dma_wait3A_307 = arith.constant 0 : i32
      %dma_wait3A_308 = tpu.memref_slice %arg12[%run_scoped3A_59, %dma_wait3A_306, %dma_wait3A_307] : memref<2x32x128xf32, #tpu.memory_space<vmem>> -> memref<1x32x128xf32, #tpu.memory_space<vmem>>
      %dma_wait3A_309 = tpu.memref_squeeze %dma_wait3A_308 : memref<1x32x128xf32, #tpu.memory_space<vmem>> -> memref<32x128xf32, #tpu.memory_space<vmem>>
      tpu.wait_dma2 semaphore(%run_scoped3A_285 : memref<!tpu.dma_semaphore, #tpu.memory_space<semaphore_mem>>) src(%dma_wait3A_309 : memref<32x128xf32, #tpu.memory_space<vmem>>) dst(%dma_wait3A_305 : memref<32x128xf32, #tpu.memory_space<vmem_shared>>)
      tpu.yield
    }) : () -> ()
    %mul3A_60 = arith.constant 632 : i32
    %mul3A_61 = arith.muli %arg1, %mul3A_60 : i32
    %add3A_62 = arith.constant 352 : i32
    %add3A_63 = arith.addi %mul3A_61, %add3A_62 : i32
    %run_scoped3A_64 = arith.constant 0 : i32
    "tpu.region"() ({
      %run_scoped3A_285 = tpu.sem_alloc : memref<!tpu.dma_semaphore, #tpu.memory_space<semaphore_mem>>
      %dma_start3A_286 = arith.constant 0 : i32
      %dma_start3A_287 = arith.constant 0 : i32
      %dma_start3A_288 = tpu.memref_slice %arg12[%run_scoped3A_64, %dma_start3A_286, %dma_start3A_287] : memref<2x32x128xf32, #tpu.memory_space<vmem>> -> memref<1x32x128xf32, #tpu.memory_space<vmem>>
      %dma_start3A_289 = tpu.memref_squeeze %dma_start3A_288 : memref<1x32x128xf32, #tpu.memory_space<vmem>> -> memref<32x128xf32, #tpu.memory_space<vmem>>
      %dma_start3A_290 = arith.constant 0 : i32
      %dma_start3A_291 = tpu.memref_slice %arg16[%add3A_63, %dma_start3A_290] : memref<10112x128xf32, #tpu.memory_space<vmem_shared>> -> memref<32x128xf32, #tpu.memory_space<vmem_shared>>
      %dma_start3A_292 = arith.constant 0 : i32
      %dma_start3A_293 = tpu.memref_slice %arg16[%add3A_63, %dma_start3A_292] : memref<10112x128xf32, #tpu.memory_space<vmem_shared>> -> memref<32x128xf32, #tpu.memory_space<vmem_shared>>
      %dma_start3A_294 = arith.constant 0 : i32
      %dma_start3A_295 = arith.constant 0 : i32
      %dma_start3A_296 = tpu.memref_slice %arg12[%run_scoped3A_64, %dma_start3A_294, %dma_start3A_295] : memref<2x32x128xf32, #tpu.memory_space<vmem>> -> memref<1x32x128xf32, #tpu.memory_space<vmem>>
      %dma_start3A_297 = tpu.memref_squeeze %dma_start3A_296 : memref<1x32x128xf32, #tpu.memory_space<vmem>> -> memref<32x128xf32, #tpu.memory_space<vmem>>
      tpu.enqueue_dma source(%dma_start3A_297 : memref<32x128xf32, #tpu.memory_space<vmem>>) target(%dma_start3A_293 : memref<32x128xf32, #tpu.memory_space<vmem_shared>>) target_semaphore(%run_scoped3A_285 : memref<!tpu.dma_semaphore, #tpu.memory_space<semaphore_mem>>)
      %dma_wait3A_298 = arith.constant 0 : i32
      %dma_wait3A_299 = arith.constant 0 : i32
      %dma_wait3A_300 = tpu.memref_slice %arg12[%run_scoped3A_64, %dma_wait3A_298, %dma_wait3A_299] : memref<2x32x128xf32, #tpu.memory_space<vmem>> -> memref<1x32x128xf32, #tpu.memory_space<vmem>>
      %dma_wait3A_301 = tpu.memref_squeeze %dma_wait3A_300 : memref<1x32x128xf32, #tpu.memory_space<vmem>> -> memref<32x128xf32, #tpu.memory_space<vmem>>
      %dma_wait3A_302 = arith.constant 0 : i32
      %dma_wait3A_303 = tpu.memref_slice %arg16[%add3A_63, %dma_wait3A_302] : memref<10112x128xf32, #tpu.memory_space<vmem_shared>> -> memref<32x128xf32, #tpu.memory_space<vmem_shared>>
      %dma_wait3A_304 = arith.constant 0 : i32
      %dma_wait3A_305 = tpu.memref_slice %arg16[%add3A_63, %dma_wait3A_304] : memref<10112x128xf32, #tpu.memory_space<vmem_shared>> -> memref<32x128xf32, #tpu.memory_space<vmem_shared>>
      %dma_wait3A_306 = arith.constant 0 : i32
      %dma_wait3A_307 = arith.constant 0 : i32
      %dma_wait3A_308 = tpu.memref_slice %arg12[%run_scoped3A_64, %dma_wait3A_306, %dma_wait3A_307] : memref<2x32x128xf32, #tpu.memory_space<vmem>> -> memref<1x32x128xf32, #tpu.memory_space<vmem>>
      %dma_wait3A_309 = tpu.memref_squeeze %dma_wait3A_308 : memref<1x32x128xf32, #tpu.memory_space<vmem>> -> memref<32x128xf32, #tpu.memory_space<vmem>>
      tpu.wait_dma2 semaphore(%run_scoped3A_285 : memref<!tpu.dma_semaphore, #tpu.memory_space<semaphore_mem>>) src(%dma_wait3A_309 : memref<32x128xf32, #tpu.memory_space<vmem>>) dst(%dma_wait3A_305 : memref<32x128xf32, #tpu.memory_space<vmem_shared>>)
      tpu.yield
    }) : () -> ()
    %mul3A_65 = arith.constant 632 : i32
    %mul3A_66 = arith.muli %arg1, %mul3A_65 : i32
    %add3A_67 = arith.constant 384 : i32
    %add3A_68 = arith.addi %mul3A_66, %add3A_67 : i32
    %run_scoped3A_69 = arith.constant 0 : i32
    "tpu.region"() ({
      %run_scoped3A_285 = tpu.sem_alloc : memref<!tpu.dma_semaphore, #tpu.memory_space<semaphore_mem>>
      %dma_start3A_286 = arith.constant 0 : i32
      %dma_start3A_287 = arith.constant 0 : i32
      %dma_start3A_288 = tpu.memref_slice %arg12[%run_scoped3A_69, %dma_start3A_286, %dma_start3A_287] : memref<2x32x128xf32, #tpu.memory_space<vmem>> -> memref<1x32x128xf32, #tpu.memory_space<vmem>>
      %dma_start3A_289 = tpu.memref_squeeze %dma_start3A_288 : memref<1x32x128xf32, #tpu.memory_space<vmem>> -> memref<32x128xf32, #tpu.memory_space<vmem>>
      %dma_start3A_290 = arith.constant 0 : i32
      %dma_start3A_291 = tpu.memref_slice %arg16[%add3A_68, %dma_start3A_290] : memref<10112x128xf32, #tpu.memory_space<vmem_shared>> -> memref<32x128xf32, #tpu.memory_space<vmem_shared>>
      %dma_start3A_292 = arith.constant 0 : i32
      %dma_start3A_293 = tpu.memref_slice %arg16[%add3A_68, %dma_start3A_292] : memref<10112x128xf32, #tpu.memory_space<vmem_shared>> -> memref<32x128xf32, #tpu.memory_space<vmem_shared>>
      %dma_start3A_294 = arith.constant 0 : i32
      %dma_start3A_295 = arith.constant 0 : i32
      %dma_start3A_296 = tpu.memref_slice %arg12[%run_scoped3A_69, %dma_start3A_294, %dma_start3A_295] : memref<2x32x128xf32, #tpu.memory_space<vmem>> -> memref<1x32x128xf32, #tpu.memory_space<vmem>>
      %dma_start3A_297 = tpu.memref_squeeze %dma_start3A_296 : memref<1x32x128xf32, #tpu.memory_space<vmem>> -> memref<32x128xf32, #tpu.memory_space<vmem>>
      tpu.enqueue_dma source(%dma_start3A_297 : memref<32x128xf32, #tpu.memory_space<vmem>>) target(%dma_start3A_293 : memref<32x128xf32, #tpu.memory_space<vmem_shared>>) target_semaphore(%run_scoped3A_285 : memref<!tpu.dma_semaphore, #tpu.memory_space<semaphore_mem>>)
      %dma_wait3A_298 = arith.constant 0 : i32
      %dma_wait3A_299 = arith.constant 0 : i32
      %dma_wait3A_300 = tpu.memref_slice %arg12[%run_scoped3A_69, %dma_wait3A_298, %dma_wait3A_299] : memref<2x32x128xf32, #tpu.memory_space<vmem>> -> memref<1x32x128xf32, #tpu.memory_space<vmem>>
      %dma_wait3A_301 = tpu.memref_squeeze %dma_wait3A_300 : memref<1x32x128xf32, #tpu.memory_space<vmem>> -> memref<32x128xf32, #tpu.memory_space<vmem>>
      %dma_wait3A_302 = arith.constant 0 : i32
      %dma_wait3A_303 = tpu.memref_slice %arg16[%add3A_68, %dma_wait3A_302] : memref<10112x128xf32, #tpu.memory_space<vmem_shared>> -> memref<32x128xf32, #tpu.memory_space<vmem_shared>>
      %dma_wait3A_304 = arith.constant 0 : i32
      %dma_wait3A_305 = tpu.memref_slice %arg16[%add3A_68, %dma_wait3A_304] : memref<10112x128xf32, #tpu.memory_space<vmem_shared>> -> memref<32x128xf32, #tpu.memory_space<vmem_shared>>
      %dma_wait3A_306 = arith.constant 0 : i32
      %dma_wait3A_307 = arith.constant 0 : i32
      %dma_wait3A_308 = tpu.memref_slice %arg12[%run_scoped3A_69, %dma_wait3A_306, %dma_wait3A_307] : memref<2x32x128xf32, #tpu.memory_space<vmem>> -> memref<1x32x128xf32, #tpu.memory_space<vmem>>
      %dma_wait3A_309 = tpu.memref_squeeze %dma_wait3A_308 : memref<1x32x128xf32, #tpu.memory_space<vmem>> -> memref<32x128xf32, #tpu.memory_space<vmem>>
      tpu.wait_dma2 semaphore(%run_scoped3A_285 : memref<!tpu.dma_semaphore, #tpu.memory_space<semaphore_mem>>) src(%dma_wait3A_309 : memref<32x128xf32, #tpu.memory_space<vmem>>) dst(%dma_wait3A_305 : memref<32x128xf32, #tpu.memory_space<vmem_shared>>)
      tpu.yield
    }) : () -> ()
    %mul3A_70 = arith.constant 632 : i32
    %mul3A_71 = arith.muli %arg1, %mul3A_70 : i32
    %add3A_72 = arith.constant 416 : i32
    %add3A_73 = arith.addi %mul3A_71, %add3A_72 : i32
    %run_scoped3A_74 = arith.constant 0 : i32
    "tpu.region"() ({
      %run_scoped3A_285 = tpu.sem_alloc : memref<!tpu.dma_semaphore, #tpu.memory_space<semaphore_mem>>
      %dma_start3A_286 = arith.constant 0 : i32
      %dma_start3A_287 = arith.constant 0 : i32
      %dma_start3A_288 = tpu.memref_slice %arg12[%run_scoped3A_74, %dma_start3A_286, %dma_start3A_287] : memref<2x32x128xf32, #tpu.memory_space<vmem>> -> memref<1x32x128xf32, #tpu.memory_space<vmem>>
      %dma_start3A_289 = tpu.memref_squeeze %dma_start3A_288 : memref<1x32x128xf32, #tpu.memory_space<vmem>> -> memref<32x128xf32, #tpu.memory_space<vmem>>
      %dma_start3A_290 = arith.constant 0 : i32
      %dma_start3A_291 = tpu.memref_slice %arg16[%add3A_73, %dma_start3A_290] : memref<10112x128xf32, #tpu.memory_space<vmem_shared>> -> memref<32x128xf32, #tpu.memory_space<vmem_shared>>
      %dma_start3A_292 = arith.constant 0 : i32
      %dma_start3A_293 = tpu.memref_slice %arg16[%add3A_73, %dma_start3A_292] : memref<10112x128xf32, #tpu.memory_space<vmem_shared>> -> memref<32x128xf32, #tpu.memory_space<vmem_shared>>
      %dma_start3A_294 = arith.constant 0 : i32
      %dma_start3A_295 = arith.constant 0 : i32
      %dma_start3A_296 = tpu.memref_slice %arg12[%run_scoped3A_74, %dma_start3A_294, %dma_start3A_295] : memref<2x32x128xf32, #tpu.memory_space<vmem>> -> memref<1x32x128xf32, #tpu.memory_space<vmem>>
      %dma_start3A_297 = tpu.memref_squeeze %dma_start3A_296 : memref<1x32x128xf32, #tpu.memory_space<vmem>> -> memref<32x128xf32, #tpu.memory_space<vmem>>
      tpu.enqueue_dma source(%dma_start3A_297 : memref<32x128xf32, #tpu.memory_space<vmem>>) target(%dma_start3A_293 : memref<32x128xf32, #tpu.memory_space<vmem_shared>>) target_semaphore(%run_scoped3A_285 : memref<!tpu.dma_semaphore, #tpu.memory_space<semaphore_mem>>)
      %dma_wait3A_298 = arith.constant 0 : i32
      %dma_wait3A_299 = arith.constant 0 : i32
      %dma_wait3A_300 = tpu.memref_slice %arg12[%run_scoped3A_74, %dma_wait3A_298, %dma_wait3A_299] : memref<2x32x128xf32, #tpu.memory_space<vmem>> -> memref<1x32x128xf32, #tpu.memory_space<vmem>>
      %dma_wait3A_301 = tpu.memref_squeeze %dma_wait3A_300 : memref<1x32x128xf32, #tpu.memory_space<vmem>> -> memref<32x128xf32, #tpu.memory_space<vmem>>
      %dma_wait3A_302 = arith.constant 0 : i32
      %dma_wait3A_303 = tpu.memref_slice %arg16[%add3A_73, %dma_wait3A_302] : memref<10112x128xf32, #tpu.memory_space<vmem_shared>> -> memref<32x128xf32, #tpu.memory_space<vmem_shared>>
      %dma_wait3A_304 = arith.constant 0 : i32
      %dma_wait3A_305 = tpu.memref_slice %arg16[%add3A_73, %dma_wait3A_304] : memref<10112x128xf32, #tpu.memory_space<vmem_shared>> -> memref<32x128xf32, #tpu.memory_space<vmem_shared>>
      %dma_wait3A_306 = arith.constant 0 : i32
      %dma_wait3A_307 = arith.constant 0 : i32
      %dma_wait3A_308 = tpu.memref_slice %arg12[%run_scoped3A_74, %dma_wait3A_306, %dma_wait3A_307] : memref<2x32x128xf32, #tpu.memory_space<vmem>> -> memref<1x32x128xf32, #tpu.memory_space<vmem>>
      %dma_wait3A_309 = tpu.memref_squeeze %dma_wait3A_308 : memref<1x32x128xf32, #tpu.memory_space<vmem>> -> memref<32x128xf32, #tpu.memory_space<vmem>>
      tpu.wait_dma2 semaphore(%run_scoped3A_285 : memref<!tpu.dma_semaphore, #tpu.memory_space<semaphore_mem>>) src(%dma_wait3A_309 : memref<32x128xf32, #tpu.memory_space<vmem>>) dst(%dma_wait3A_305 : memref<32x128xf32, #tpu.memory_space<vmem_shared>>)
      tpu.yield
    }) : () -> ()
    %mul3A_75 = arith.constant 632 : i32
    %mul3A_76 = arith.muli %arg1, %mul3A_75 : i32
    %add3A_77 = arith.constant 448 : i32
    %add3A_78 = arith.addi %mul3A_76, %add3A_77 : i32
    %run_scoped3A_79 = arith.constant 0 : i32
    "tpu.region"() ({
      %run_scoped3A_285 = tpu.sem_alloc : memref<!tpu.dma_semaphore, #tpu.memory_space<semaphore_mem>>
      %dma_start3A_286 = arith.constant 0 : i32
      %dma_start3A_287 = arith.constant 0 : i32
      %dma_start3A_288 = tpu.memref_slice %arg12[%run_scoped3A_79, %dma_start3A_286, %dma_start3A_287] : memref<2x32x128xf32, #tpu.memory_space<vmem>> -> memref<1x32x128xf32, #tpu.memory_space<vmem>>
      %dma_start3A_289 = tpu.memref_squeeze %dma_start3A_288 : memref<1x32x128xf32, #tpu.memory_space<vmem>> -> memref<32x128xf32, #tpu.memory_space<vmem>>
      %dma_start3A_290 = arith.constant 0 : i32
      %dma_start3A_291 = tpu.memref_slice %arg16[%add3A_78, %dma_start3A_290] : memref<10112x128xf32, #tpu.memory_space<vmem_shared>> -> memref<32x128xf32, #tpu.memory_space<vmem_shared>>
      %dma_start3A_292 = arith.constant 0 : i32
      %dma_start3A_293 = tpu.memref_slice %arg16[%add3A_78, %dma_start3A_292] : memref<10112x128xf32, #tpu.memory_space<vmem_shared>> -> memref<32x128xf32, #tpu.memory_space<vmem_shared>>
      %dma_start3A_294 = arith.constant 0 : i32
      %dma_start3A_295 = arith.constant 0 : i32
      %dma_start3A_296 = tpu.memref_slice %arg12[%run_scoped3A_79, %dma_start3A_294, %dma_start3A_295] : memref<2x32x128xf32, #tpu.memory_space<vmem>> -> memref<1x32x128xf32, #tpu.memory_space<vmem>>
      %dma_start3A_297 = tpu.memref_squeeze %dma_start3A_296 : memref<1x32x128xf32, #tpu.memory_space<vmem>> -> memref<32x128xf32, #tpu.memory_space<vmem>>
      tpu.enqueue_dma source(%dma_start3A_297 : memref<32x128xf32, #tpu.memory_space<vmem>>) target(%dma_start3A_293 : memref<32x128xf32, #tpu.memory_space<vmem_shared>>) target_semaphore(%run_scoped3A_285 : memref<!tpu.dma_semaphore, #tpu.memory_space<semaphore_mem>>)
      %dma_wait3A_298 = arith.constant 0 : i32
      %dma_wait3A_299 = arith.constant 0 : i32
      %dma_wait3A_300 = tpu.memref_slice %arg12[%run_scoped3A_79, %dma_wait3A_298, %dma_wait3A_299] : memref<2x32x128xf32, #tpu.memory_space<vmem>> -> memref<1x32x128xf32, #tpu.memory_space<vmem>>
      %dma_wait3A_301 = tpu.memref_squeeze %dma_wait3A_300 : memref<1x32x128xf32, #tpu.memory_space<vmem>> -> memref<32x128xf32, #tpu.memory_space<vmem>>
      %dma_wait3A_302 = arith.constant 0 : i32
      %dma_wait3A_303 = tpu.memref_slice %arg16[%add3A_78, %dma_wait3A_302] : memref<10112x128xf32, #tpu.memory_space<vmem_shared>> -> memref<32x128xf32, #tpu.memory_space<vmem_shared>>
      %dma_wait3A_304 = arith.constant 0 : i32
      %dma_wait3A_305 = tpu.memref_slice %arg16[%add3A_78, %dma_wait3A_304] : memref<10112x128xf32, #tpu.memory_space<vmem_shared>> -> memref<32x128xf32, #tpu.memory_space<vmem_shared>>
      %dma_wait3A_306 = arith.constant 0 : i32
      %dma_wait3A_307 = arith.constant 0 : i32
      %dma_wait3A_308 = tpu.memref_slice %arg12[%run_scoped3A_79, %dma_wait3A_306, %dma_wait3A_307] : memref<2x32x128xf32, #tpu.memory_space<vmem>> -> memref<1x32x128xf32, #tpu.memory_space<vmem>>
      %dma_wait3A_309 = tpu.memref_squeeze %dma_wait3A_308 : memref<1x32x128xf32, #tpu.memory_space<vmem>> -> memref<32x128xf32, #tpu.memory_space<vmem>>
      tpu.wait_dma2 semaphore(%run_scoped3A_285 : memref<!tpu.dma_semaphore, #tpu.memory_space<semaphore_mem>>) src(%dma_wait3A_309 : memref<32x128xf32, #tpu.memory_space<vmem>>) dst(%dma_wait3A_305 : memref<32x128xf32, #tpu.memory_space<vmem_shared>>)
      tpu.yield
    }) : () -> ()
    %mul3A_80 = arith.constant 632 : i32
    %mul3A_81 = arith.muli %arg1, %mul3A_80 : i32
    %add3A_82 = arith.constant 480 : i32
    %add3A_83 = arith.addi %mul3A_81, %add3A_82 : i32
    %run_scoped3A_84 = arith.constant 0 : i32
    "tpu.region"() ({
      %run_scoped3A_285 = tpu.sem_alloc : memref<!tpu.dma_semaphore, #tpu.memory_space<semaphore_mem>>
      %dma_start3A_286 = arith.constant 0 : i32
      %dma_start3A_287 = arith.constant 0 : i32
      %dma_start3A_288 = tpu.memref_slice %arg12[%run_scoped3A_84, %dma_start3A_286, %dma_start3A_287] : memref<2x32x128xf32, #tpu.memory_space<vmem>> -> memref<1x32x128xf32, #tpu.memory_space<vmem>>
      %dma_start3A_289 = tpu.memref_squeeze %dma_start3A_288 : memref<1x32x128xf32, #tpu.memory_space<vmem>> -> memref<32x128xf32, #tpu.memory_space<vmem>>
      %dma_start3A_290 = arith.constant 0 : i32
      %dma_start3A_291 = tpu.memref_slice %arg16[%add3A_83, %dma_start3A_290] : memref<10112x128xf32, #tpu.memory_space<vmem_shared>> -> memref<32x128xf32, #tpu.memory_space<vmem_shared>>
      %dma_start3A_292 = arith.constant 0 : i32
      %dma_start3A_293 = tpu.memref_slice %arg16[%add3A_83, %dma_start3A_292] : memref<10112x128xf32, #tpu.memory_space<vmem_shared>> -> memref<32x128xf32, #tpu.memory_space<vmem_shared>>
      %dma_start3A_294 = arith.constant 0 : i32
      %dma_start3A_295 = arith.constant 0 : i32
      %dma_start3A_296 = tpu.memref_slice %arg12[%run_scoped3A_84, %dma_start3A_294, %dma_start3A_295] : memref<2x32x128xf32, #tpu.memory_space<vmem>> -> memref<1x32x128xf32, #tpu.memory_space<vmem>>
      %dma_start3A_297 = tpu.memref_squeeze %dma_start3A_296 : memref<1x32x128xf32, #tpu.memory_space<vmem>> -> memref<32x128xf32, #tpu.memory_space<vmem>>
      tpu.enqueue_dma source(%dma_start3A_297 : memref<32x128xf32, #tpu.memory_space<vmem>>) target(%dma_start3A_293 : memref<32x128xf32, #tpu.memory_space<vmem_shared>>) target_semaphore(%run_scoped3A_285 : memref<!tpu.dma_semaphore, #tpu.memory_space<semaphore_mem>>)
      %dma_wait3A_298 = arith.constant 0 : i32
      %dma_wait3A_299 = arith.constant 0 : i32
      %dma_wait3A_300 = tpu.memref_slice %arg12[%run_scoped3A_84, %dma_wait3A_298, %dma_wait3A_299] : memref<2x32x128xf32, #tpu.memory_space<vmem>> -> memref<1x32x128xf32, #tpu.memory_space<vmem>>
      %dma_wait3A_301 = tpu.memref_squeeze %dma_wait3A_300 : memref<1x32x128xf32, #tpu.memory_space<vmem>> -> memref<32x128xf32, #tpu.memory_space<vmem>>
      %dma_wait3A_302 = arith.constant 0 : i32
      %dma_wait3A_303 = tpu.memref_slice %arg16[%add3A_83, %dma_wait3A_302] : memref<10112x128xf32, #tpu.memory_space<vmem_shared>> -> memref<32x128xf32, #tpu.memory_space<vmem_shared>>
      %dma_wait3A_304 = arith.constant 0 : i32
      %dma_wait3A_305 = tpu.memref_slice %arg16[%add3A_83, %dma_wait3A_304] : memref<10112x128xf32, #tpu.memory_space<vmem_shared>> -> memref<32x128xf32, #tpu.memory_space<vmem_shared>>
      %dma_wait3A_306 = arith.constant 0 : i32
      %dma_wait3A_307 = arith.constant 0 : i32
      %dma_wait3A_308 = tpu.memref_slice %arg12[%run_scoped3A_84, %dma_wait3A_306, %dma_wait3A_307] : memref<2x32x128xf32, #tpu.memory_space<vmem>> -> memref<1x32x128xf32, #tpu.memory_space<vmem>>
      %dma_wait3A_309 = tpu.memref_squeeze %dma_wait3A_308 : memref<1x32x128xf32, #tpu.memory_space<vmem>> -> memref<32x128xf32, #tpu.memory_space<vmem>>
      tpu.wait_dma2 semaphore(%run_scoped3A_285 : memref<!tpu.dma_semaphore, #tpu.memory_space<semaphore_mem>>) src(%dma_wait3A_309 : memref<32x128xf32, #tpu.memory_space<vmem>>) dst(%dma_wait3A_305 : memref<32x128xf32, #tpu.memory_space<vmem_shared>>)
      tpu.yield
    }) : () -> ()
    %mul3A_85 = arith.constant 632 : i32
    %mul3A_86 = arith.muli %arg1, %mul3A_85 : i32
    %add3A_87 = arith.constant 512 : i32
    %add3A_88 = arith.addi %mul3A_86, %add3A_87 : i32
    %run_scoped3A_89 = arith.constant 0 : i32
    "tpu.region"() ({
      %run_scoped3A_285 = tpu.sem_alloc : memref<!tpu.dma_semaphore, #tpu.memory_space<semaphore_mem>>
      %dma_start3A_286 = arith.constant 0 : i32
      %dma_start3A_287 = arith.constant 0 : i32
      %dma_start3A_288 = tpu.memref_slice %arg12[%run_scoped3A_89, %dma_start3A_286, %dma_start3A_287] : memref<2x32x128xf32, #tpu.memory_space<vmem>> -> memref<1x32x128xf32, #tpu.memory_space<vmem>>
      %dma_start3A_289 = tpu.memref_squeeze %dma_start3A_288 : memref<1x32x128xf32, #tpu.memory_space<vmem>> -> memref<32x128xf32, #tpu.memory_space<vmem>>
      %dma_start3A_290 = arith.constant 0 : i32
      %dma_start3A_291 = tpu.memref_slice %arg16[%add3A_88, %dma_start3A_290] : memref<10112x128xf32, #tpu.memory_space<vmem_shared>> -> memref<32x128xf32, #tpu.memory_space<vmem_shared>>
      %dma_start3A_292 = arith.constant 0 : i32
      %dma_start3A_293 = tpu.memref_slice %arg16[%add3A_88, %dma_start3A_292] : memref<10112x128xf32, #tpu.memory_space<vmem_shared>> -> memref<32x128xf32, #tpu.memory_space<vmem_shared>>
      %dma_start3A_294 = arith.constant 0 : i32
      %dma_start3A_295 = arith.constant 0 : i32
      %dma_start3A_296 = tpu.memref_slice %arg12[%run_scoped3A_89, %dma_start3A_294, %dma_start3A_295] : memref<2x32x128xf32, #tpu.memory_space<vmem>> -> memref<1x32x128xf32, #tpu.memory_space<vmem>>
      %dma_start3A_297 = tpu.memref_squeeze %dma_start3A_296 : memref<1x32x128xf32, #tpu.memory_space<vmem>> -> memref<32x128xf32, #tpu.memory_space<vmem>>
      tpu.enqueue_dma source(%dma_start3A_297 : memref<32x128xf32, #tpu.memory_space<vmem>>) target(%dma_start3A_293 : memref<32x128xf32, #tpu.memory_space<vmem_shared>>) target_semaphore(%run_scoped3A_285 : memref<!tpu.dma_semaphore, #tpu.memory_space<semaphore_mem>>)
      %dma_wait3A_298 = arith.constant 0 : i32
      %dma_wait3A_299 = arith.constant 0 : i32
      %dma_wait3A_300 = tpu.memref_slice %arg12[%run_scoped3A_89, %dma_wait3A_298, %dma_wait3A_299] : memref<2x32x128xf32, #tpu.memory_space<vmem>> -> memref<1x32x128xf32, #tpu.memory_space<vmem>>
      %dma_wait3A_301 = tpu.memref_squeeze %dma_wait3A_300 : memref<1x32x128xf32, #tpu.memory_space<vmem>> -> memref<32x128xf32, #tpu.memory_space<vmem>>
      %dma_wait3A_302 = arith.constant 0 : i32
      %dma_wait3A_303 = tpu.memref_slice %arg16[%add3A_88, %dma_wait3A_302] : memref<10112x128xf32, #tpu.memory_space<vmem_shared>> -> memref<32x128xf32, #tpu.memory_space<vmem_shared>>
      %dma_wait3A_304 = arith.constant 0 : i32
      %dma_wait3A_305 = tpu.memref_slice %arg16[%add3A_88, %dma_wait3A_304] : memref<10112x128xf32, #tpu.memory_space<vmem_shared>> -> memref<32x128xf32, #tpu.memory_space<vmem_shared>>
      %dma_wait3A_306 = arith.constant 0 : i32
      %dma_wait3A_307 = arith.constant 0 : i32
      %dma_wait3A_308 = tpu.memref_slice %arg12[%run_scoped3A_89, %dma_wait3A_306, %dma_wait3A_307] : memref<2x32x128xf32, #tpu.memory_space<vmem>> -> memref<1x32x128xf32, #tpu.memory_space<vmem>>
      %dma_wait3A_309 = tpu.memref_squeeze %dma_wait3A_308 : memref<1x32x128xf32, #tpu.memory_space<vmem>> -> memref<32x128xf32, #tpu.memory_space<vmem>>
      tpu.wait_dma2 semaphore(%run_scoped3A_285 : memref<!tpu.dma_semaphore, #tpu.memory_space<semaphore_mem>>) src(%dma_wait3A_309 : memref<32x128xf32, #tpu.memory_space<vmem>>) dst(%dma_wait3A_305 : memref<32x128xf32, #tpu.memory_space<vmem_shared>>)
      tpu.yield
    }) : () -> ()
    %mul3A_90 = arith.constant 632 : i32
    %mul3A_91 = arith.muli %arg1, %mul3A_90 : i32
    %add3A_92 = arith.constant 544 : i32
    %add3A_93 = arith.addi %mul3A_91, %add3A_92 : i32
    %run_scoped3A_94 = arith.constant 0 : i32
    "tpu.region"() ({
      %run_scoped3A_285 = tpu.sem_alloc : memref<!tpu.dma_semaphore, #tpu.memory_space<semaphore_mem>>
      %dma_start3A_286 = arith.constant 0 : i32
      %dma_start3A_287 = arith.constant 0 : i32
      %dma_start3A_288 = tpu.memref_slice %arg12[%run_scoped3A_94, %dma_start3A_286, %dma_start3A_287] : memref<2x32x128xf32, #tpu.memory_space<vmem>> -> memref<1x32x128xf32, #tpu.memory_space<vmem>>
      %dma_start3A_289 = tpu.memref_squeeze %dma_start3A_288 : memref<1x32x128xf32, #tpu.memory_space<vmem>> -> memref<32x128xf32, #tpu.memory_space<vmem>>
      %dma_start3A_290 = arith.constant 0 : i32
      %dma_start3A_291 = tpu.memref_slice %arg16[%add3A_93, %dma_start3A_290] : memref<10112x128xf32, #tpu.memory_space<vmem_shared>> -> memref<32x128xf32, #tpu.memory_space<vmem_shared>>
      %dma_start3A_292 = arith.constant 0 : i32
      %dma_start3A_293 = tpu.memref_slice %arg16[%add3A_93, %dma_start3A_292] : memref<10112x128xf32, #tpu.memory_space<vmem_shared>> -> memref<32x128xf32, #tpu.memory_space<vmem_shared>>
      %dma_start3A_294 = arith.constant 0 : i32
      %dma_start3A_295 = arith.constant 0 : i32
      %dma_start3A_296 = tpu.memref_slice %arg12[%run_scoped3A_94, %dma_start3A_294, %dma_start3A_295] : memref<2x32x128xf32, #tpu.memory_space<vmem>> -> memref<1x32x128xf32, #tpu.memory_space<vmem>>
      %dma_start3A_297 = tpu.memref_squeeze %dma_start3A_296 : memref<1x32x128xf32, #tpu.memory_space<vmem>> -> memref<32x128xf32, #tpu.memory_space<vmem>>
      tpu.enqueue_dma source(%dma_start3A_297 : memref<32x128xf32, #tpu.memory_space<vmem>>) target(%dma_start3A_293 : memref<32x128xf32, #tpu.memory_space<vmem_shared>>) target_semaphore(%run_scoped3A_285 : memref<!tpu.dma_semaphore, #tpu.memory_space<semaphore_mem>>)
      %dma_wait3A_298 = arith.constant 0 : i32
      %dma_wait3A_299 = arith.constant 0 : i32
      %dma_wait3A_300 = tpu.memref_slice %arg12[%run_scoped3A_94, %dma_wait3A_298, %dma_wait3A_299] : memref<2x32x128xf32, #tpu.memory_space<vmem>> -> memref<1x32x128xf32, #tpu.memory_space<vmem>>
      %dma_wait3A_301 = tpu.memref_squeeze %dma_wait3A_300 : memref<1x32x128xf32, #tpu.memory_space<vmem>> -> memref<32x128xf32, #tpu.memory_space<vmem>>
      %dma_wait3A_302 = arith.constant 0 : i32
      %dma_wait3A_303 = tpu.memref_slice %arg16[%add3A_93, %dma_wait3A_302] : memref<10112x128xf32, #tpu.memory_space<vmem_shared>> -> memref<32x128xf32, #tpu.memory_space<vmem_shared>>
      %dma_wait3A_304 = arith.constant 0 : i32
      %dma_wait3A_305 = tpu.memref_slice %arg16[%add3A_93, %dma_wait3A_304] : memref<10112x128xf32, #tpu.memory_space<vmem_shared>> -> memref<32x128xf32, #tpu.memory_space<vmem_shared>>
      %dma_wait3A_306 = arith.constant 0 : i32
      %dma_wait3A_307 = arith.constant 0 : i32
      %dma_wait3A_308 = tpu.memref_slice %arg12[%run_scoped3A_94, %dma_wait3A_306, %dma_wait3A_307] : memref<2x32x128xf32, #tpu.memory_space<vmem>> -> memref<1x32x128xf32, #tpu.memory_space<vmem>>
      %dma_wait3A_309 = tpu.memref_squeeze %dma_wait3A_308 : memref<1x32x128xf32, #tpu.memory_space<vmem>> -> memref<32x128xf32, #tpu.memory_space<vmem>>
      tpu.wait_dma2 semaphore(%run_scoped3A_285 : memref<!tpu.dma_semaphore, #tpu.memory_space<semaphore_mem>>) src(%dma_wait3A_309 : memref<32x128xf32, #tpu.memory_space<vmem>>) dst(%dma_wait3A_305 : memref<32x128xf32, #tpu.memory_space<vmem_shared>>)
      tpu.yield
    }) : () -> ()
    %mul3A_95 = arith.constant 632 : i32
    %mul3A_96 = arith.muli %arg1, %mul3A_95 : i32
    %add3A_97 = arith.constant 576 : i32
    %add3A_98 = arith.addi %mul3A_96, %add3A_97 : i32
    %run_scoped3A_99 = arith.constant 0 : i32
    "tpu.region"() ({
      %run_scoped3A_285 = tpu.sem_alloc : memref<!tpu.dma_semaphore, #tpu.memory_space<semaphore_mem>>
      %dma_start3A_286 = arith.constant 0 : i32
      %dma_start3A_287 = arith.constant 0 : i32
      %dma_start3A_288 = tpu.memref_slice %arg12[%run_scoped3A_99, %dma_start3A_286, %dma_start3A_287] : memref<2x32x128xf32, #tpu.memory_space<vmem>> -> memref<1x32x128xf32, #tpu.memory_space<vmem>>
      %dma_start3A_289 = tpu.memref_squeeze %dma_start3A_288 : memref<1x32x128xf32, #tpu.memory_space<vmem>> -> memref<32x128xf32, #tpu.memory_space<vmem>>
      %dma_start3A_290 = arith.constant 0 : i32
      %dma_start3A_291 = tpu.memref_slice %arg16[%add3A_98, %dma_start3A_290] : memref<10112x128xf32, #tpu.memory_space<vmem_shared>> -> memref<32x128xf32, #tpu.memory_space<vmem_shared>>
      %dma_start3A_292 = arith.constant 0 : i32
      %dma_start3A_293 = tpu.memref_slice %arg16[%add3A_98, %dma_start3A_292] : memref<10112x128xf32, #tpu.memory_space<vmem_shared>> -> memref<32x128xf32, #tpu.memory_space<vmem_shared>>
      %dma_start3A_294 = arith.constant 0 : i32
      %dma_start3A_295 = arith.constant 0 : i32
      %dma_start3A_296 = tpu.memref_slice %arg12[%run_scoped3A_99, %dma_start3A_294, %dma_start3A_295] : memref<2x32x128xf32, #tpu.memory_space<vmem>> -> memref<1x32x128xf32, #tpu.memory_space<vmem>>
      %dma_start3A_297 = tpu.memref_squeeze %dma_start3A_296 : memref<1x32x128xf32, #tpu.memory_space<vmem>> -> memref<32x128xf32, #tpu.memory_space<vmem>>
      tpu.enqueue_dma source(%dma_start3A_297 : memref<32x128xf32, #tpu.memory_space<vmem>>) target(%dma_start3A_293 : memref<32x128xf32, #tpu.memory_space<vmem_shared>>) target_semaphore(%run_scoped3A_285 : memref<!tpu.dma_semaphore, #tpu.memory_space<semaphore_mem>>)
      %dma_wait3A_298 = arith.constant 0 : i32
      %dma_wait3A_299 = arith.constant 0 : i32
      %dma_wait3A_300 = tpu.memref_slice %arg12[%run_scoped3A_99, %dma_wait3A_298, %dma_wait3A_299] : memref<2x32x128xf32, #tpu.memory_space<vmem>> -> memref<1x32x128xf32, #tpu.memory_space<vmem>>
      %dma_wait3A_301 = tpu.memref_squeeze %dma_wait3A_300 : memref<1x32x128xf32, #tpu.memory_space<vmem>> -> memref<32x128xf32, #tpu.memory_space<vmem>>
      %dma_wait3A_302 = arith.constant 0 : i32
      %dma_wait3A_303 = tpu.memref_slice %arg16[%add3A_98, %dma_wait3A_302] : memref<10112x128xf32, #tpu.memory_space<vmem_shared>> -> memref<32x128xf32, #tpu.memory_space<vmem_shared>>
      %dma_wait3A_304 = arith.constant 0 : i32
      %dma_wait3A_305 = tpu.memref_slice %arg16[%add3A_98, %dma_wait3A_304] : memref<10112x128xf32, #tpu.memory_space<vmem_shared>> -> memref<32x128xf32, #tpu.memory_space<vmem_shared>>
      %dma_wait3A_306 = arith.constant 0 : i32
      %dma_wait3A_307 = arith.constant 0 : i32
      %dma_wait3A_308 = tpu.memref_slice %arg12[%run_scoped3A_99, %dma_wait3A_306, %dma_wait3A_307] : memref<2x32x128xf32, #tpu.memory_space<vmem>> -> memref<1x32x128xf32, #tpu.memory_space<vmem>>
      %dma_wait3A_309 = tpu.memref_squeeze %dma_wait3A_308 : memref<1x32x128xf32, #tpu.memory_space<vmem>> -> memref<32x128xf32, #tpu.memory_space<vmem>>
      tpu.wait_dma2 semaphore(%run_scoped3A_285 : memref<!tpu.dma_semaphore, #tpu.memory_space<semaphore_mem>>) src(%dma_wait3A_309 : memref<32x128xf32, #tpu.memory_space<vmem>>) dst(%dma_wait3A_305 : memref<32x128xf32, #tpu.memory_space<vmem_shared>>)
      tpu.yield
    }) : () -> ()
    %mul3A_100 = arith.constant 632 : i32
    %mul3A_101 = arith.muli %arg1, %mul3A_100 : i32
    %add3A_102 = arith.constant 608 : i32
    %add3A_103 = arith.addi %mul3A_101, %add3A_102 : i32
    %run_scoped3A_104 = arith.constant 0 : i32
    "tpu.region"() ({
      %run_scoped3A_285 = tpu.sem_alloc : memref<!tpu.dma_semaphore, #tpu.memory_space<semaphore_mem>>
      %dma_start3A_286 = arith.constant 0 : i32
      %dma_start3A_287 = arith.constant 0 : i32
      %dma_start3A_288 = tpu.memref_slice %arg12[%run_scoped3A_104, %dma_start3A_286, %dma_start3A_287] : memref<2x32x128xf32, #tpu.memory_space<vmem>> -> memref<1x32x128xf32, #tpu.memory_space<vmem>>
      %dma_start3A_289 = tpu.memref_squeeze %dma_start3A_288 : memref<1x32x128xf32, #tpu.memory_space<vmem>> -> memref<32x128xf32, #tpu.memory_space<vmem>>
      %dma_start3A_290 = arith.constant 0 : i32
      %dma_start3A_291 = arith.constant 0 : i32
      %dma_start3A_292 = tpu.memref_slice %dma_start3A_289[%dma_start3A_290, %dma_start3A_291] : memref<32x128xf32, #tpu.memory_space<vmem>> -> memref<24x128xf32, #tpu.memory_space<vmem>>
      %dma_start3A_293 = arith.constant 0 : i32
      %dma_start3A_294 = tpu.memref_slice %arg16[%add3A_103, %dma_start3A_293] : memref<10112x128xf32, #tpu.memory_space<vmem_shared>> -> memref<24x128xf32, #tpu.memory_space<vmem_shared>>
      %dma_start3A_295 = arith.constant 0 : i32
      %dma_start3A_296 = tpu.memref_slice %arg16[%add3A_103, %dma_start3A_295] : memref<10112x128xf32, #tpu.memory_space<vmem_shared>> -> memref<24x128xf32, #tpu.memory_space<vmem_shared>>
      %dma_start3A_297 = arith.constant 0 : i32
      %dma_start3A_298 = arith.constant 0 : i32
      %dma_start3A_299 = tpu.memref_slice %arg12[%run_scoped3A_104, %dma_start3A_297, %dma_start3A_298] : memref<2x32x128xf32, #tpu.memory_space<vmem>> -> memref<1x32x128xf32, #tpu.memory_space<vmem>>
      %dma_start3A_300 = tpu.memref_squeeze %dma_start3A_299 : memref<1x32x128xf32, #tpu.memory_space<vmem>> -> memref<32x128xf32, #tpu.memory_space<vmem>>
      %dma_start3A_301 = arith.constant 0 : i32
      %dma_start3A_302 = arith.constant 0 : i32
      %dma_start3A_303 = tpu.memref_slice %dma_start3A_300[%dma_start3A_301, %dma_start3A_302] : memref<32x128xf32, #tpu.memory_space<vmem>> -> memref<24x128xf32, #tpu.memory_space<vmem>>
      tpu.enqueue_dma source(%dma_start3A_303 : memref<24x128xf32, #tpu.memory_space<vmem>>) target(%dma_start3A_296 : memref<24x128xf32, #tpu.memory_space<vmem_shared>>) target_semaphore(%run_scoped3A_285 : memref<!tpu.dma_semaphore, #tpu.memory_space<semaphore_mem>>)
      %dma_wait3A_304 = arith.constant 0 : i32
      %dma_wait3A_305 = arith.constant 0 : i32
      %dma_wait3A_306 = tpu.memref_slice %arg12[%run_scoped3A_104, %dma_wait3A_304, %dma_wait3A_305] : memref<2x32x128xf32, #tpu.memory_space<vmem>> -> memref<1x32x128xf32, #tpu.memory_space<vmem>>
      %dma_wait3A_307 = tpu.memref_squeeze %dma_wait3A_306 : memref<1x32x128xf32, #tpu.memory_space<vmem>> -> memref<32x128xf32, #tpu.memory_space<vmem>>
      %dma_wait3A_308 = arith.constant 0 : i32
      %dma_wait3A_309 = arith.constant 0 : i32
      %dma_wait3A_310 = tpu.memref_slice %dma_wait3A_307[%dma_wait3A_308, %dma_wait3A_309] : memref<32x128xf32, #tpu.memory_space<vmem>> -> memref<24x128xf32, #tpu.memory_space<vmem>>
      %dma_wait3A_311 = arith.constant 0 : i32
      %dma_wait3A_312 = tpu.memref_slice %arg16[%add3A_103, %dma_wait3A_311] : memref<10112x128xf32, #tpu.memory_space<vmem_shared>> -> memref<24x128xf32, #tpu.memory_space<vmem_shared>>
      %dma_wait3A_313 = arith.constant 0 : i32
      %dma_wait3A_314 = tpu.memref_slice %arg16[%add3A_103, %dma_wait3A_313] : memref<10112x128xf32, #tpu.memory_space<vmem_shared>> -> memref<24x128xf32, #tpu.memory_space<vmem_shared>>
      %dma_wait3A_315 = arith.constant 0 : i32
      %dma_wait3A_316 = arith.constant 0 : i32
      %dma_wait3A_317 = tpu.memref_slice %arg12[%run_scoped3A_104, %dma_wait3A_315, %dma_wait3A_316] : memref<2x32x128xf32, #tpu.memory_space<vmem>> -> memref<1x32x128xf32, #tpu.memory_space<vmem>>
      %dma_wait3A_318 = tpu.memref_squeeze %dma_wait3A_317 : memref<1x32x128xf32, #tpu.memory_space<vmem>> -> memref<32x128xf32, #tpu.memory_space<vmem>>
      %dma_wait3A_319 = arith.constant 0 : i32
      %dma_wait3A_320 = arith.constant 0 : i32
      %dma_wait3A_321 = tpu.memref_slice %dma_wait3A_318[%dma_wait3A_319, %dma_wait3A_320] : memref<32x128xf32, #tpu.memory_space<vmem>> -> memref<24x128xf32, #tpu.memory_space<vmem>>
      tpu.wait_dma2 semaphore(%run_scoped3A_285 : memref<!tpu.dma_semaphore, #tpu.memory_space<semaphore_mem>>) src(%dma_wait3A_321 : memref<24x128xf32, #tpu.memory_space<vmem>>) dst(%dma_wait3A_314 : memref<24x128xf32, #tpu.memory_space<vmem_shared>>)
      tpu.yield
    }) : () -> ()
    %barrier3A = arith.constant 0 : index
    tpu.barrier barrier_id(%barrier3A)
    %mul3A_105 = arith.constant 160 : i32
    %mul3A_106 = arith.muli %add3A, %mul3A_105 : i32
    %add3A_107 = arith.constant 0 : i32
    %add3A_108 = arith.addi %mul3A_106, %add3A_107 : i32
    %mul3A_109 = arith.constant 32 : i32
    %mul3A_110 = arith.muli %add3A_108, %mul3A_109 : i32
    %min3A = arith.constant 159968 : i32
    %min3A_111 = arith.minsi %mul3A_110, %min3A : i32
    %dma_start3A = arith.constant 0 : i32
    %dma_start3A_112 = arith.constant 0 : i32
    %dma_start3A_113 = tpu.memref_slice %arg7[%dma_start3A, %dma_start3A_112] : memref<2x32xi32, #tpu.memory_space<vmem>> -> memref<1x32xi32, #tpu.memory_space<vmem>>
    %dma_start3A_114 = tpu.memref_squeeze %dma_start3A_113 : memref<1x32xi32, #tpu.memory_space<vmem>> -> memref<32xi32, #tpu.memory_space<vmem>>
    %dma_start3A_115 = tpu.memref_slice %arg4[%mul3A_110] : memref<163840xi32, #tpu.memory_space<hbm>> -> memref<32xi32, #tpu.memory_space<hbm>>
    %dma_start3A_116 = arith.constant 0 : i32
    %dma_start3A_117 = tpu.memref_slice %arg7[%dma_start3A, %dma_start3A_116] : memref<2x32xi32, #tpu.memory_space<vmem>> -> memref<1x32xi32, #tpu.memory_space<vmem>>
    %dma_start3A_118 = tpu.memref_squeeze %dma_start3A_117 : memref<1x32xi32, #tpu.memory_space<vmem>> -> memref<32xi32, #tpu.memory_space<vmem>>
    %dma_start3A_119 = tpu.memref_slice %arg4[%mul3A_110] : memref<163840xi32, #tpu.memory_space<hbm>> -> memref<32xi32, #tpu.memory_space<hbm>>
    tpu.enqueue_dma source(%dma_start3A_119 : memref<32xi32, #tpu.memory_space<hbm>>) target(%dma_start3A_118 : memref<32xi32, #tpu.memory_space<vmem>>) target_semaphore(%arg17 : memref<!tpu.dma_semaphore, #tpu.memory_space<semaphore_mem>>)
    %dma_start3A_120 = arith.constant 0 : i32
    %dma_start3A_121 = arith.constant 0 : i32
    %dma_start3A_122 = tpu.memref_slice %arg8[%dma_start3A_120, %dma_start3A_121] : memref<2x32xi32, #tpu.memory_space<vmem>> -> memref<1x32xi32, #tpu.memory_space<vmem>>
    %dma_start3A_123 = tpu.memref_squeeze %dma_start3A_122 : memref<1x32xi32, #tpu.memory_space<vmem>> -> memref<32xi32, #tpu.memory_space<vmem>>
    %dma_start3A_124 = tpu.memref_slice %arg5[%mul3A_110] : memref<163840xi32, #tpu.memory_space<hbm>> -> memref<32xi32, #tpu.memory_space<hbm>>
    %dma_start3A_125 = arith.constant 0 : i32
    %dma_start3A_126 = tpu.memref_slice %arg8[%dma_start3A_120, %dma_start3A_125] : memref<2x32xi32, #tpu.memory_space<vmem>> -> memref<1x32xi32, #tpu.memory_space<vmem>>
    %dma_start3A_127 = tpu.memref_squeeze %dma_start3A_126 : memref<1x32xi32, #tpu.memory_space<vmem>> -> memref<32xi32, #tpu.memory_space<vmem>>
    %dma_start3A_128 = tpu.memref_slice %arg5[%mul3A_110] : memref<163840xi32, #tpu.memory_space<hbm>> -> memref<32xi32, #tpu.memory_space<hbm>>
    tpu.enqueue_dma source(%dma_start3A_128 : memref<32xi32, #tpu.memory_space<hbm>>) target(%dma_start3A_127 : memref<32xi32, #tpu.memory_space<vmem>>) target_semaphore(%arg17 : memref<!tpu.dma_semaphore, #tpu.memory_space<semaphore_mem>>)
    %dma_start3A_129 = arith.constant 0 : i32
    %dma_start3A_130 = arith.constant 0 : i32
    %dma_start3A_131 = arith.constant 0 : i32
    %dma_start3A_132 = tpu.memref_slice %arg11[%dma_start3A_129, %dma_start3A_130, %dma_start3A_131] : memref<2x32x128xf32, #tpu.memory_space<vmem>> -> memref<1x32x128xf32, #tpu.memory_space<vmem>>
    %dma_start3A_133 = tpu.memref_squeeze %dma_start3A_132 : memref<1x32x128xf32, #tpu.memory_space<vmem>> -> memref<32x128xf32, #tpu.memory_space<vmem>>
    %dma_start3A_134 = arith.constant 0 : i32
    %dma_start3A_135 = tpu.memref_slice %arg2[%min3A_111, %dma_start3A_134] : memref<160000x128xf32, #tpu.memory_space<hbm>> -> memref<32x128xf32, #tpu.memory_space<hbm>>
    %dma_start3A_136 = arith.constant 0 : i32
    %dma_start3A_137 = arith.constant 0 : i32
    %dma_start3A_138 = tpu.memref_slice %arg11[%dma_start3A_129, %dma_start3A_136, %dma_start3A_137] : memref<2x32x128xf32, #tpu.memory_space<vmem>> -> memref<1x32x128xf32, #tpu.memory_space<vmem>>
    %dma_start3A_139 = tpu.memref_squeeze %dma_start3A_138 : memref<1x32x128xf32, #tpu.memory_space<vmem>> -> memref<32x128xf32, #tpu.memory_space<vmem>>
    %dma_start3A_140 = arith.constant 0 : i32
    %dma_start3A_141 = tpu.memref_slice %arg2[%min3A_111, %dma_start3A_140] : memref<160000x128xf32, #tpu.memory_space<hbm>> -> memref<32x128xf32, #tpu.memory_space<hbm>>
    tpu.enqueue_dma source(%dma_start3A_141 : memref<32x128xf32, #tpu.memory_space<hbm>>) target(%dma_start3A_139 : memref<32x128xf32, #tpu.memory_space<vmem>>) target_semaphore(%arg19 : memref<!tpu.dma_semaphore, #tpu.memory_space<semaphore_mem>>)
    %mul3A_142 = arith.constant 160 : i32
    %mul3A_143 = arith.muli %add3A, %mul3A_142 : i32
    %add3A_144 = arith.constant 1 : i32
    %add3A_145 = arith.addi %mul3A_143, %add3A_144 : i32
    %mul3A_146 = arith.constant 32 : i32
    %mul3A_147 = arith.muli %add3A_145, %mul3A_146 : i32
    %min3A_148 = arith.constant 159968 : i32
    %min3A_149 = arith.minsi %mul3A_147, %min3A_148 : i32
    %dma_start3A_150 = arith.constant 1 : i32
    %dma_start3A_151 = arith.constant 0 : i32
    %dma_start3A_152 = tpu.memref_slice %arg7[%dma_start3A_150, %dma_start3A_151] : memref<2x32xi32, #tpu.memory_space<vmem>> -> memref<1x32xi32, #tpu.memory_space<vmem>>
    %dma_start3A_153 = tpu.memref_squeeze %dma_start3A_152 : memref<1x32xi32, #tpu.memory_space<vmem>> -> memref<32xi32, #tpu.memory_space<vmem>>
    %dma_start3A_154 = tpu.memref_slice %arg4[%mul3A_147] : memref<163840xi32, #tpu.memory_space<hbm>> -> memref<32xi32, #tpu.memory_space<hbm>>
    %dma_start3A_155 = arith.constant 0 : i32
    %dma_start3A_156 = tpu.memref_slice %arg7[%dma_start3A_150, %dma_start3A_155] : memref<2x32xi32, #tpu.memory_space<vmem>> -> memref<1x32xi32, #tpu.memory_space<vmem>>
    %dma_start3A_157 = tpu.memref_squeeze %dma_start3A_156 : memref<1x32xi32, #tpu.memory_space<vmem>> -> memref<32xi32, #tpu.memory_space<vmem>>
    %dma_start3A_158 = tpu.memref_slice %arg4[%mul3A_147] : memref<163840xi32, #tpu.memory_space<hbm>> -> memref<32xi32, #tpu.memory_space<hbm>>
    tpu.enqueue_dma source(%dma_start3A_158 : memref<32xi32, #tpu.memory_space<hbm>>) target(%dma_start3A_157 : memref<32xi32, #tpu.memory_space<vmem>>) target_semaphore(%arg18 : memref<!tpu.dma_semaphore, #tpu.memory_space<semaphore_mem>>)
    %dma_start3A_159 = arith.constant 1 : i32
    %dma_start3A_160 = arith.constant 0 : i32
    %dma_start3A_161 = tpu.memref_slice %arg8[%dma_start3A_159, %dma_start3A_160] : memref<2x32xi32, #tpu.memory_space<vmem>> -> memref<1x32xi32, #tpu.memory_space<vmem>>
    %dma_start3A_162 = tpu.memref_squeeze %dma_start3A_161 : memref<1x32xi32, #tpu.memory_space<vmem>> -> memref<32xi32, #tpu.memory_space<vmem>>
    %dma_start3A_163 = tpu.memref_slice %arg5[%mul3A_147] : memref<163840xi32, #tpu.memory_space<hbm>> -> memref<32xi32, #tpu.memory_space<hbm>>
    %dma_start3A_164 = arith.constant 0 : i32
    %dma_start3A_165 = tpu.memref_slice %arg8[%dma_start3A_159, %dma_start3A_164] : memref<2x32xi32, #tpu.memory_space<vmem>> -> memref<1x32xi32, #tpu.memory_space<vmem>>
    %dma_start3A_166 = tpu.memref_squeeze %dma_start3A_165 : memref<1x32xi32, #tpu.memory_space<vmem>> -> memref<32xi32, #tpu.memory_space<vmem>>
    %dma_start3A_167 = tpu.memref_slice %arg5[%mul3A_147] : memref<163840xi32, #tpu.memory_space<hbm>> -> memref<32xi32, #tpu.memory_space<hbm>>
    tpu.enqueue_dma source(%dma_start3A_167 : memref<32xi32, #tpu.memory_space<hbm>>) target(%dma_start3A_166 : memref<32xi32, #tpu.memory_space<vmem>>) target_semaphore(%arg18 : memref<!tpu.dma_semaphore, #tpu.memory_space<semaphore_mem>>)
    %dma_start3A_168 = arith.constant 1 : i32
    %dma_start3A_169 = arith.constant 0 : i32
    %dma_start3A_170 = arith.constant 0 : i32
    %dma_start3A_171 = tpu.memref_slice %arg11[%dma_start3A_168, %dma_start3A_169, %dma_start3A_170] : memref<2x32x128xf32, #tpu.memory_space<vmem>> -> memref<1x32x128xf32, #tpu.memory_space<vmem>>
    %dma_start3A_172 = tpu.memref_squeeze %dma_start3A_171 : memref<1x32x128xf32, #tpu.memory_space<vmem>> -> memref<32x128xf32, #tpu.memory_space<vmem>>
    %dma_start3A_173 = arith.constant 0 : i32
    %dma_start3A_174 = tpu.memref_slice %arg2[%min3A_149, %dma_start3A_173] : memref<160000x128xf32, #tpu.memory_space<hbm>> -> memref<32x128xf32, #tpu.memory_space<hbm>>
    %dma_start3A_175 = arith.constant 0 : i32
    %dma_start3A_176 = arith.constant 0 : i32
    %dma_start3A_177 = tpu.memref_slice %arg11[%dma_start3A_168, %dma_start3A_175, %dma_start3A_176] : memref<2x32x128xf32, #tpu.memory_space<vmem>> -> memref<1x32x128xf32, #tpu.memory_space<vmem>>
    %dma_start3A_178 = tpu.memref_squeeze %dma_start3A_177 : memref<1x32x128xf32, #tpu.memory_space<vmem>> -> memref<32x128xf32, #tpu.memory_space<vmem>>
    %dma_start3A_179 = arith.constant 0 : i32
    %dma_start3A_180 = tpu.memref_slice %arg2[%min3A_149, %dma_start3A_179] : memref<160000x128xf32, #tpu.memory_space<hbm>> -> memref<32x128xf32, #tpu.memory_space<hbm>>
    tpu.enqueue_dma source(%dma_start3A_180 : memref<32x128xf32, #tpu.memory_space<hbm>>) target(%dma_start3A_178 : memref<32x128xf32, #tpu.memory_space<vmem>>) target_semaphore(%arg20 : memref<!tpu.dma_semaphore, #tpu.memory_space<semaphore_mem>>)
    %dma_wait3A = arith.constant 0 : i32
    %dma_wait3A_181 = arith.constant 0 : i32
    %dma_wait3A_182 = tpu.memref_slice %arg7[%dma_wait3A, %dma_wait3A_181] : memref<2x32xi32, #tpu.memory_space<vmem>> -> memref<1x32xi32, #tpu.memory_space<vmem>>
    %dma_wait3A_183 = tpu.memref_squeeze %dma_wait3A_182 : memref<1x32xi32, #tpu.memory_space<vmem>> -> memref<32xi32, #tpu.memory_space<vmem>>
    %dma_wait3A_184 = arith.constant 0 : i32
    %dma_wait3A_185 = tpu.memref_slice %arg4[%dma_wait3A_184] : memref<163840xi32, #tpu.memory_space<hbm>> -> memref<32xi32, #tpu.memory_space<hbm>>
    %dma_wait3A_186 = arith.constant 0 : i32
    %dma_wait3A_187 = tpu.memref_slice %arg7[%dma_wait3A, %dma_wait3A_186] : memref<2x32xi32, #tpu.memory_space<vmem>> -> memref<1x32xi32, #tpu.memory_space<vmem>>
    %dma_wait3A_188 = tpu.memref_squeeze %dma_wait3A_187 : memref<1x32xi32, #tpu.memory_space<vmem>> -> memref<32xi32, #tpu.memory_space<vmem>>
    %dma_wait3A_189 = arith.constant 0 : i32
    %dma_wait3A_190 = tpu.memref_slice %arg4[%dma_wait3A_189] : memref<163840xi32, #tpu.memory_space<hbm>> -> memref<32xi32, #tpu.memory_space<hbm>>
    tpu.wait_dma2 semaphore(%arg17 : memref<!tpu.dma_semaphore, #tpu.memory_space<semaphore_mem>>) src(%dma_wait3A_190 : memref<32xi32, #tpu.memory_space<hbm>>) dst(%dma_wait3A_188 : memref<32xi32, #tpu.memory_space<vmem>>)
    %dma_wait3A_191 = arith.constant 0 : i32
    %dma_wait3A_192 = arith.constant 0 : i32
    %dma_wait3A_193 = tpu.memref_slice %arg8[%dma_wait3A_191, %dma_wait3A_192] : memref<2x32xi32, #tpu.memory_space<vmem>> -> memref<1x32xi32, #tpu.memory_space<vmem>>
    %dma_wait3A_194 = tpu.memref_squeeze %dma_wait3A_193 : memref<1x32xi32, #tpu.memory_space<vmem>> -> memref<32xi32, #tpu.memory_space<vmem>>
    %dma_wait3A_195 = arith.constant 0 : i32
    %dma_wait3A_196 = tpu.memref_slice %arg5[%dma_wait3A_195] : memref<163840xi32, #tpu.memory_space<hbm>> -> memref<32xi32, #tpu.memory_space<hbm>>
    %dma_wait3A_197 = arith.constant 0 : i32
    %dma_wait3A_198 = tpu.memref_slice %arg8[%dma_wait3A_191, %dma_wait3A_197] : memref<2x32xi32, #tpu.memory_space<vmem>> -> memref<1x32xi32, #tpu.memory_space<vmem>>
    %dma_wait3A_199 = tpu.memref_squeeze %dma_wait3A_198 : memref<1x32xi32, #tpu.memory_space<vmem>> -> memref<32xi32, #tpu.memory_space<vmem>>
    %dma_wait3A_200 = arith.constant 0 : i32
    %dma_wait3A_201 = tpu.memref_slice %arg5[%dma_wait3A_200] : memref<163840xi32, #tpu.memory_space<hbm>> -> memref<32xi32, #tpu.memory_space<hbm>>
    tpu.wait_dma2 semaphore(%arg17 : memref<!tpu.dma_semaphore, #tpu.memory_space<semaphore_mem>>) src(%dma_wait3A_201 : memref<32xi32, #tpu.memory_space<hbm>>) dst(%dma_wait3A_199 : memref<32xi32, #tpu.memory_space<vmem>>)
    %dma_start3A_202 = arith.constant 0 : i32
    %dma_start3A_203 = arith.constant 0 : i32
    %dma_start3A_204 = arith.constant 0 : i32
    %dma_start3A_205 = arith.constant 0 : i32
    %dma_start3A_206 = tpu.memref_slice %arg12[%dma_start3A_203, %dma_start3A_204, %dma_start3A_205] : memref<2x32x128xf32, #tpu.memory_space<vmem>> -> memref<1x32x128xf32, #tpu.memory_space<vmem>>
    %dma_start3A_207 = tpu.memref_squeeze %dma_start3A_206 : memref<1x32x128xf32, #tpu.memory_space<vmem>> -> memref<32x128xf32, #tpu.memory_space<vmem>>
    %dma_start3A_208 = arith.constant 0 : i32
    %dma_start3A_209 = tpu.memref_slice %arg8[%dma_start3A_202, %dma_start3A_208] : memref<2x32xi32, #tpu.memory_space<vmem>> -> memref<1x32xi32, #tpu.memory_space<vmem>>
    %dma_start3A_210 = tpu.memref_squeeze %dma_start3A_209 : memref<1x32xi32, #tpu.memory_space<vmem>> -> memref<32xi32, #tpu.memory_space<vmem>>
    %dma_start3A_211 = arith.constant 0 : i32
    %dma_start3A_212 = arith.constant 0 : i32
    %dma_start3A_213 = tpu.memref_slice %arg3[%dma_start3A_211, %dma_start3A_212] : memref<10112x128xf32, #tpu.memory_space<hbm>> -> memref<10112x128xf32, #tpu.memory_space<hbm>>
    tpu.enqueue_indirect_dma source(%dma_start3A_213 : memref<10112x128xf32, #tpu.memory_space<hbm>>) target(%dma_start3A_207 : memref<32x128xf32, #tpu.memory_space<vmem>>) offsets(%dma_start3A_210 : memref<32xi32, #tpu.memory_space<vmem>>) semaphore(%arg21 : memref<!tpu.dma_semaphore, #tpu.memory_space<semaphore_mem>>)
    %dma_start3A_214 = arith.constant 0 : i32
    %dma_start3A_215 = arith.constant 0 : i32
    %dma_start3A_216 = arith.constant 0 : i32
    %dma_start3A_217 = arith.constant 0 : i32
    %dma_start3A_218 = tpu.memref_slice %arg13[%dma_start3A_215, %dma_start3A_216, %dma_start3A_217] : memref<2x32x128xf32, #tpu.memory_space<vmem>> -> memref<1x32x128xf32, #tpu.memory_space<vmem>>
    %dma_start3A_219 = tpu.memref_squeeze %dma_start3A_218 : memref<1x32x128xf32, #tpu.memory_space<vmem>> -> memref<32x128xf32, #tpu.memory_space<vmem>>
    %dma_start3A_220 = arith.constant 0 : i32
    %dma_start3A_221 = tpu.memref_slice %arg7[%dma_start3A_214, %dma_start3A_220] : memref<2x32xi32, #tpu.memory_space<vmem>> -> memref<1x32xi32, #tpu.memory_space<vmem>>
    %dma_start3A_222 = tpu.memref_squeeze %dma_start3A_221 : memref<1x32xi32, #tpu.memory_space<vmem>> -> memref<32xi32, #tpu.memory_space<vmem>>
    %dma_start3A_223 = arith.constant 0 : i32
    %dma_start3A_224 = arith.constant 0 : i32
    %dma_start3A_225 = tpu.memref_slice %arg3[%dma_start3A_223, %dma_start3A_224] : memref<10112x128xf32, #tpu.memory_space<hbm>> -> memref<10112x128xf32, #tpu.memory_space<hbm>>
    tpu.enqueue_indirect_dma source(%dma_start3A_225 : memref<10112x128xf32, #tpu.memory_space<hbm>>) target(%dma_start3A_219 : memref<32x128xf32, #tpu.memory_space<vmem>>) offsets(%dma_start3A_222 : memref<32xi32, #tpu.memory_space<vmem>>) semaphore(%arg21 : memref<!tpu.dma_semaphore, #tpu.memory_space<semaphore_mem>>)
    %scan3A_226 = arith.constant 0 : i32
    %scan3A_227 = arith.constant 0 : i32
    %scan3A_228 = arith.constant 80 : i32
    %scan3A_229 = arith.addi %scan3A_227, %scan3A_228 : i32
    %scan3A_230 = arith.constant 1 : i32
    scf.for %scan3A_285 = %scan3A_227 to %scan3A_229 step %scan3A_230  : i32 {
      %mul3A_286 = arith.constant 2 : i32
      %mul3A_287 = arith.muli %scan3A_285, %mul3A_286 : i32
      %gt3A = arith.constant 0 : i32
      %gt3A_288 = arith.cmpi sgt, %scan3A_285, %gt3A : i32
      %dma_wait3A_289 = arith.constant 1 : i32
      %dma_wait3A_290 = arith.constant 0 : i32
      %dma_wait3A_291 = tpu.memref_slice %arg7[%dma_wait3A_289, %dma_wait3A_290] : memref<2x32xi32, #tpu.memory_space<vmem>> -> memref<1x32xi32, #tpu.memory_space<vmem>>
      %dma_wait3A_292 = tpu.memref_squeeze %dma_wait3A_291 : memref<1x32xi32, #tpu.memory_space<vmem>> -> memref<32xi32, #tpu.memory_space<vmem>>
      %dma_wait3A_293 = arith.constant 0 : i32
      %dma_wait3A_294 = tpu.memref_slice %arg4[%dma_wait3A_293] : memref<163840xi32, #tpu.memory_space<hbm>> -> memref<32xi32, #tpu.memory_space<hbm>>
      %dma_wait3A_295 = arith.constant 0 : i32
      %dma_wait3A_296 = tpu.memref_slice %arg7[%dma_wait3A_289, %dma_wait3A_295] : memref<2x32xi32, #tpu.memory_space<vmem>> -> memref<1x32xi32, #tpu.memory_space<vmem>>
      %dma_wait3A_297 = tpu.memref_squeeze %dma_wait3A_296 : memref<1x32xi32, #tpu.memory_space<vmem>> -> memref<32xi32, #tpu.memory_space<vmem>>
      %dma_wait3A_298 = arith.constant 0 : i32
      %dma_wait3A_299 = tpu.memref_slice %arg4[%dma_wait3A_298] : memref<163840xi32, #tpu.memory_space<hbm>> -> memref<32xi32, #tpu.memory_space<hbm>>
      tpu.wait_dma2 semaphore(%arg18 : memref<!tpu.dma_semaphore, #tpu.memory_space<semaphore_mem>>) src(%dma_wait3A_299 : memref<32xi32, #tpu.memory_space<hbm>>) dst(%dma_wait3A_297 : memref<32xi32, #tpu.memory_space<vmem>>)
      %dma_wait3A_300 = arith.constant 1 : i32
      %dma_wait3A_301 = arith.constant 0 : i32
      %dma_wait3A_302 = tpu.memref_slice %arg8[%dma_wait3A_300, %dma_wait3A_301] : memref<2x32xi32, #tpu.memory_space<vmem>> -> memref<1x32xi32, #tpu.memory_space<vmem>>
      %dma_wait3A_303 = tpu.memref_squeeze %dma_wait3A_302 : memref<1x32xi32, #tpu.memory_space<vmem>> -> memref<32xi32, #tpu.memory_space<vmem>>
      %dma_wait3A_304 = arith.constant 0 : i32
      %dma_wait3A_305 = tpu.memref_slice %arg5[%dma_wait3A_304] : memref<163840xi32, #tpu.memory_space<hbm>> -> memref<32xi32, #tpu.memory_space<hbm>>
      %dma_wait3A_306 = arith.constant 0 : i32
      %dma_wait3A_307 = tpu.memref_slice %arg8[%dma_wait3A_300, %dma_wait3A_306] : memref<2x32xi32, #tpu.memory_space<vmem>> -> memref<1x32xi32, #tpu.memory_space<vmem>>
      %dma_wait3A_308 = tpu.memref_squeeze %dma_wait3A_307 : memref<1x32xi32, #tpu.memory_space<vmem>> -> memref<32xi32, #tpu.memory_space<vmem>>
      %dma_wait3A_309 = arith.constant 0 : i32
      %dma_wait3A_310 = tpu.memref_slice %arg5[%dma_wait3A_309] : memref<163840xi32, #tpu.memory_space<hbm>> -> memref<32xi32, #tpu.memory_space<hbm>>
      tpu.wait_dma2 semaphore(%arg18 : memref<!tpu.dma_semaphore, #tpu.memory_space<semaphore_mem>>) src(%dma_wait3A_310 : memref<32xi32, #tpu.memory_space<hbm>>) dst(%dma_wait3A_308 : memref<32xi32, #tpu.memory_space<vmem>>)
      %dma_start3A_311 = arith.constant 1 : i32
      %dma_start3A_312 = arith.constant 1 : i32
      %dma_start3A_313 = arith.constant 0 : i32
      %dma_start3A_314 = arith.constant 0 : i32
      %dma_start3A_315 = tpu.memref_slice %arg12[%dma_start3A_312, %dma_start3A_313, %dma_start3A_314] : memref<2x32x128xf32, #tpu.memory_space<vmem>> -> memref<1x32x128xf32, #tpu.memory_space<vmem>>
      %dma_start3A_316 = tpu.memref_squeeze %dma_start3A_315 : memref<1x32x128xf32, #tpu.memory_space<vmem>> -> memref<32x128xf32, #tpu.memory_space<vmem>>
      %dma_start3A_317 = arith.constant 0 : i32
      %dma_start3A_318 = tpu.memref_slice %arg8[%dma_start3A_311, %dma_start3A_317] : memref<2x32xi32, #tpu.memory_space<vmem>> -> memref<1x32xi32, #tpu.memory_space<vmem>>
      %dma_start3A_319 = tpu.memref_squeeze %dma_start3A_318 : memref<1x32xi32, #tpu.memory_space<vmem>> -> memref<32xi32, #tpu.memory_space<vmem>>
      %dma_start3A_320 = arith.constant 0 : i32
      %dma_start3A_321 = arith.constant 0 : i32
      %dma_start3A_322 = tpu.memref_slice %arg3[%dma_start3A_320, %dma_start3A_321] : memref<10112x128xf32, #tpu.memory_space<hbm>> -> memref<10112x128xf32, #tpu.memory_space<hbm>>
      tpu.enqueue_indirect_dma source(%dma_start3A_322 : memref<10112x128xf32, #tpu.memory_space<hbm>>) target(%dma_start3A_316 : memref<32x128xf32, #tpu.memory_space<vmem>>) offsets(%dma_start3A_319 : memref<32xi32, #tpu.memory_space<vmem>>) semaphore(%arg22 : memref<!tpu.dma_semaphore, #tpu.memory_space<semaphore_mem>>)
      %dma_start3A_323 = arith.constant 1 : i32
      %dma_start3A_324 = arith.constant 1 : i32
      %dma_start3A_325 = arith.constant 0 : i32
      %dma_start3A_326 = arith.constant 0 : i32
      %dma_start3A_327 = tpu.memref_slice %arg13[%dma_start3A_324, %dma_start3A_325, %dma_start3A_326] : memref<2x32x128xf32, #tpu.memory_space<vmem>> -> memref<1x32x128xf32, #tpu.memory_space<vmem>>
      %dma_start3A_328 = tpu.memref_squeeze %dma_start3A_327 : memref<1x32x128xf32, #tpu.memory_space<vmem>> -> memref<32x128xf32, #tpu.memory_space<vmem>>
      %dma_start3A_329 = arith.constant 0 : i32
      %dma_start3A_330 = tpu.memref_slice %arg7[%dma_start3A_323, %dma_start3A_329] : memref<2x32xi32, #tpu.memory_space<vmem>> -> memref<1x32xi32, #tpu.memory_space<vmem>>
      %dma_start3A_331 = tpu.memref_squeeze %dma_start3A_330 : memref<1x32xi32, #tpu.memory_space<vmem>> -> memref<32xi32, #tpu.memory_space<vmem>>
      %dma_start3A_332 = arith.constant 0 : i32
      %dma_start3A_333 = arith.constant 0 : i32
      %dma_start3A_334 = tpu.memref_slice %arg3[%dma_start3A_332, %dma_start3A_333] : memref<10112x128xf32, #tpu.memory_space<hbm>> -> memref<10112x128xf32, #tpu.memory_space<hbm>>
      tpu.enqueue_indirect_dma source(%dma_start3A_334 : memref<10112x128xf32, #tpu.memory_space<hbm>>) target(%dma_start3A_328 : memref<32x128xf32, #tpu.memory_space<vmem>>) offsets(%dma_start3A_331 : memref<32xi32, #tpu.memory_space<vmem>>) semaphore(%arg22 : memref<!tpu.dma_semaphore, #tpu.memory_space<semaphore_mem>>)
      %convert_element_type3A = arith.extui %gt3A_288 : i1 to i32
      %cond3A = arith.constant 0 : i32
      %cond3A_335 = arith.cmpi ne, %convert_element_type3A, %cond3A : i32
      scf.if %cond3A_335 {
        %dma_wait3A_606 = arith.constant 0 : i32
        %dma_wait3A_607 = arith.constant 0 : i32
        %dma_wait3A_608 = arith.constant 0 : i32
        %dma_wait3A_609 = arith.constant 0 : i32
        %dma_wait3A_610 = tpu.memref_slice %arg14[%dma_wait3A_606, %dma_wait3A_608, %dma_wait3A_609] : memref<2x32x128xf32, #tpu.memory_space<vmem>> -> memref<1x32x128xf32, #tpu.memory_space<vmem>>
        %dma_wait3A_611 = tpu.memref_squeeze %dma_wait3A_610 : memref<1x32x128xf32, #tpu.memory_space<vmem>> -> memref<32x128xf32, #tpu.memory_space<vmem>>
        %dma_wait3A_612 = arith.constant 0 : i32
        %dma_wait3A_613 = tpu.memref_slice %arg9[%dma_wait3A_607, %dma_wait3A_612] : memref<2x32xi32, #tpu.memory_space<vmem>> -> memref<1x32xi32, #tpu.memory_space<vmem>>
        %dma_wait3A_614 = tpu.memref_squeeze %dma_wait3A_613 : memref<1x32xi32, #tpu.memory_space<vmem>> -> memref<32xi32, #tpu.memory_space<vmem>>
        %dma_wait3A_615 = arith.constant 0 : i32
        %dma_wait3A_616 = arith.constant 0 : i32
        %dma_wait3A_617 = tpu.memref_slice %arg16[%dma_wait3A_615, %dma_wait3A_616] : memref<10112x128xf32, #tpu.memory_space<vmem_shared>> -> memref<10112x128xf32, #tpu.memory_space<vmem_shared>>
        tpu.wait_indirect_dma semaphore(%arg23 : memref<!tpu.dma_semaphore, #tpu.memory_space<semaphore_mem>>) src(%dma_wait3A_611 : memref<32x128xf32, #tpu.memory_space<vmem>>) dst(%dma_wait3A_617 : memref<10112x128xf32, #tpu.memory_space<vmem_shared>>)
        %dma_wait3A_618 = arith.constant 0 : i32
        %dma_wait3A_619 = arith.constant 0 : i32
        %dma_wait3A_620 = arith.constant 0 : i32
        %dma_wait3A_621 = arith.constant 0 : i32
        %dma_wait3A_622 = tpu.memref_slice %arg15[%dma_wait3A_618, %dma_wait3A_620, %dma_wait3A_621] : memref<2x32x128xf32, #tpu.memory_space<vmem>> -> memref<1x32x128xf32, #tpu.memory_space<vmem>>
        %dma_wait3A_623 = tpu.memref_squeeze %dma_wait3A_622 : memref<1x32x128xf32, #tpu.memory_space<vmem>> -> memref<32x128xf32, #tpu.memory_space<vmem>>
        %dma_wait3A_624 = arith.constant 0 : i32
        %dma_wait3A_625 = tpu.memref_slice %arg10[%dma_wait3A_619, %dma_wait3A_624] : memref<2x32xi32, #tpu.memory_space<vmem>> -> memref<1x32xi32, #tpu.memory_space<vmem>>
        %dma_wait3A_626 = tpu.memref_squeeze %dma_wait3A_625 : memref<1x32xi32, #tpu.memory_space<vmem>> -> memref<32xi32, #tpu.memory_space<vmem>>
        %dma_wait3A_627 = arith.constant 0 : i32
        %dma_wait3A_628 = arith.constant 0 : i32
        %dma_wait3A_629 = tpu.memref_slice %arg16[%dma_wait3A_627, %dma_wait3A_628] : memref<10112x128xf32, #tpu.memory_space<vmem_shared>> -> memref<10112x128xf32, #tpu.memory_space<vmem_shared>>
        tpu.wait_indirect_dma semaphore(%arg23 : memref<!tpu.dma_semaphore, #tpu.memory_space<semaphore_mem>>) src(%dma_wait3A_623 : memref<32x128xf32, #tpu.memory_space<vmem>>) dst(%dma_wait3A_629 : memref<10112x128xf32, #tpu.memory_space<vmem_shared>>)
      } else {
      }
      %dma_wait3A_336 = arith.constant 0 : i32
      %dma_wait3A_337 = arith.constant 0 : i32
      %dma_wait3A_338 = arith.constant 0 : i32
      %dma_wait3A_339 = tpu.memref_slice %arg11[%dma_wait3A_336, %dma_wait3A_337, %dma_wait3A_338] : memref<2x32x128xf32, #tpu.memory_space<vmem>> -> memref<1x32x128xf32, #tpu.memory_space<vmem>>
      %dma_wait3A_340 = tpu.memref_squeeze %dma_wait3A_339 : memref<1x32x128xf32, #tpu.memory_space<vmem>> -> memref<32x128xf32, #tpu.memory_space<vmem>>
      %dma_wait3A_341 = arith.constant 0 : i32
      %dma_wait3A_342 = arith.constant 0 : i32
      %dma_wait3A_343 = tpu.memref_slice %arg2[%dma_wait3A_341, %dma_wait3A_342] : memref<160000x128xf32, #tpu.memory_space<hbm>> -> memref<32x128xf32, #tpu.memory_space<hbm>>
      %dma_wait3A_344 = arith.constant 0 : i32
      %dma_wait3A_345 = arith.constant 0 : i32
      %dma_wait3A_346 = tpu.memref_slice %arg11[%dma_wait3A_336, %dma_wait3A_344, %dma_wait3A_345] : memref<2x32x128xf32, #tpu.memory_space<vmem>> -> memref<1x32x128xf32, #tpu.memory_space<vmem>>
      %dma_wait3A_347 = tpu.memref_squeeze %dma_wait3A_346 : memref<1x32x128xf32, #tpu.memory_space<vmem>> -> memref<32x128xf32, #tpu.memory_space<vmem>>
      %dma_wait3A_348 = arith.constant 0 : i32
      %dma_wait3A_349 = arith.constant 0 : i32
      %dma_wait3A_350 = tpu.memref_slice %arg2[%dma_wait3A_348, %dma_wait3A_349] : memref<160000x128xf32, #tpu.memory_space<hbm>> -> memref<32x128xf32, #tpu.memory_space<hbm>>
      tpu.wait_dma2 semaphore(%arg19 : memref<!tpu.dma_semaphore, #tpu.memory_space<semaphore_mem>>) src(%dma_wait3A_350 : memref<32x128xf32, #tpu.memory_space<hbm>>) dst(%dma_wait3A_347 : memref<32x128xf32, #tpu.memory_space<vmem>>)
      %dma_wait3A_351 = arith.constant 0 : i32
      %dma_wait3A_352 = arith.constant 0 : i32
      %dma_wait3A_353 = arith.constant 0 : i32
      %dma_wait3A_354 = arith.constant 0 : i32
      %dma_wait3A_355 = tpu.memref_slice %arg12[%dma_wait3A_352, %dma_wait3A_353, %dma_wait3A_354] : memref<2x32x128xf32, #tpu.memory_space<vmem>> -> memref<1x32x128xf32, #tpu.memory_space<vmem>>
      %dma_wait3A_356 = tpu.memref_squeeze %dma_wait3A_355 : memref<1x32x128xf32, #tpu.memory_space<vmem>> -> memref<32x128xf32, #tpu.memory_space<vmem>>
      %dma_wait3A_357 = arith.constant 0 : i32
      %dma_wait3A_358 = tpu.memref_slice %arg8[%dma_wait3A_351, %dma_wait3A_357] : memref<2x32xi32, #tpu.memory_space<vmem>> -> memref<1x32xi32, #tpu.memory_space<vmem>>
      %dma_wait3A_359 = tpu.memref_squeeze %dma_wait3A_358 : memref<1x32xi32, #tpu.memory_space<vmem>> -> memref<32xi32, #tpu.memory_space<vmem>>
      %dma_wait3A_360 = arith.constant 0 : i32
      %dma_wait3A_361 = arith.constant 0 : i32
      %dma_wait3A_362 = tpu.memref_slice %arg3[%dma_wait3A_360, %dma_wait3A_361] : memref<10112x128xf32, #tpu.memory_space<hbm>> -> memref<10112x128xf32, #tpu.memory_space<hbm>>
      tpu.wait_indirect_dma semaphore(%arg21 : memref<!tpu.dma_semaphore, #tpu.memory_space<semaphore_mem>>) src(%dma_wait3A_362 : memref<10112x128xf32, #tpu.memory_space<hbm>>) dst(%dma_wait3A_356 : memref<32x128xf32, #tpu.memory_space<vmem>>)
      %dma_wait3A_363 = arith.constant 0 : i32
      %dma_wait3A_364 = arith.constant 0 : i32
      %dma_wait3A_365 = arith.constant 0 : i32
      %dma_wait3A_366 = arith.constant 0 : i32
      %dma_wait3A_367 = tpu.memref_slice %arg13[%dma_wait3A_364, %dma_wait3A_365, %dma_wait3A_366] : memref<2x32x128xf32, #tpu.memory_space<vmem>> -> memref<1x32x128xf32, #tpu.memory_space<vmem>>
      %dma_wait3A_368 = tpu.memref_squeeze %dma_wait3A_367 : memref<1x32x128xf32, #tpu.memory_space<vmem>> -> memref<32x128xf32, #tpu.memory_space<vmem>>
      %dma_wait3A_369 = arith.constant 0 : i32
      %dma_wait3A_370 = tpu.memref_slice %arg7[%dma_wait3A_363, %dma_wait3A_369] : memref<2x32xi32, #tpu.memory_space<vmem>> -> memref<1x32xi32, #tpu.memory_space<vmem>>
      %dma_wait3A_371 = tpu.memref_squeeze %dma_wait3A_370 : memref<1x32xi32, #tpu.memory_space<vmem>> -> memref<32xi32, #tpu.memory_space<vmem>>
      %dma_wait3A_372 = arith.constant 0 : i32
      %dma_wait3A_373 = arith.constant 0 : i32
      %dma_wait3A_374 = tpu.memref_slice %arg3[%dma_wait3A_372, %dma_wait3A_373] : memref<10112x128xf32, #tpu.memory_space<hbm>> -> memref<10112x128xf32, #tpu.memory_space<hbm>>
      tpu.wait_indirect_dma semaphore(%arg21 : memref<!tpu.dma_semaphore, #tpu.memory_space<semaphore_mem>>) src(%dma_wait3A_374 : memref<10112x128xf32, #tpu.memory_space<hbm>>) dst(%dma_wait3A_368 : memref<32x128xf32, #tpu.memory_space<vmem>>)
      %scan3A_375 = arith.constant 0 : i32
      %scan3A_376 = arith.constant 0 : i32
      %scan3A_377 = arith.constant 32 : i32
      %scan3A_378 = arith.addi %scan3A_376, %scan3A_377 : i32
      %scan3A_379 = arith.constant 1 : i32
      scf.for %scan3A_606 = %scan3A_376 to %scan3A_378 step %scan3A_379  : i32 {
        %get3A_607 = arith.constant 0 : i32
        %get3A_608 = arith.constant 0 : i32
        %get3A_609 = arith.constant 0 : i32
        %get3A_610 = tpu.memref_slice %arg11[%get3A_607, %get3A_608, %get3A_609] : memref<2x32x128xf32, #tpu.memory_space<vmem>> -> memref<1x32x128xf32, #tpu.memory_space<vmem>>
        %get3A_611 = tpu.memref_squeeze %get3A_610 : memref<1x32x128xf32, #tpu.memory_space<vmem>> -> memref<32x128xf32, #tpu.memory_space<vmem>>
        %get3A_612 = arith.index_cast %scan3A_606 : i32 to index
        %get3A_613 = arith.constant 0 : index
        %get3A_614 = tpu.vector_load %get3A_611[%get3A_612, %get3A_613] {strides = array<i32>} : memref<32x128xf32, #tpu.memory_space<vmem>>, vector<1x16xf32>,
        %get3A_615 = vector.shape_cast %get3A_614 : vector<1x16xf32> to vector<16xf32>
        %get3A_616 = arith.constant 0 : i32
        %get3A_617 = arith.constant 0 : i32
        %get3A_618 = arith.constant 0 : i32
        %get3A_619 = tpu.memref_slice %arg12[%get3A_616, %get3A_617, %get3A_618] : memref<2x32x128xf32, #tpu.memory_space<vmem>> -> memref<1x32x128xf32, #tpu.memory_space<vmem>>
        %get3A_620 = tpu.memref_squeeze %get3A_619 : memref<1x32x128xf32, #tpu.memory_space<vmem>> -> memref<32x128xf32, #tpu.memory_space<vmem>>
        %get3A_621 = arith.index_cast %scan3A_606 : i32 to index
        %get3A_622 = arith.constant 0 : index
        %get3A_623 = tpu.vector_load %get3A_620[%get3A_621, %get3A_622] {strides = array<i32>} : memref<32x128xf32, #tpu.memory_space<vmem>>, vector<1x16xf32>,
        %get3A_624 = vector.shape_cast %get3A_623 : vector<1x16xf32> to vector<16xf32>
        %mul3A_625 = arith.mulf %get3A_624, %get3A_615 : vector<16xf32>
        %swap3A_626 = arith.constant 0 : i32
        %swap3A_627 = arith.constant 0 : i32
        %swap3A_628 = arith.constant 0 : i32
        %swap3A_629 = tpu.memref_slice %arg14[%swap3A_626, %swap3A_627, %swap3A_628] : memref<2x32x128xf32, #tpu.memory_space<vmem>> -> memref<1x32x128xf32, #tpu.memory_space<vmem>>
        %swap3A_630 = tpu.memref_squeeze %swap3A_629 : memref<1x32x128xf32, #tpu.memory_space<vmem>> -> memref<32x128xf32, #tpu.memory_space<vmem>>
        %swap3A_631 = arith.index_cast %scan3A_606 : i32 to index
        %swap3A_632 = arith.constant 0 : index
        %swap3A_633 = tpu.vector_load %swap3A_630[%swap3A_631, %swap3A_632] {strides = array<i32>} : memref<32x128xf32, #tpu.memory_space<vmem>>, vector<1x16xf32>,
        %swap3A_634 = vector.shape_cast %swap3A_633 : vector<1x16xf32> to vector<16xf32>
        %swap3A_635 = vector.shape_cast %mul3A_625 : vector<16xf32> to vector<1x16xf32>
        tpu.vector_store %swap3A_630[%swap3A_631, %swap3A_632], %swap3A_635 {strides = array<i32>} : memref<32x128xf32, #tpu.memory_space<vmem>>, vector<1x16xf32>,
        %get3A_636 = arith.constant 0 : i32
        %get3A_637 = arith.constant 0 : i32
        %get3A_638 = arith.constant 0 : i32
        %get3A_639 = tpu.memref_slice %arg13[%get3A_636, %get3A_637, %get3A_638] : memref<2x32x128xf32, #tpu.memory_space<vmem>> -> memref<1x32x128xf32, #tpu.memory_space<vmem>>
        %get3A_640 = tpu.memref_squeeze %get3A_639 : memref<1x32x128xf32, #tpu.memory_space<vmem>> -> memref<32x128xf32, #tpu.memory_space<vmem>>
        %get3A_641 = arith.index_cast %scan3A_606 : i32 to index
        %get3A_642 = arith.constant 0 : index
        %get3A_643 = tpu.vector_load %get3A_640[%get3A_641, %get3A_642] {strides = array<i32>} : memref<32x128xf32, #tpu.memory_space<vmem>>, vector<1x16xf32>,
        %get3A_644 = vector.shape_cast %get3A_643 : vector<1x16xf32> to vector<16xf32>
        %mul3A_645 = arith.mulf %get3A_644, %get3A_615 : vector<16xf32>
        %swap3A_646 = arith.constant 0 : i32
        %swap3A_647 = arith.constant 0 : i32
        %swap3A_648 = arith.constant 0 : i32
        %swap3A_649 = tpu.memref_slice %arg15[%swap3A_646, %swap3A_647, %swap3A_648] : memref<2x32x128xf32, #tpu.memory_space<vmem>> -> memref<1x32x128xf32, #tpu.memory_space<vmem>>
        %swap3A_650 = tpu.memref_squeeze %swap3A_649 : memref<1x32x128xf32, #tpu.memory_space<vmem>> -> memref<32x128xf32, #tpu.memory_space<vmem>>
        %swap3A_651 = arith.index_cast %scan3A_606 : i32 to index
        %swap3A_652 = arith.constant 0 : index
        %swap3A_653 = tpu.vector_load %swap3A_650[%swap3A_651, %swap3A_652] {strides = array<i32>} : memref<32x128xf32, #tpu.memory_space<vmem>>, vector<1x16xf32>,
        %swap3A_654 = vector.shape_cast %swap3A_653 : vector<1x16xf32> to vector<16xf32>
        %swap3A_655 = vector.shape_cast %mul3A_645 : vector<16xf32> to vector<1x16xf32>
        tpu.vector_store %swap3A_650[%swap3A_651, %swap3A_652], %swap3A_655 {strides = array<i32>} : memref<32x128xf32, #tpu.memory_space<vmem>>, vector<1x16xf32>,
        %get3A_656 = arith.constant 0 : i32
        %get3A_657 = arith.constant 0 : i32
        %get3A_658 = arith.constant 0 : i32
        %get3A_659 = tpu.memref_slice %arg11[%get3A_656, %get3A_657, %get3A_658] : memref<2x32x128xf32, #tpu.memory_space<vmem>> -> memref<1x32x128xf32, #tpu.memory_space<vmem>>
        %get3A_660 = tpu.memref_squeeze %get3A_659 : memref<1x32x128xf32, #tpu.memory_space<vmem>> -> memref<32x128xf32, #tpu.memory_space<vmem>>
        %get3A_661 = arith.index_cast %scan3A_606 : i32 to index
        %get3A_662 = arith.constant 16 : index
        %get3A_663 = tpu.vector_load %get3A_660[%get3A_661, %get3A_662] {strides = array<i32>} : memref<32x128xf32, #tpu.memory_space<vmem>>, vector<1x16xf32>,
        %get3A_664 = vector.shape_cast %get3A_663 : vector<1x16xf32> to vector<16xf32>
        %get3A_665 = arith.constant 0 : i32
        %get3A_666 = arith.constant 0 : i32
        %get3A_667 = arith.constant 0 : i32
        %get3A_668 = tpu.memref_slice %arg12[%get3A_665, %get3A_666, %get3A_667] : memref<2x32x128xf32, #tpu.memory_space<vmem>> -> memref<1x32x128xf32, #tpu.memory_space<vmem>>
        %get3A_669 = tpu.memref_squeeze %get3A_668 : memref<1x32x128xf32, #tpu.memory_space<vmem>> -> memref<32x128xf32, #tpu.memory_space<vmem>>
        %get3A_670 = arith.index_cast %scan3A_606 : i32 to index
        %get3A_671 = arith.constant 16 : index
        %get3A_672 = tpu.vector_load %get3A_669[%get3A_670, %get3A_671] {strides = array<i32>} : memref<32x128xf32, #tpu.memory_space<vmem>>, vector<1x16xf32>,
        %get3A_673 = vector.shape_cast %get3A_672 : vector<1x16xf32> to vector<16xf32>
        %mul3A_674 = arith.mulf %get3A_673, %get3A_664 : vector<16xf32>
        %swap3A_675 = arith.constant 0 : i32
        %swap3A_676 = arith.constant 0 : i32
        %swap3A_677 = arith.constant 0 : i32
        %swap3A_678 = tpu.memref_slice %arg14[%swap3A_675, %swap3A_676, %swap3A_677] : memref<2x32x128xf32, #tpu.memory_space<vmem>> -> memref<1x32x128xf32, #tpu.memory_space<vmem>>
        %swap3A_679 = tpu.memref_squeeze %swap3A_678 : memref<1x32x128xf32, #tpu.memory_space<vmem>> -> memref<32x128xf32, #tpu.memory_space<vmem>>
        %swap3A_680 = arith.index_cast %scan3A_606 : i32 to index
        %swap3A_681 = arith.constant 16 : index
        %swap3A_682 = tpu.vector_load %swap3A_679[%swap3A_680, %swap3A_681] {strides = array<i32>} : memref<32x128xf32, #tpu.memory_space<vmem>>, vector<1x16xf32>,
        %swap3A_683 = vector.shape_cast %swap3A_682 : vector<1x16xf32> to vector<16xf32>
        %swap3A_684 = vector.shape_cast %mul3A_674 : vector<16xf32> to vector<1x16xf32>
        tpu.vector_store %swap3A_679[%swap3A_680, %swap3A_681], %swap3A_684 {strides = array<i32>} : memref<32x128xf32, #tpu.memory_space<vmem>>, vector<1x16xf32>,
        %get3A_685 = arith.constant 0 : i32
        %get3A_686 = arith.constant 0 : i32
        %get3A_687 = arith.constant 0 : i32
        %get3A_688 = tpu.memref_slice %arg13[%get3A_685, %get3A_686, %get3A_687] : memref<2x32x128xf32, #tpu.memory_space<vmem>> -> memref<1x32x128xf32, #tpu.memory_space<vmem>>
        %get3A_689 = tpu.memref_squeeze %get3A_688 : memref<1x32x128xf32, #tpu.memory_space<vmem>> -> memref<32x128xf32, #tpu.memory_space<vmem>>
        %get3A_690 = arith.index_cast %scan3A_606 : i32 to index
        %get3A_691 = arith.constant 16 : index
        %get3A_692 = tpu.vector_load %get3A_689[%get3A_690, %get3A_691] {strides = array<i32>} : memref<32x128xf32, #tpu.memory_space<vmem>>, vector<1x16xf32>,
        %get3A_693 = vector.shape_cast %get3A_692 : vector<1x16xf32> to vector<16xf32>
        %mul3A_694 = arith.mulf %get3A_693, %get3A_664 : vector<16xf32>
        %swap3A_695 = arith.constant 0 : i32
        %swap3A_696 = arith.constant 0 : i32
        %swap3A_697 = arith.constant 0 : i32
        %swap3A_698 = tpu.memref_slice %arg15[%swap3A_695, %swap3A_696, %swap3A_697] : memref<2x32x128xf32, #tpu.memory_space<vmem>> -> memref<1x32x128xf32, #tpu.memory_space<vmem>>
        %swap3A_699 = tpu.memref_squeeze %swap3A_698 : memref<1x32x128xf32, #tpu.memory_space<vmem>> -> memref<32x128xf32, #tpu.memory_space<vmem>>
        %swap3A_700 = arith.index_cast %scan3A_606 : i32 to index
        %swap3A_701 = arith.constant 16 : index
        %swap3A_702 = tpu.vector_load %swap3A_699[%swap3A_700, %swap3A_701] {strides = array<i32>} : memref<32x128xf32, #tpu.memory_space<vmem>>, vector<1x16xf32>,
        %swap3A_703 = vector.shape_cast %swap3A_702 : vector<1x16xf32> to vector<16xf32>
        %swap3A_704 = vector.shape_cast %mul3A_694 : vector<16xf32> to vector<1x16xf32>
        tpu.vector_store %swap3A_699[%swap3A_700, %swap3A_701], %swap3A_704 {strides = array<i32>} : memref<32x128xf32, #tpu.memory_space<vmem>>, vector<1x16xf32>,
        %get3A_705 = arith.constant 0 : i32
        %get3A_706 = arith.constant 0 : i32
        %get3A_707 = arith.constant 0 : i32
        %get3A_708 = tpu.memref_slice %arg11[%get3A_705, %get3A_706, %get3A_707] : memref<2x32x128xf32, #tpu.memory_space<vmem>> -> memref<1x32x128xf32, #tpu.memory_space<vmem>>
        %get3A_709 = tpu.memref_squeeze %get3A_708 : memref<1x32x128xf32, #tpu.memory_space<vmem>> -> memref<32x128xf32, #tpu.memory_space<vmem>>
        %get3A_710 = arith.index_cast %scan3A_606 : i32 to index
        %get3A_711 = arith.constant 32 : index
        %get3A_712 = tpu.vector_load %get3A_709[%get3A_710, %get3A_711] {strides = array<i32>} : memref<32x128xf32, #tpu.memory_space<vmem>>, vector<1x16xf32>,
        %get3A_713 = vector.shape_cast %get3A_712 : vector<1x16xf32> to vector<16xf32>
        %get3A_714 = arith.constant 0 : i32
        %get3A_715 = arith.constant 0 : i32
        %get3A_716 = arith.constant 0 : i32
        %get3A_717 = tpu.memref_slice %arg12[%get3A_714, %get3A_715, %get3A_716] : memref<2x32x128xf32, #tpu.memory_space<vmem>> -> memref<1x32x128xf32, #tpu.memory_space<vmem>>
        %get3A_718 = tpu.memref_squeeze %get3A_717 : memref<1x32x128xf32, #tpu.memory_space<vmem>> -> memref<32x128xf32, #tpu.memory_space<vmem>>
        %get3A_719 = arith.index_cast %scan3A_606 : i32 to index
        %get3A_720 = arith.constant 32 : index
        %get3A_721 = tpu.vector_load %get3A_718[%get3A_719, %get3A_720] {strides = array<i32>} : memref<32x128xf32, #tpu.memory_space<vmem>>, vector<1x16xf32>,
        %get3A_722 = vector.shape_cast %get3A_721 : vector<1x16xf32> to vector<16xf32>
        %mul3A_723 = arith.mulf %get3A_722, %get3A_713 : vector<16xf32>
        %swap3A_724 = arith.constant 0 : i32
        %swap3A_725 = arith.constant 0 : i32
        %swap3A_726 = arith.constant 0 : i32
        %swap3A_727 = tpu.memref_slice %arg14[%swap3A_724, %swap3A_725, %swap3A_726] : memref<2x32x128xf32, #tpu.memory_space<vmem>> -> memref<1x32x128xf32, #tpu.memory_space<vmem>>
        %swap3A_728 = tpu.memref_squeeze %swap3A_727 : memref<1x32x128xf32, #tpu.memory_space<vmem>> -> memref<32x128xf32, #tpu.memory_space<vmem>>
        %swap3A_729 = arith.index_cast %scan3A_606 : i32 to index
        %swap3A_730 = arith.constant 32 : index
        %swap3A_731 = tpu.vector_load %swap3A_728[%swap3A_729, %swap3A_730] {strides = array<i32>} : memref<32x128xf32, #tpu.memory_space<vmem>>, vector<1x16xf32>,
        %swap3A_732 = vector.shape_cast %swap3A_731 : vector<1x16xf32> to vector<16xf32>
        %swap3A_733 = vector.shape_cast %mul3A_723 : vector<16xf32> to vector<1x16xf32>
        tpu.vector_store %swap3A_728[%swap3A_729, %swap3A_730], %swap3A_733 {strides = array<i32>} : memref<32x128xf32, #tpu.memory_space<vmem>>, vector<1x16xf32>,
        %get3A_734 = arith.constant 0 : i32
        %get3A_735 = arith.constant 0 : i32
        %get3A_736 = arith.constant 0 : i32
        %get3A_737 = tpu.memref_slice %arg13[%get3A_734, %get3A_735, %get3A_736] : memref<2x32x128xf32, #tpu.memory_space<vmem>> -> memref<1x32x128xf32, #tpu.memory_space<vmem>>
        %get3A_738 = tpu.memref_squeeze %get3A_737 : memref<1x32x128xf32, #tpu.memory_space<vmem>> -> memref<32x128xf32, #tpu.memory_space<vmem>>
        %get3A_739 = arith.index_cast %scan3A_606 : i32 to index
        %get3A_740 = arith.constant 32 : index
        %get3A_741 = tpu.vector_load %get3A_738[%get3A_739, %get3A_740] {strides = array<i32>} : memref<32x128xf32, #tpu.memory_space<vmem>>, vector<1x16xf32>,
        %get3A_742 = vector.shape_cast %get3A_741 : vector<1x16xf32> to vector<16xf32>
        %mul3A_743 = arith.mulf %get3A_742, %get3A_713 : vector<16xf32>
        %swap3A_744 = arith.constant 0 : i32
        %swap3A_745 = arith.constant 0 : i32
        %swap3A_746 = arith.constant 0 : i32
        %swap3A_747 = tpu.memref_slice %arg15[%swap3A_744, %swap3A_745, %swap3A_746] : memref<2x32x128xf32, #tpu.memory_space<vmem>> -> memref<1x32x128xf32, #tpu.memory_space<vmem>>
        %swap3A_748 = tpu.memref_squeeze %swap3A_747 : memref<1x32x128xf32, #tpu.memory_space<vmem>> -> memref<32x128xf32, #tpu.memory_space<vmem>>
        %swap3A_749 = arith.index_cast %scan3A_606 : i32 to index
        %swap3A_750 = arith.constant 32 : index
        %swap3A_751 = tpu.vector_load %swap3A_748[%swap3A_749, %swap3A_750] {strides = array<i32>} : memref<32x128xf32, #tpu.memory_space<vmem>>, vector<1x16xf32>,
        %swap3A_752 = vector.shape_cast %swap3A_751 : vector<1x16xf32> to vector<16xf32>
        %swap3A_753 = vector.shape_cast %mul3A_743 : vector<16xf32> to vector<1x16xf32>
        tpu.vector_store %swap3A_748[%swap3A_749, %swap3A_750], %swap3A_753 {strides = array<i32>} : memref<32x128xf32, #tpu.memory_space<vmem>>, vector<1x16xf32>,
        %get3A_754 = arith.constant 0 : i32
        %get3A_755 = arith.constant 0 : i32
        %get3A_756 = arith.constant 0 : i32
        %get3A_757 = tpu.memref_slice %arg11[%get3A_754, %get3A_755, %get3A_756] : memref<2x32x128xf32, #tpu.memory_space<vmem>> -> memref<1x32x128xf32, #tpu.memory_space<vmem>>
        %get3A_758 = tpu.memref_squeeze %get3A_757 : memref<1x32x128xf32, #tpu.memory_space<vmem>> -> memref<32x128xf32, #tpu.memory_space<vmem>>
        %get3A_759 = arith.index_cast %scan3A_606 : i32 to index
        %get3A_760 = arith.constant 48 : index
        %get3A_761 = tpu.vector_load %get3A_758[%get3A_759, %get3A_760] {strides = array<i32>} : memref<32x128xf32, #tpu.memory_space<vmem>>, vector<1x16xf32>,
        %get3A_762 = vector.shape_cast %get3A_761 : vector<1x16xf32> to vector<16xf32>
        %get3A_763 = arith.constant 0 : i32
        %get3A_764 = arith.constant 0 : i32
        %get3A_765 = arith.constant 0 : i32
        %get3A_766 = tpu.memref_slice %arg12[%get3A_763, %get3A_764, %get3A_765] : memref<2x32x128xf32, #tpu.memory_space<vmem>> -> memref<1x32x128xf32, #tpu.memory_space<vmem>>
        %get3A_767 = tpu.memref_squeeze %get3A_766 : memref<1x32x128xf32, #tpu.memory_space<vmem>> -> memref<32x128xf32, #tpu.memory_space<vmem>>
        %get3A_768 = arith.index_cast %scan3A_606 : i32 to index
        %get3A_769 = arith.constant 48 : index
        %get3A_770 = tpu.vector_load %get3A_767[%get3A_768, %get3A_769] {strides = array<i32>} : memref<32x128xf32, #tpu.memory_space<vmem>>, vector<1x16xf32>,
        %get3A_771 = vector.shape_cast %get3A_770 : vector<1x16xf32> to vector<16xf32>
        %mul3A_772 = arith.mulf %get3A_771, %get3A_762 : vector<16xf32>
        %swap3A_773 = arith.constant 0 : i32
        %swap3A_774 = arith.constant 0 : i32
        %swap3A_775 = arith.constant 0 : i32
        %swap3A_776 = tpu.memref_slice %arg14[%swap3A_773, %swap3A_774, %swap3A_775] : memref<2x32x128xf32, #tpu.memory_space<vmem>> -> memref<1x32x128xf32, #tpu.memory_space<vmem>>
        %swap3A_777 = tpu.memref_squeeze %swap3A_776 : memref<1x32x128xf32, #tpu.memory_space<vmem>> -> memref<32x128xf32, #tpu.memory_space<vmem>>
        %swap3A_778 = arith.index_cast %scan3A_606 : i32 to index
        %swap3A_779 = arith.constant 48 : index
        %swap3A_780 = tpu.vector_load %swap3A_777[%swap3A_778, %swap3A_779] {strides = array<i32>} : memref<32x128xf32, #tpu.memory_space<vmem>>, vector<1x16xf32>,
        %swap3A_781 = vector.shape_cast %swap3A_780 : vector<1x16xf32> to vector<16xf32>
        %swap3A_782 = vector.shape_cast %mul3A_772 : vector<16xf32> to vector<1x16xf32>
        tpu.vector_store %swap3A_777[%swap3A_778, %swap3A_779], %swap3A_782 {strides = array<i32>} : memref<32x128xf32, #tpu.memory_space<vmem>>, vector<1x16xf32>,
        %get3A_783 = arith.constant 0 : i32
        %get3A_784 = arith.constant 0 : i32
        %get3A_785 = arith.constant 0 : i32
        %get3A_786 = tpu.memref_slice %arg13[%get3A_783, %get3A_784, %get3A_785] : memref<2x32x128xf32, #tpu.memory_space<vmem>> -> memref<1x32x128xf32, #tpu.memory_space<vmem>>
        %get3A_787 = tpu.memref_squeeze %get3A_786 : memref<1x32x128xf32, #tpu.memory_space<vmem>> -> memref<32x128xf32, #tpu.memory_space<vmem>>
        %get3A_788 = arith.index_cast %scan3A_606 : i32 to index
        %get3A_789 = arith.constant 48 : index
        %get3A_790 = tpu.vector_load %get3A_787[%get3A_788, %get3A_789] {strides = array<i32>} : memref<32x128xf32, #tpu.memory_space<vmem>>, vector<1x16xf32>,
        %get3A_791 = vector.shape_cast %get3A_790 : vector<1x16xf32> to vector<16xf32>
        %mul3A_792 = arith.mulf %get3A_791, %get3A_762 : vector<16xf32>
        %swap3A_793 = arith.constant 0 : i32
        %swap3A_794 = arith.constant 0 : i32
        %swap3A_795 = arith.constant 0 : i32
        %swap3A_796 = tpu.memref_slice %arg15[%swap3A_793, %swap3A_794, %swap3A_795] : memref<2x32x128xf32, #tpu.memory_space<vmem>> -> memref<1x32x128xf32, #tpu.memory_space<vmem>>
        %swap3A_797 = tpu.memref_squeeze %swap3A_796 : memref<1x32x128xf32, #tpu.memory_space<vmem>> -> memref<32x128xf32, #tpu.memory_space<vmem>>
        %swap3A_798 = arith.index_cast %scan3A_606 : i32 to index
        %swap3A_799 = arith.constant 48 : index
        %swap3A_800 = tpu.vector_load %swap3A_797[%swap3A_798, %swap3A_799] {strides = array<i32>} : memref<32x128xf32, #tpu.memory_space<vmem>>, vector<1x16xf32>,
        %swap3A_801 = vector.shape_cast %swap3A_800 : vector<1x16xf32> to vector<16xf32>
        %swap3A_802 = vector.shape_cast %mul3A_792 : vector<16xf32> to vector<1x16xf32>
        tpu.vector_store %swap3A_797[%swap3A_798, %swap3A_799], %swap3A_802 {strides = array<i32>} : memref<32x128xf32, #tpu.memory_space<vmem>>, vector<1x16xf32>,
        %get3A_803 = arith.constant 0 : i32
        %get3A_804 = arith.constant 0 : i32
        %get3A_805 = arith.constant 0 : i32
        %get3A_806 = tpu.memref_slice %arg11[%get3A_803, %get3A_804, %get3A_805] : memref<2x32x128xf32, #tpu.memory_space<vmem>> -> memref<1x32x128xf32, #tpu.memory_space<vmem>>
        %get3A_807 = tpu.memref_squeeze %get3A_806 : memref<1x32x128xf32, #tpu.memory_space<vmem>> -> memref<32x128xf32, #tpu.memory_space<vmem>>
        %get3A_808 = arith.index_cast %scan3A_606 : i32 to index
        %get3A_809 = arith.constant 64 : index
        %get3A_810 = tpu.vector_load %get3A_807[%get3A_808, %get3A_809] {strides = array<i32>} : memref<32x128xf32, #tpu.memory_space<vmem>>, vector<1x16xf32>,
        %get3A_811 = vector.shape_cast %get3A_810 : vector<1x16xf32> to vector<16xf32>
        %get3A_812 = arith.constant 0 : i32
        %get3A_813 = arith.constant 0 : i32
        %get3A_814 = arith.constant 0 : i32
        %get3A_815 = tpu.memref_slice %arg12[%get3A_812, %get3A_813, %get3A_814] : memref<2x32x128xf32, #tpu.memory_space<vmem>> -> memref<1x32x128xf32, #tpu.memory_space<vmem>>
        %get3A_816 = tpu.memref_squeeze %get3A_815 : memref<1x32x128xf32, #tpu.memory_space<vmem>> -> memref<32x128xf32, #tpu.memory_space<vmem>>
        %get3A_817 = arith.index_cast %scan3A_606 : i32 to index
        %get3A_818 = arith.constant 64 : index
        %get3A_819 = tpu.vector_load %get3A_816[%get3A_817, %get3A_818] {strides = array<i32>} : memref<32x128xf32, #tpu.memory_space<vmem>>, vector<1x16xf32>,
        %get3A_820 = vector.shape_cast %get3A_819 : vector<1x16xf32> to vector<16xf32>
        %mul3A_821 = arith.mulf %get3A_820, %get3A_811 : vector<16xf32>
        %swap3A_822 = arith.constant 0 : i32
        %swap3A_823 = arith.constant 0 : i32
        %swap3A_824 = arith.constant 0 : i32
        %swap3A_825 = tpu.memref_slice %arg14[%swap3A_822, %swap3A_823, %swap3A_824] : memref<2x32x128xf32, #tpu.memory_space<vmem>> -> memref<1x32x128xf32, #tpu.memory_space<vmem>>
        %swap3A_826 = tpu.memref_squeeze %swap3A_825 : memref<1x32x128xf32, #tpu.memory_space<vmem>> -> memref<32x128xf32, #tpu.memory_space<vmem>>
        %swap3A_827 = arith.index_cast %scan3A_606 : i32 to index
        %swap3A_828 = arith.constant 64 : index
        %swap3A_829 = tpu.vector_load %swap3A_826[%swap3A_827, %swap3A_828] {strides = array<i32>} : memref<32x128xf32, #tpu.memory_space<vmem>>, vector<1x16xf32>,
        %swap3A_830 = vector.shape_cast %swap3A_829 : vector<1x16xf32> to vector<16xf32>
        %swap3A_831 = vector.shape_cast %mul3A_821 : vector<16xf32> to vector<1x16xf32>
        tpu.vector_store %swap3A_826[%swap3A_827, %swap3A_828], %swap3A_831 {strides = array<i32>} : memref<32x128xf32, #tpu.memory_space<vmem>>, vector<1x16xf32>,
        %get3A_832 = arith.constant 0 : i32
        %get3A_833 = arith.constant 0 : i32
        %get3A_834 = arith.constant 0 : i32
        %get3A_835 = tpu.memref_slice %arg13[%get3A_832, %get3A_833, %get3A_834] : memref<2x32x128xf32, #tpu.memory_space<vmem>> -> memref<1x32x128xf32, #tpu.memory_space<vmem>>
        %get3A_836 = tpu.memref_squeeze %get3A_835 : memref<1x32x128xf32, #tpu.memory_space<vmem>> -> memref<32x128xf32, #tpu.memory_space<vmem>>
        %get3A_837 = arith.index_cast %scan3A_606 : i32 to index
        %get3A_838 = arith.constant 64 : index
        %get3A_839 = tpu.vector_load %get3A_836[%get3A_837, %get3A_838] {strides = array<i32>} : memref<32x128xf32, #tpu.memory_space<vmem>>, vector<1x16xf32>,
        %get3A_840 = vector.shape_cast %get3A_839 : vector<1x16xf32> to vector<16xf32>
        %mul3A_841 = arith.mulf %get3A_840, %get3A_811 : vector<16xf32>
        %swap3A_842 = arith.constant 0 : i32
        %swap3A_843 = arith.constant 0 : i32
        %swap3A_844 = arith.constant 0 : i32
        %swap3A_845 = tpu.memref_slice %arg15[%swap3A_842, %swap3A_843, %swap3A_844] : memref<2x32x128xf32, #tpu.memory_space<vmem>> -> memref<1x32x128xf32, #tpu.memory_space<vmem>>
        %swap3A_846 = tpu.memref_squeeze %swap3A_845 : memref<1x32x128xf32, #tpu.memory_space<vmem>> -> memref<32x128xf32, #tpu.memory_space<vmem>>
        %swap3A_847 = arith.index_cast %scan3A_606 : i32 to index
        %swap3A_848 = arith.constant 64 : index
        %swap3A_849 = tpu.vector_load %swap3A_846[%swap3A_847, %swap3A_848] {strides = array<i32>} : memref<32x128xf32, #tpu.memory_space<vmem>>, vector<1x16xf32>,
        %swap3A_850 = vector.shape_cast %swap3A_849 : vector<1x16xf32> to vector<16xf32>
        %swap3A_851 = vector.shape_cast %mul3A_841 : vector<16xf32> to vector<1x16xf32>
        tpu.vector_store %swap3A_846[%swap3A_847, %swap3A_848], %swap3A_851 {strides = array<i32>} : memref<32x128xf32, #tpu.memory_space<vmem>>, vector<1x16xf32>,
        %get3A_852 = arith.constant 0 : i32
        %get3A_853 = arith.constant 0 : i32
        %get3A_854 = arith.constant 0 : i32
        %get3A_855 = tpu.memref_slice %arg11[%get3A_852, %get3A_853, %get3A_854] : memref<2x32x128xf32, #tpu.memory_space<vmem>> -> memref<1x32x128xf32, #tpu.memory_space<vmem>>
        %get3A_856 = tpu.memref_squeeze %get3A_855 : memref<1x32x128xf32, #tpu.memory_space<vmem>> -> memref<32x128xf32, #tpu.memory_space<vmem>>
        %get3A_857 = arith.index_cast %scan3A_606 : i32 to index
        %get3A_858 = arith.constant 80 : index
        %get3A_859 = tpu.vector_load %get3A_856[%get3A_857, %get3A_858] {strides = array<i32>} : memref<32x128xf32, #tpu.memory_space<vmem>>, vector<1x16xf32>,
        %get3A_860 = vector.shape_cast %get3A_859 : vector<1x16xf32> to vector<16xf32>
        %get3A_861 = arith.constant 0 : i32
        %get3A_862 = arith.constant 0 : i32
        %get3A_863 = arith.constant 0 : i32
        %get3A_864 = tpu.memref_slice %arg12[%get3A_861, %get3A_862, %get3A_863] : memref<2x32x128xf32, #tpu.memory_space<vmem>> -> memref<1x32x128xf32, #tpu.memory_space<vmem>>
        %get3A_865 = tpu.memref_squeeze %get3A_864 : memref<1x32x128xf32, #tpu.memory_space<vmem>> -> memref<32x128xf32, #tpu.memory_space<vmem>>
        %get3A_866 = arith.index_cast %scan3A_606 : i32 to index
        %get3A_867 = arith.constant 80 : index
        %get3A_868 = tpu.vector_load %get3A_865[%get3A_866, %get3A_867] {strides = array<i32>} : memref<32x128xf32, #tpu.memory_space<vmem>>, vector<1x16xf32>,
        %get3A_869 = vector.shape_cast %get3A_868 : vector<1x16xf32> to vector<16xf32>
        %mul3A_870 = arith.mulf %get3A_869, %get3A_860 : vector<16xf32>
        %swap3A_871 = arith.constant 0 : i32
        %swap3A_872 = arith.constant 0 : i32
        %swap3A_873 = arith.constant 0 : i32
        %swap3A_874 = tpu.memref_slice %arg14[%swap3A_871, %swap3A_872, %swap3A_873] : memref<2x32x128xf32, #tpu.memory_space<vmem>> -> memref<1x32x128xf32, #tpu.memory_space<vmem>>
        %swap3A_875 = tpu.memref_squeeze %swap3A_874 : memref<1x32x128xf32, #tpu.memory_space<vmem>> -> memref<32x128xf32, #tpu.memory_space<vmem>>
        %swap3A_876 = arith.index_cast %scan3A_606 : i32 to index
        %swap3A_877 = arith.constant 80 : index
        %swap3A_878 = tpu.vector_load %swap3A_875[%swap3A_876, %swap3A_877] {strides = array<i32>} : memref<32x128xf32, #tpu.memory_space<vmem>>, vector<1x16xf32>,
        %swap3A_879 = vector.shape_cast %swap3A_878 : vector<1x16xf32> to vector<16xf32>
        %swap3A_880 = vector.shape_cast %mul3A_870 : vector<16xf32> to vector<1x16xf32>
        tpu.vector_store %swap3A_875[%swap3A_876, %swap3A_877], %swap3A_880 {strides = array<i32>} : memref<32x128xf32, #tpu.memory_space<vmem>>, vector<1x16xf32>,
        %get3A_881 = arith.constant 0 : i32
        %get3A_882 = arith.constant 0 : i32
        %get3A_883 = arith.constant 0 : i32
        %get3A_884 = tpu.memref_slice %arg13[%get3A_881, %get3A_882, %get3A_883] : memref<2x32x128xf32, #tpu.memory_space<vmem>> -> memref<1x32x128xf32, #tpu.memory_space<vmem>>
        %get3A_885 = tpu.memref_squeeze %get3A_884 : memref<1x32x128xf32, #tpu.memory_space<vmem>> -> memref<32x128xf32, #tpu.memory_space<vmem>>
        %get3A_886 = arith.index_cast %scan3A_606 : i32 to index
        %get3A_887 = arith.constant 80 : index
        %get3A_888 = tpu.vector_load %get3A_885[%get3A_886, %get3A_887] {strides = array<i32>} : memref<32x128xf32, #tpu.memory_space<vmem>>, vector<1x16xf32>,
        %get3A_889 = vector.shape_cast %get3A_888 : vector<1x16xf32> to vector<16xf32>
        %mul3A_890 = arith.mulf %get3A_889, %get3A_860 : vector<16xf32>
        %swap3A_891 = arith.constant 0 : i32
        %swap3A_892 = arith.constant 0 : i32
        %swap3A_893 = arith.constant 0 : i32
        %swap3A_894 = tpu.memref_slice %arg15[%swap3A_891, %swap3A_892, %swap3A_893] : memref<2x32x128xf32, #tpu.memory_space<vmem>> -> memref<1x32x128xf32, #tpu.memory_space<vmem>>
        %swap3A_895 = tpu.memref_squeeze %swap3A_894 : memref<1x32x128xf32, #tpu.memory_space<vmem>> -> memref<32x128xf32, #tpu.memory_space<vmem>>
        %swap3A_896 = arith.index_cast %scan3A_606 : i32 to index
        %swap3A_897 = arith.constant 80 : index
        %swap3A_898 = tpu.vector_load %swap3A_895[%swap3A_896, %swap3A_897] {strides = array<i32>} : memref<32x128xf32, #tpu.memory_space<vmem>>, vector<1x16xf32>,
        %swap3A_899 = vector.shape_cast %swap3A_898 : vector<1x16xf32> to vector<16xf32>
        %swap3A_900 = vector.shape_cast %mul3A_890 : vector<16xf32> to vector<1x16xf32>
        tpu.vector_store %swap3A_895[%swap3A_896, %swap3A_897], %swap3A_900 {strides = array<i32>} : memref<32x128xf32, #tpu.memory_space<vmem>>, vector<1x16xf32>,
        %get3A_901 = arith.constant 0 : i32
        %get3A_902 = arith.constant 0 : i32
        %get3A_903 = arith.constant 0 : i32
        %get3A_904 = tpu.memref_slice %arg11[%get3A_901, %get3A_902, %get3A_903] : memref<2x32x128xf32, #tpu.memory_space<vmem>> -> memref<1x32x128xf32, #tpu.memory_space<vmem>>
        %get3A_905 = tpu.memref_squeeze %get3A_904 : memref<1x32x128xf32, #tpu.memory_space<vmem>> -> memref<32x128xf32, #tpu.memory_space<vmem>>
        %get3A_906 = arith.index_cast %scan3A_606 : i32 to index
        %get3A_907 = arith.constant 96 : index
        %get3A_908 = tpu.vector_load %get3A_905[%get3A_906, %get3A_907] {strides = array<i32>} : memref<32x128xf32, #tpu.memory_space<vmem>>, vector<1x16xf32>,
        %get3A_909 = vector.shape_cast %get3A_908 : vector<1x16xf32> to vector<16xf32>
        %get3A_910 = arith.constant 0 : i32
        %get3A_911 = arith.constant 0 : i32
        %get3A_912 = arith.constant 0 : i32
        %get3A_913 = tpu.memref_slice %arg12[%get3A_910, %get3A_911, %get3A_912] : memref<2x32x128xf32, #tpu.memory_space<vmem>> -> memref<1x32x128xf32, #tpu.memory_space<vmem>>
        %get3A_914 = tpu.memref_squeeze %get3A_913 : memref<1x32x128xf32, #tpu.memory_space<vmem>> -> memref<32x128xf32, #tpu.memory_space<vmem>>
        %get3A_915 = arith.index_cast %scan3A_606 : i32 to index
        %get3A_916 = arith.constant 96 : index
        %get3A_917 = tpu.vector_load %get3A_914[%get3A_915, %get3A_916] {strides = array<i32>} : memref<32x128xf32, #tpu.memory_space<vmem>>, vector<1x16xf32>,
        %get3A_918 = vector.shape_cast %get3A_917 : vector<1x16xf32> to vector<16xf32>
        %mul3A_919 = arith.mulf %get3A_918, %get3A_909 : vector<16xf32>
        %swap3A_920 = arith.constant 0 : i32
        %swap3A_921 = arith.constant 0 : i32
        %swap3A_922 = arith.constant 0 : i32
        %swap3A_923 = tpu.memref_slice %arg14[%swap3A_920, %swap3A_921, %swap3A_922] : memref<2x32x128xf32, #tpu.memory_space<vmem>> -> memref<1x32x128xf32, #tpu.memory_space<vmem>>
        %swap3A_924 = tpu.memref_squeeze %swap3A_923 : memref<1x32x128xf32, #tpu.memory_space<vmem>> -> memref<32x128xf32, #tpu.memory_space<vmem>>
        %swap3A_925 = arith.index_cast %scan3A_606 : i32 to index
        %swap3A_926 = arith.constant 96 : index
        %swap3A_927 = tpu.vector_load %swap3A_924[%swap3A_925, %swap3A_926] {strides = array<i32>} : memref<32x128xf32, #tpu.memory_space<vmem>>, vector<1x16xf32>,
        %swap3A_928 = vector.shape_cast %swap3A_927 : vector<1x16xf32> to vector<16xf32>
        %swap3A_929 = vector.shape_cast %mul3A_919 : vector<16xf32> to vector<1x16xf32>
        tpu.vector_store %swap3A_924[%swap3A_925, %swap3A_926], %swap3A_929 {strides = array<i32>} : memref<32x128xf32, #tpu.memory_space<vmem>>, vector<1x16xf32>,
        %get3A_930 = arith.constant 0 : i32
        %get3A_931 = arith.constant 0 : i32
        %get3A_932 = arith.constant 0 : i32
        %get3A_933 = tpu.memref_slice %arg13[%get3A_930, %get3A_931, %get3A_932] : memref<2x32x128xf32, #tpu.memory_space<vmem>> -> memref<1x32x128xf32, #tpu.memory_space<vmem>>
        %get3A_934 = tpu.memref_squeeze %get3A_933 : memref<1x32x128xf32, #tpu.memory_space<vmem>> -> memref<32x128xf32, #tpu.memory_space<vmem>>
        %get3A_935 = arith.index_cast %scan3A_606 : i32 to index
        %get3A_936 = arith.constant 96 : index
        %get3A_937 = tpu.vector_load %get3A_934[%get3A_935, %get3A_936] {strides = array<i32>} : memref<32x128xf32, #tpu.memory_space<vmem>>, vector<1x16xf32>,
        %get3A_938 = vector.shape_cast %get3A_937 : vector<1x16xf32> to vector<16xf32>
        %mul3A_939 = arith.mulf %get3A_938, %get3A_909 : vector<16xf32>
        %swap3A_940 = arith.constant 0 : i32
        %swap3A_941 = arith.constant 0 : i32
        %swap3A_942 = arith.constant 0 : i32
        %swap3A_943 = tpu.memref_slice %arg15[%swap3A_940, %swap3A_941, %swap3A_942] : memref<2x32x128xf32, #tpu.memory_space<vmem>> -> memref<1x32x128xf32, #tpu.memory_space<vmem>>
        %swap3A_944 = tpu.memref_squeeze %swap3A_943 : memref<1x32x128xf32, #tpu.memory_space<vmem>> -> memref<32x128xf32, #tpu.memory_space<vmem>>
        %swap3A_945 = arith.index_cast %scan3A_606 : i32 to index
        %swap3A_946 = arith.constant 96 : index
        %swap3A_947 = tpu.vector_load %swap3A_944[%swap3A_945, %swap3A_946] {strides = array<i32>} : memref<32x128xf32, #tpu.memory_space<vmem>>, vector<1x16xf32>,
        %swap3A_948 = vector.shape_cast %swap3A_947 : vector<1x16xf32> to vector<16xf32>
        %swap3A_949 = vector.shape_cast %mul3A_939 : vector<16xf32> to vector<1x16xf32>
        tpu.vector_store %swap3A_944[%swap3A_945, %swap3A_946], %swap3A_949 {strides = array<i32>} : memref<32x128xf32, #tpu.memory_space<vmem>>, vector<1x16xf32>,
        %get3A_950 = arith.constant 0 : i32
        %get3A_951 = arith.constant 0 : i32
        %get3A_952 = arith.constant 0 : i32
        %get3A_953 = tpu.memref_slice %arg11[%get3A_950, %get3A_951, %get3A_952] : memref<2x32x128xf32, #tpu.memory_space<vmem>> -> memref<1x32x128xf32, #tpu.memory_space<vmem>>
        %get3A_954 = tpu.memref_squeeze %get3A_953 : memref<1x32x128xf32, #tpu.memory_space<vmem>> -> memref<32x128xf32, #tpu.memory_space<vmem>>
        %get3A_955 = arith.index_cast %scan3A_606 : i32 to index
        %get3A_956 = arith.constant 112 : index
        %get3A_957 = tpu.vector_load %get3A_954[%get3A_955, %get3A_956] {strides = array<i32>} : memref<32x128xf32, #tpu.memory_space<vmem>>, vector<1x16xf32>,
        %get3A_958 = vector.shape_cast %get3A_957 : vector<1x16xf32> to vector<16xf32>
        %get3A_959 = arith.constant 0 : i32
        %get3A_960 = arith.constant 0 : i32
        %get3A_961 = arith.constant 0 : i32
        %get3A_962 = tpu.memref_slice %arg12[%get3A_959, %get3A_960, %get3A_961] : memref<2x32x128xf32, #tpu.memory_space<vmem>> -> memref<1x32x128xf32, #tpu.memory_space<vmem>>
        %get3A_963 = tpu.memref_squeeze %get3A_962 : memref<1x32x128xf32, #tpu.memory_space<vmem>> -> memref<32x128xf32, #tpu.memory_space<vmem>>
        %get3A_964 = arith.index_cast %scan3A_606 : i32 to index
        %get3A_965 = arith.constant 112 : index
        %get3A_966 = tpu.vector_load %get3A_963[%get3A_964, %get3A_965] {strides = array<i32>} : memref<32x128xf32, #tpu.memory_space<vmem>>, vector<1x16xf32>,
        %get3A_967 = vector.shape_cast %get3A_966 : vector<1x16xf32> to vector<16xf32>
        %mul3A_968 = arith.mulf %get3A_967, %get3A_958 : vector<16xf32>
        %swap3A_969 = arith.constant 0 : i32
        %swap3A_970 = arith.constant 0 : i32
        %swap3A_971 = arith.constant 0 : i32
        %swap3A_972 = tpu.memref_slice %arg14[%swap3A_969, %swap3A_970, %swap3A_971] : memref<2x32x128xf32, #tpu.memory_space<vmem>> -> memref<1x32x128xf32, #tpu.memory_space<vmem>>
        %swap3A_973 = tpu.memref_squeeze %swap3A_972 : memref<1x32x128xf32, #tpu.memory_space<vmem>> -> memref<32x128xf32, #tpu.memory_space<vmem>>
        %swap3A_974 = arith.index_cast %scan3A_606 : i32 to index
        %swap3A_975 = arith.constant 112 : index
        %swap3A_976 = tpu.vector_load %swap3A_973[%swap3A_974, %swap3A_975] {strides = array<i32>} : memref<32x128xf32, #tpu.memory_space<vmem>>, vector<1x16xf32>,
        %swap3A_977 = vector.shape_cast %swap3A_976 : vector<1x16xf32> to vector<16xf32>
        %swap3A_978 = vector.shape_cast %mul3A_968 : vector<16xf32> to vector<1x16xf32>
        tpu.vector_store %swap3A_973[%swap3A_974, %swap3A_975], %swap3A_978 {strides = array<i32>} : memref<32x128xf32, #tpu.memory_space<vmem>>, vector<1x16xf32>,
        %get3A_979 = arith.constant 0 : i32
        %get3A_980 = arith.constant 0 : i32
        %get3A_981 = arith.constant 0 : i32
        %get3A_982 = tpu.memref_slice %arg13[%get3A_979, %get3A_980, %get3A_981] : memref<2x32x128xf32, #tpu.memory_space<vmem>> -> memref<1x32x128xf32, #tpu.memory_space<vmem>>
        %get3A_983 = tpu.memref_squeeze %get3A_982 : memref<1x32x128xf32, #tpu.memory_space<vmem>> -> memref<32x128xf32, #tpu.memory_space<vmem>>
        %get3A_984 = arith.index_cast %scan3A_606 : i32 to index
        %get3A_985 = arith.constant 112 : index
        %get3A_986 = tpu.vector_load %get3A_983[%get3A_984, %get3A_985] {strides = array<i32>} : memref<32x128xf32, #tpu.memory_space<vmem>>, vector<1x16xf32>,
        %get3A_987 = vector.shape_cast %get3A_986 : vector<1x16xf32> to vector<16xf32>
        %mul3A_988 = arith.mulf %get3A_987, %get3A_958 : vector<16xf32>
        %swap3A_989 = arith.constant 0 : i32
        %swap3A_990 = arith.constant 0 : i32
        %swap3A_991 = arith.constant 0 : i32
        %swap3A_992 = tpu.memref_slice %arg15[%swap3A_989, %swap3A_990, %swap3A_991] : memref<2x32x128xf32, #tpu.memory_space<vmem>> -> memref<1x32x128xf32, #tpu.memory_space<vmem>>
        %swap3A_993 = tpu.memref_squeeze %swap3A_992 : memref<1x32x128xf32, #tpu.memory_space<vmem>> -> memref<32x128xf32, #tpu.memory_space<vmem>>
        %swap3A_994 = arith.index_cast %scan3A_606 : i32 to index
        %swap3A_995 = arith.constant 112 : index
        %swap3A_996 = tpu.vector_load %swap3A_993[%swap3A_994, %swap3A_995] {strides = array<i32>} : memref<32x128xf32, #tpu.memory_space<vmem>>, vector<1x16xf32>,
        %swap3A_997 = vector.shape_cast %swap3A_996 : vector<1x16xf32> to vector<16xf32>
        %swap3A_998 = vector.shape_cast %mul3A_988 : vector<16xf32> to vector<1x16xf32>
        tpu.vector_store %swap3A_993[%swap3A_994, %swap3A_995], %swap3A_998 {strides = array<i32>} : memref<32x128xf32, #tpu.memory_space<vmem>>, vector<1x16xf32>,
      }
      %scan3A_380 = arith.constant 32 : i32
      %get3A = arith.constant 0 : i32
      %get3A_381 = arith.constant 0 : i32
      %get3A_382 = tpu.memref_slice %arg7[%get3A, %get3A_381] : memref<2x32xi32, #tpu.memory_space<vmem>> -> memref<1x32xi32, #tpu.memory_space<vmem>>
      %get3A_383 = tpu.memref_squeeze %get3A_382 : memref<1x32xi32, #tpu.memory_space<vmem>> -> memref<32xi32, #tpu.memory_space<vmem>>
      %get3A_384 = arith.constant 0 : index
      %get3A_385 = tpu.vector_load %get3A_383[%get3A_384] {strides = array<i32>} : memref<32xi32, #tpu.memory_space<vmem>>, vector<16xi32>,
      %get3A_386 = vector.shape_cast %get3A_385 : vector<16xi32> to vector<16xi32>
      %swap3A = arith.constant 0 : i32
      %swap3A_387 = arith.constant 0 : i32
      %swap3A_388 = tpu.memref_slice %arg9[%swap3A, %swap3A_387] : memref<2x32xi32, #tpu.memory_space<vmem>> -> memref<1x32xi32, #tpu.memory_space<vmem>>
      %swap3A_389 = tpu.memref_squeeze %swap3A_388 : memref<1x32xi32, #tpu.memory_space<vmem>> -> memref<32xi32, #tpu.memory_space<vmem>>
      %swap3A_390 = arith.constant 0 : index
      %swap3A_391 = tpu.vector_load %swap3A_389[%swap3A_390] {strides = array<i32>} : memref<32xi32, #tpu.memory_space<vmem>>, vector<16xi32>,
      %swap3A_392 = vector.shape_cast %swap3A_391 : vector<16xi32> to vector<16xi32>
      %swap3A_393 = vector.shape_cast %get3A_386 : vector<16xi32> to vector<16xi32>
      tpu.vector_store %swap3A_389[%swap3A_390], %swap3A_393 {strides = array<i32>} : memref<32xi32, #tpu.memory_space<vmem>>, vector<16xi32>,
      %get3A_394 = arith.constant 0 : i32
      %get3A_395 = arith.constant 0 : i32
      %get3A_396 = tpu.memref_slice %arg8[%get3A_394, %get3A_395] : memref<2x32xi32, #tpu.memory_space<vmem>> -> memref<1x32xi32, #tpu.memory_space<vmem>>
      %get3A_397 = tpu.memref_squeeze %get3A_396 : memref<1x32xi32, #tpu.memory_space<vmem>> -> memref<32xi32, #tpu.memory_space<vmem>>
      %get3A_398 = arith.constant 0 : index
      %get3A_399 = tpu.vector_load %get3A_397[%get3A_398] {strides = array<i32>} : memref<32xi32, #tpu.memory_space<vmem>>, vector<16xi32>,
      %get3A_400 = vector.shape_cast %get3A_399 : vector<16xi32> to vector<16xi32>
      %swap3A_401 = arith.constant 0 : i32
      %swap3A_402 = arith.constant 0 : i32
      %swap3A_403 = tpu.memref_slice %arg10[%swap3A_401, %swap3A_402] : memref<2x32xi32, #tpu.memory_space<vmem>> -> memref<1x32xi32, #tpu.memory_space<vmem>>
      %swap3A_404 = tpu.memref_squeeze %swap3A_403 : memref<1x32xi32, #tpu.memory_space<vmem>> -> memref<32xi32, #tpu.memory_space<vmem>>
      %swap3A_405 = arith.constant 0 : index
      %swap3A_406 = tpu.vector_load %swap3A_404[%swap3A_405] {strides = array<i32>} : memref<32xi32, #tpu.memory_space<vmem>>, vector<16xi32>,
      %swap3A_407 = vector.shape_cast %swap3A_406 : vector<16xi32> to vector<16xi32>
      %swap3A_408 = vector.shape_cast %get3A_400 : vector<16xi32> to vector<16xi32>
      tpu.vector_store %swap3A_404[%swap3A_405], %swap3A_408 {strides = array<i32>} : memref<32xi32, #tpu.memory_space<vmem>>, vector<16xi32>,
      %get3A_409 = arith.constant 0 : i32
      %get3A_410 = arith.constant 0 : i32
      %get3A_411 = tpu.memref_slice %arg7[%get3A_409, %get3A_410] : memref<2x32xi32, #tpu.memory_space<vmem>> -> memref<1x32xi32, #tpu.memory_space<vmem>>
      %get3A_412 = tpu.memref_squeeze %get3A_411 : memref<1x32xi32, #tpu.memory_space<vmem>> -> memref<32xi32, #tpu.memory_space<vmem>>
      %get3A_413 = arith.constant 16 : index
      %get3A_414 = tpu.vector_load %get3A_412[%get3A_413] {strides = array<i32>} : memref<32xi32, #tpu.memory_space<vmem>>, vector<16xi32>,
      %get3A_415 = vector.shape_cast %get3A_414 : vector<16xi32> to vector<16xi32>
      %swap3A_416 = arith.constant 0 : i32
      %swap3A_417 = arith.constant 0 : i32
      %swap3A_418 = tpu.memref_slice %arg9[%swap3A_416, %swap3A_417] : memref<2x32xi32, #tpu.memory_space<vmem>> -> memref<1x32xi32, #tpu.memory_space<vmem>>
      %swap3A_419 = tpu.memref_squeeze %swap3A_418 : memref<1x32xi32, #tpu.memory_space<vmem>> -> memref<32xi32, #tpu.memory_space<vmem>>
      %swap3A_420 = arith.constant 16 : index
      %swap3A_421 = tpu.vector_load %swap3A_419[%swap3A_420] {strides = array<i32>} : memref<32xi32, #tpu.memory_space<vmem>>, vector<16xi32>,
      %swap3A_422 = vector.shape_cast %swap3A_421 : vector<16xi32> to vector<16xi32>
      %swap3A_423 = vector.shape_cast %get3A_415 : vector<16xi32> to vector<16xi32>
      tpu.vector_store %swap3A_419[%swap3A_420], %swap3A_423 {strides = array<i32>} : memref<32xi32, #tpu.memory_space<vmem>>, vector<16xi32>,
      %get3A_424 = arith.constant 0 : i32
      %get3A_425 = arith.constant 0 : i32
      %get3A_426 = tpu.memref_slice %arg8[%get3A_424, %get3A_425] : memref<2x32xi32, #tpu.memory_space<vmem>> -> memref<1x32xi32, #tpu.memory_space<vmem>>
      %get3A_427 = tpu.memref_squeeze %get3A_426 : memref<1x32xi32, #tpu.memory_space<vmem>> -> memref<32xi32, #tpu.memory_space<vmem>>
      %get3A_428 = arith.constant 16 : index
      %get3A_429 = tpu.vector_load %get3A_427[%get3A_428] {strides = array<i32>} : memref<32xi32, #tpu.memory_space<vmem>>, vector<16xi32>,
      %get3A_430 = vector.shape_cast %get3A_429 : vector<16xi32> to vector<16xi32>
      %swap3A_431 = arith.constant 0 : i32
      %swap3A_432 = arith.constant 0 : i32
      %swap3A_433 = tpu.memref_slice %arg10[%swap3A_431, %swap3A_432] : memref<2x32xi32, #tpu.memory_space<vmem>> -> memref<1x32xi32, #tpu.memory_space<vmem>>
      %swap3A_434 = tpu.memref_squeeze %swap3A_433 : memref<1x32xi32, #tpu.memory_space<vmem>> -> memref<32xi32, #tpu.memory_space<vmem>>
      %swap3A_435 = arith.constant 16 : index
      %swap3A_436 = tpu.vector_load %swap3A_434[%swap3A_435] {strides = array<i32>} : memref<32xi32, #tpu.memory_space<vmem>>, vector<16xi32>,
      %swap3A_437 = vector.shape_cast %swap3A_436 : vector<16xi32> to vector<16xi32>
      %swap3A_438 = vector.shape_cast %get3A_430 : vector<16xi32> to vector<16xi32>
      tpu.vector_store %swap3A_434[%swap3A_435], %swap3A_438 {strides = array<i32>} : memref<32xi32, #tpu.memory_space<vmem>>, vector<16xi32>,
      %dma_start3A_439 = arith.constant 0 : i32
      %dma_start3A_440 = arith.constant 0 : i32
      %dma_start3A_441 = arith.constant 0 : i32
      %dma_start3A_442 = arith.constant 0 : i32
      %dma_start3A_443 = tpu.memref_slice %arg14[%dma_start3A_439, %dma_start3A_441, %dma_start3A_442] : memref<2x32x128xf32, #tpu.memory_space<vmem>> -> memref<1x32x128xf32, #tpu.memory_space<vmem>>
      %dma_start3A_444 = tpu.memref_squeeze %dma_start3A_443 : memref<1x32x128xf32, #tpu.memory_space<vmem>> -> memref<32x128xf32, #tpu.memory_space<vmem>>
      %dma_start3A_445 = arith.constant 0 : i32
      %dma_start3A_446 = tpu.memref_slice %arg9[%dma_start3A_440, %dma_start3A_445] : memref<2x32xi32, #tpu.memory_space<vmem>> -> memref<1x32xi32, #tpu.memory_space<vmem>>
      %dma_start3A_447 = tpu.memref_squeeze %dma_start3A_446 : memref<1x32xi32, #tpu.memory_space<vmem>> -> memref<32xi32, #tpu.memory_space<vmem>>
      %dma_start3A_448 = arith.constant 0 : i32
      %dma_start3A_449 = arith.constant 0 : i32
      %dma_start3A_450 = tpu.memref_slice %arg16[%dma_start3A_448, %dma_start3A_449] : memref<10112x128xf32, #tpu.memory_space<vmem_shared>> -> memref<10112x128xf32, #tpu.memory_space<vmem_shared>>
      tpu.enqueue_indirect_dma source(%dma_start3A_444 : memref<32x128xf32, #tpu.memory_space<vmem>>) target(%dma_start3A_450 : memref<10112x128xf32, #tpu.memory_space<vmem_shared>>) offsets(%dma_start3A_447 : memref<32xi32, #tpu.memory_space<vmem>>) semaphore(%arg23 : memref<!tpu.dma_semaphore, #tpu.memory_space<semaphore_mem>>) {add = true}
      %dma_start3A_451 = arith.constant 0 : i32
      %dma_start3A_452 = arith.constant 0 : i32
      %dma_start3A_453 = arith.constant 0 : i32
      %dma_start3A_454 = arith.constant 0 : i32
      %dma_start3A_455 = tpu.memref_slice %arg15[%dma_start3A_451, %dma_start3A_453, %dma_start3A_454] : memref<2x32x128xf32, #tpu.memory_space<vmem>> -> memref<1x32x128xf32, #tpu.memory_space<vmem>>
      %dma_start3A_456 = tpu.memref_squeeze %dma_start3A_455 : memref<1x32x128xf32, #tpu.memory_space<vmem>> -> memref<32x128xf32, #tpu.memory_space<vmem>>
      %dma_start3A_457 = arith.constant 0 : i32
      %dma_start3A_458 = tpu.memref_slice %arg10[%dma_start3A_452, %dma_start3A_457] : memref<2x32xi32, #tpu.memory_space<vmem>> -> memref<1x32xi32, #tpu.memory_space<vmem>>
      %dma_start3A_459 = tpu.memref_squeeze %dma_start3A_458 : memref<1x32xi32, #tpu.memory_space<vmem>> -> memref<32xi32, #tpu.memory_space<vmem>>
      %dma_start3A_460 = arith.constant 0 : i32
      %dma_start3A_461 = arith.constant 0 : i32
      %dma_start3A_462 = tpu.memref_slice %arg16[%dma_start3A_460, %dma_start3A_461] : memref<10112x128xf32, #tpu.memory_space<vmem_shared>> -> memref<10112x128xf32, #tpu.memory_space<vmem_shared>>
      tpu.enqueue_indirect_dma source(%dma_start3A_456 : memref<32x128xf32, #tpu.memory_space<vmem>>) target(%dma_start3A_462 : memref<10112x128xf32, #tpu.memory_space<vmem_shared>>) offsets(%dma_start3A_459 : memref<32xi32, #tpu.memory_space<vmem>>) semaphore(%arg23 : memref<!tpu.dma_semaphore, #tpu.memory_space<semaphore_mem>>) {add = true}
      %lt3A = arith.constant 79 : i32
      %lt3A_463 = arith.cmpi slt, %scan3A_285, %lt3A : i32
      %convert_element_type3A_464 = arith.extui %lt3A_463 : i1 to i32
      %cond3A_465 = arith.constant 0 : i32
      %cond3A_466 = arith.cmpi ne, %convert_element_type3A_464, %cond3A_465 : i32
      scf.if %cond3A_466 {
        %add3A_606 = arith.constant 2 : i32
        %add3A_607 = arith.addi %mul3A_287, %add3A_606 : i32
        %mul3A_608 = arith.constant 160 : i32
        %mul3A_609 = arith.muli %add3A, %mul3A_608 : i32
        %add3A_610 = arith.addi %mul3A_609, %add3A_607 : i32
        %mul3A_611 = arith.constant 32 : i32
        %mul3A_612 = arith.muli %add3A_610, %mul3A_611 : i32
        %min3A_613 = arith.constant 159968 : i32
        %min3A_614 = arith.minsi %mul3A_612, %min3A_613 : i32
        %dma_start3A_615 = arith.constant 0 : i32
        %dma_start3A_616 = arith.constant 0 : i32
        %dma_start3A_617 = tpu.memref_slice %arg7[%dma_start3A_615, %dma_start3A_616] : memref<2x32xi32, #tpu.memory_space<vmem>> -> memref<1x32xi32, #tpu.memory_space<vmem>>
        %dma_start3A_618 = tpu.memref_squeeze %dma_start3A_617 : memref<1x32xi32, #tpu.memory_space<vmem>> -> memref<32xi32, #tpu.memory_space<vmem>>
        %dma_start3A_619 = tpu.memref_slice %arg4[%mul3A_612] : memref<163840xi32, #tpu.memory_space<hbm>> -> memref<32xi32, #tpu.memory_space<hbm>>
        %dma_start3A_620 = arith.constant 0 : i32
        %dma_start3A_621 = tpu.memref_slice %arg7[%dma_start3A_615, %dma_start3A_620] : memref<2x32xi32, #tpu.memory_space<vmem>> -> memref<1x32xi32, #tpu.memory_space<vmem>>
        %dma_start3A_622 = tpu.memref_squeeze %dma_start3A_621 : memref<1x32xi32, #tpu.memory_space<vmem>> -> memref<32xi32, #tpu.memory_space<vmem>>
        %dma_start3A_623 = tpu.memref_slice %arg4[%mul3A_612] : memref<163840xi32, #tpu.memory_space<hbm>> -> memref<32xi32, #tpu.memory_space<hbm>>
        tpu.enqueue_dma source(%dma_start3A_623 : memref<32xi32, #tpu.memory_space<hbm>>) target(%dma_start3A_622 : memref<32xi32, #tpu.memory_space<vmem>>) target_semaphore(%arg17 : memref<!tpu.dma_semaphore, #tpu.memory_space<semaphore_mem>>)
        %dma_start3A_624 = arith.constant 0 : i32
        %dma_start3A_625 = arith.constant 0 : i32
        %dma_start3A_626 = tpu.memref_slice %arg8[%dma_start3A_624, %dma_start3A_625] : memref<2x32xi32, #tpu.memory_space<vmem>> -> memref<1x32xi32, #tpu.memory_space<vmem>>
        %dma_start3A_627 = tpu.memref_squeeze %dma_start3A_626 : memref<1x32xi32, #tpu.memory_space<vmem>> -> memref<32xi32, #tpu.memory_space<vmem>>
        %dma_start3A_628 = tpu.memref_slice %arg5[%mul3A_612] : memref<163840xi32, #tpu.memory_space<hbm>> -> memref<32xi32, #tpu.memory_space<hbm>>
        %dma_start3A_629 = arith.constant 0 : i32
        %dma_start3A_630 = tpu.memref_slice %arg8[%dma_start3A_624, %dma_start3A_629] : memref<2x32xi32, #tpu.memory_space<vmem>> -> memref<1x32xi32, #tpu.memory_space<vmem>>
        %dma_start3A_631 = tpu.memref_squeeze %dma_start3A_630 : memref<1x32xi32, #tpu.memory_space<vmem>> -> memref<32xi32, #tpu.memory_space<vmem>>
        %dma_start3A_632 = tpu.memref_slice %arg5[%mul3A_612] : memref<163840xi32, #tpu.memory_space<hbm>> -> memref<32xi32, #tpu.memory_space<hbm>>
        tpu.enqueue_dma source(%dma_start3A_632 : memref<32xi32, #tpu.memory_space<hbm>>) target(%dma_start3A_631 : memref<32xi32, #tpu.memory_space<vmem>>) target_semaphore(%arg17 : memref<!tpu.dma_semaphore, #tpu.memory_space<semaphore_mem>>)
        %dma_start3A_633 = arith.constant 0 : i32
        %dma_start3A_634 = arith.constant 0 : i32
        %dma_start3A_635 = arith.constant 0 : i32
        %dma_start3A_636 = tpu.memref_slice %arg11[%dma_start3A_633, %dma_start3A_634, %dma_start3A_635] : memref<2x32x128xf32, #tpu.memory_space<vmem>> -> memref<1x32x128xf32, #tpu.memory_space<vmem>>
        %dma_start3A_637 = tpu.memref_squeeze %dma_start3A_636 : memref<1x32x128xf32, #tpu.memory_space<vmem>> -> memref<32x128xf32, #tpu.memory_space<vmem>>
        %dma_start3A_638 = arith.constant 0 : i32
        %dma_start3A_639 = tpu.memref_slice %arg2[%min3A_614, %dma_start3A_638] : memref<160000x128xf32, #tpu.memory_space<hbm>> -> memref<32x128xf32, #tpu.memory_space<hbm>>
        %dma_start3A_640 = arith.constant 0 : i32
        %dma_start3A_641 = arith.constant 0 : i32
        %dma_start3A_642 = tpu.memref_slice %arg11[%dma_start3A_633, %dma_start3A_640, %dma_start3A_641] : memref<2x32x128xf32, #tpu.memory_space<vmem>> -> memref<1x32x128xf32, #tpu.memory_space<vmem>>
        %dma_start3A_643 = tpu.memref_squeeze %dma_start3A_642 : memref<1x32x128xf32, #tpu.memory_space<vmem>> -> memref<32x128xf32, #tpu.memory_space<vmem>>
        %dma_start3A_644 = arith.constant 0 : i32
        %dma_start3A_645 = tpu.memref_slice %arg2[%min3A_614, %dma_start3A_644] : memref<160000x128xf32, #tpu.memory_space<hbm>> -> memref<32x128xf32, #tpu.memory_space<hbm>>
        tpu.enqueue_dma source(%dma_start3A_645 : memref<32x128xf32, #tpu.memory_space<hbm>>) target(%dma_start3A_643 : memref<32x128xf32, #tpu.memory_space<vmem>>) target_semaphore(%arg19 : memref<!tpu.dma_semaphore, #tpu.memory_space<semaphore_mem>>)
        %dma_wait3A_646 = arith.constant 0 : i32
        %dma_wait3A_647 = arith.constant 0 : i32
        %dma_wait3A_648 = tpu.memref_slice %arg7[%dma_wait3A_646, %dma_wait3A_647] : memref<2x32xi32, #tpu.memory_space<vmem>> -> memref<1x32xi32, #tpu.memory_space<vmem>>
        %dma_wait3A_649 = tpu.memref_squeeze %dma_wait3A_648 : memref<1x32xi32, #tpu.memory_space<vmem>> -> memref<32xi32, #tpu.memory_space<vmem>>
        %dma_wait3A_650 = arith.constant 0 : i32
        %dma_wait3A_651 = tpu.memref_slice %arg4[%dma_wait3A_650] : memref<163840xi32, #tpu.memory_space<hbm>> -> memref<32xi32, #tpu.memory_space<hbm>>
        %dma_wait3A_652 = arith.constant 0 : i32
        %dma_wait3A_653 = tpu.memref_slice %arg7[%dma_wait3A_646, %dma_wait3A_652] : memref<2x32xi32, #tpu.memory_space<vmem>> -> memref<1x32xi32, #tpu.memory_space<vmem>>
        %dma_wait3A_654 = tpu.memref_squeeze %dma_wait3A_653 : memref<1x32xi32, #tpu.memory_space<vmem>> -> memref<32xi32, #tpu.memory_space<vmem>>
        %dma_wait3A_655 = arith.constant 0 : i32
        %dma_wait3A_656 = tpu.memref_slice %arg4[%dma_wait3A_655] : memref<163840xi32, #tpu.memory_space<hbm>> -> memref<32xi32, #tpu.memory_space<hbm>>
        tpu.wait_dma2 semaphore(%arg17 : memref<!tpu.dma_semaphore, #tpu.memory_space<semaphore_mem>>) src(%dma_wait3A_656 : memref<32xi32, #tpu.memory_space<hbm>>) dst(%dma_wait3A_654 : memref<32xi32, #tpu.memory_space<vmem>>)
        %dma_wait3A_657 = arith.constant 0 : i32
        %dma_wait3A_658 = arith.constant 0 : i32
        %dma_wait3A_659 = tpu.memref_slice %arg8[%dma_wait3A_657, %dma_wait3A_658] : memref<2x32xi32, #tpu.memory_space<vmem>> -> memref<1x32xi32, #tpu.memory_space<vmem>>
        %dma_wait3A_660 = tpu.memref_squeeze %dma_wait3A_659 : memref<1x32xi32, #tpu.memory_space<vmem>> -> memref<32xi32, #tpu.memory_space<vmem>>
        %dma_wait3A_661 = arith.constant 0 : i32
        %dma_wait3A_662 = tpu.memref_slice %arg5[%dma_wait3A_661] : memref<163840xi32, #tpu.memory_space<hbm>> -> memref<32xi32, #tpu.memory_space<hbm>>
        %dma_wait3A_663 = arith.constant 0 : i32
        %dma_wait3A_664 = tpu.memref_slice %arg8[%dma_wait3A_657, %dma_wait3A_663] : memref<2x32xi32, #tpu.memory_space<vmem>> -> memref<1x32xi32, #tpu.memory_space<vmem>>
        %dma_wait3A_665 = tpu.memref_squeeze %dma_wait3A_664 : memref<1x32xi32, #tpu.memory_space<vmem>> -> memref<32xi32, #tpu.memory_space<vmem>>
        %dma_wait3A_666 = arith.constant 0 : i32
        %dma_wait3A_667 = tpu.memref_slice %arg5[%dma_wait3A_666] : memref<163840xi32, #tpu.memory_space<hbm>> -> memref<32xi32, #tpu.memory_space<hbm>>
        tpu.wait_dma2 semaphore(%arg17 : memref<!tpu.dma_semaphore, #tpu.memory_space<semaphore_mem>>) src(%dma_wait3A_667 : memref<32xi32, #tpu.memory_space<hbm>>) dst(%dma_wait3A_665 : memref<32xi32, #tpu.memory_space<vmem>>)
        %dma_start3A_668 = arith.constant 0 : i32
        %dma_start3A_669 = arith.constant 0 : i32
        %dma_start3A_670 = arith.constant 0 : i32
        %dma_start3A_671 = arith.constant 0 : i32
        %dma_start3A_672 = tpu.memref_slice %arg12[%dma_start3A_669, %dma_start3A_670, %dma_start3A_671] : memref<2x32x128xf32, #tpu.memory_space<vmem>> -> memref<1x32x128xf32, #tpu.memory_space<vmem>>
        %dma_start3A_673 = tpu.memref_squeeze %dma_start3A_672 : memref<1x32x128xf32, #tpu.memory_space<vmem>> -> memref<32x128xf32, #tpu.memory_space<vmem>>
        %dma_start3A_674 = arith.constant 0 : i32
        %dma_start3A_675 = tpu.memref_slice %arg8[%dma_start3A_668, %dma_start3A_674] : memref<2x32xi32, #tpu.memory_space<vmem>> -> memref<1x32xi32, #tpu.memory_space<vmem>>
        %dma_start3A_676 = tpu.memref_squeeze %dma_start3A_675 : memref<1x32xi32, #tpu.memory_space<vmem>> -> memref<32xi32, #tpu.memory_space<vmem>>
        %dma_start3A_677 = arith.constant 0 : i32
        %dma_start3A_678 = arith.constant 0 : i32
        %dma_start3A_679 = tpu.memref_slice %arg3[%dma_start3A_677, %dma_start3A_678] : memref<10112x128xf32, #tpu.memory_space<hbm>> -> memref<10112x128xf32, #tpu.memory_space<hbm>>
        tpu.enqueue_indirect_dma source(%dma_start3A_679 : memref<10112x128xf32, #tpu.memory_space<hbm>>) target(%dma_start3A_673 : memref<32x128xf32, #tpu.memory_space<vmem>>) offsets(%dma_start3A_676 : memref<32xi32, #tpu.memory_space<vmem>>) semaphore(%arg21 : memref<!tpu.dma_semaphore, #tpu.memory_space<semaphore_mem>>)
        %dma_start3A_680 = arith.constant 0 : i32
        %dma_start3A_681 = arith.constant 0 : i32
        %dma_start3A_682 = arith.constant 0 : i32
        %dma_start3A_683 = arith.constant 0 : i32
        %dma_start3A_684 = tpu.memref_slice %arg13[%dma_start3A_681, %dma_start3A_682, %dma_start3A_683] : memref<2x32x128xf32, #tpu.memory_space<vmem>> -> memref<1x32x128xf32, #tpu.memory_space<vmem>>
        %dma_start3A_685 = tpu.memref_squeeze %dma_start3A_684 : memref<1x32x128xf32, #tpu.memory_space<vmem>> -> memref<32x128xf32, #tpu.memory_space<vmem>>
        %dma_start3A_686 = arith.constant 0 : i32
        %dma_start3A_687 = tpu.memref_slice %arg7[%dma_start3A_680, %dma_start3A_686] : memref<2x32xi32, #tpu.memory_space<vmem>> -> memref<1x32xi32, #tpu.memory_space<vmem>>
        %dma_start3A_688 = tpu.memref_squeeze %dma_start3A_687 : memref<1x32xi32, #tpu.memory_space<vmem>> -> memref<32xi32, #tpu.memory_space<vmem>>
        %dma_start3A_689 = arith.constant 0 : i32
        %dma_start3A_690 = arith.constant 0 : i32
        %dma_start3A_691 = tpu.memref_slice %arg3[%dma_start3A_689, %dma_start3A_690] : memref<10112x128xf32, #tpu.memory_space<hbm>> -> memref<10112x128xf32, #tpu.memory_space<hbm>>
        tpu.enqueue_indirect_dma source(%dma_start3A_691 : memref<10112x128xf32, #tpu.memory_space<hbm>>) target(%dma_start3A_685 : memref<32x128xf32, #tpu.memory_space<vmem>>) offsets(%dma_start3A_688 : memref<32xi32, #tpu.memory_space<vmem>>) semaphore(%arg21 : memref<!tpu.dma_semaphore, #tpu.memory_space<semaphore_mem>>)
      } else {
      }
      %add3A_467 = arith.constant 1 : i32
      %add3A_468 = arith.addi %mul3A_287, %add3A_467 : i32
      %convert_element_type3A_469 = arith.extui %gt3A_288 : i1 to i32
      %cond3A_470 = arith.constant 0 : i32
      %cond3A_471 = arith.cmpi ne, %convert_element_type3A_469, %cond3A_470 : i32
      scf.if %cond3A_471 {
        %dma_wait3A_606 = arith.constant 1 : i32
        %dma_wait3A_607 = arith.constant 1 : i32
        %dma_wait3A_608 = arith.constant 0 : i32
        %dma_wait3A_609 = arith.constant 0 : i32
        %dma_wait3A_610 = tpu.memref_slice %arg14[%dma_wait3A_606, %dma_wait3A_608, %dma_wait3A_609] : memref<2x32x128xf32, #tpu.memory_space<vmem>> -> memref<1x32x128xf32, #tpu.memory_space<vmem>>
        %dma_wait3A_611 = tpu.memref_squeeze %dma_wait3A_610 : memref<1x32x128xf32, #tpu.memory_space<vmem>> -> memref<32x128xf32, #tpu.memory_space<vmem>>
        %dma_wait3A_612 = arith.constant 0 : i32
        %dma_wait3A_613 = tpu.memref_slice %arg9[%dma_wait3A_607, %dma_wait3A_612] : memref<2x32xi32, #tpu.memory_space<vmem>> -> memref<1x32xi32, #tpu.memory_space<vmem>>
        %dma_wait3A_614 = tpu.memref_squeeze %dma_wait3A_613 : memref<1x32xi32, #tpu.memory_space<vmem>> -> memref<32xi32, #tpu.memory_space<vmem>>
        %dma_wait3A_615 = arith.constant 0 : i32
        %dma_wait3A_616 = arith.constant 0 : i32
        %dma_wait3A_617 = tpu.memref_slice %arg16[%dma_wait3A_615, %dma_wait3A_616] : memref<10112x128xf32, #tpu.memory_space<vmem_shared>> -> memref<10112x128xf32, #tpu.memory_space<vmem_shared>>
        tpu.wait_indirect_dma semaphore(%arg24 : memref<!tpu.dma_semaphore, #tpu.memory_space<semaphore_mem>>) src(%dma_wait3A_611 : memref<32x128xf32, #tpu.memory_space<vmem>>) dst(%dma_wait3A_617 : memref<10112x128xf32, #tpu.memory_space<vmem_shared>>)
        %dma_wait3A_618 = arith.constant 1 : i32
        %dma_wait3A_619 = arith.constant 1 : i32
        %dma_wait3A_620 = arith.constant 0 : i32
        %dma_wait3A_621 = arith.constant 0 : i32
        %dma_wait3A_622 = tpu.memref_slice %arg15[%dma_wait3A_618, %dma_wait3A_620, %dma_wait3A_621] : memref<2x32x128xf32, #tpu.memory_space<vmem>> -> memref<1x32x128xf32, #tpu.memory_space<vmem>>
        %dma_wait3A_623 = tpu.memref_squeeze %dma_wait3A_622 : memref<1x32x128xf32, #tpu.memory_space<vmem>> -> memref<32x128xf32, #tpu.memory_space<vmem>>
        %dma_wait3A_624 = arith.constant 0 : i32
        %dma_wait3A_625 = tpu.memref_slice %arg10[%dma_wait3A_619, %dma_wait3A_624] : memref<2x32xi32, #tpu.memory_space<vmem>> -> memref<1x32xi32, #tpu.memory_space<vmem>>
        %dma_wait3A_626 = tpu.memref_squeeze %dma_wait3A_625 : memref<1x32xi32, #tpu.memory_space<vmem>> -> memref<32xi32, #tpu.memory_space<vmem>>
        %dma_wait3A_627 = arith.constant 0 : i32
        %dma_wait3A_628 = arith.constant 0 : i32
        %dma_wait3A_629 = tpu.memref_slice %arg16[%dma_wait3A_627, %dma_wait3A_628] : memref<10112x128xf32, #tpu.memory_space<vmem_shared>> -> memref<10112x128xf32, #tpu.memory_space<vmem_shared>>
        tpu.wait_indirect_dma semaphore(%arg24 : memref<!tpu.dma_semaphore, #tpu.memory_space<semaphore_mem>>) src(%dma_wait3A_623 : memref<32x128xf32, #tpu.memory_space<vmem>>) dst(%dma_wait3A_629 : memref<10112x128xf32, #tpu.memory_space<vmem_shared>>)
      } else {
      }
      %dma_wait3A_472 = arith.constant 1 : i32
      %dma_wait3A_473 = arith.constant 0 : i32
      %dma_wait3A_474 = arith.constant 0 : i32
      %dma_wait3A_475 = tpu.memref_slice %arg11[%dma_wait3A_472, %dma_wait3A_473, %dma_wait3A_474] : memref<2x32x128xf32, #tpu.memory_space<vmem>> -> memref<1x32x128xf32, #tpu.memory_space<vmem>>
      %dma_wait3A_476 = tpu.memref_squeeze %dma_wait3A_475 : memref<1x32x128xf32, #tpu.memory_space<vmem>> -> memref<32x128xf32, #tpu.memory_space<vmem>>
      %dma_wait3A_477 = arith.constant 0 : i32
      %dma_wait3A_478 = arith.constant 0 : i32
      %dma_wait3A_479 = tpu.memref_slice %arg2[%dma_wait3A_477, %dma_wait3A_478] : memref<160000x128xf32, #tpu.memory_space<hbm>> -> memref<32x128xf32, #tpu.memory_space<hbm>>
      %dma_wait3A_480 = arith.constant 0 : i32
      %dma_wait3A_481 = arith.constant 0 : i32
      %dma_wait3A_482 = tpu.memref_slice %arg11[%dma_wait3A_472, %dma_wait3A_480, %dma_wait3A_481] : memref<2x32x128xf32, #tpu.memory_space<vmem>> -> memref<1x32x128xf32, #tpu.memory_space<vmem>>
      %dma_wait3A_483 = tpu.memref_squeeze %dma_wait3A_482 : memref<1x32x128xf32, #tpu.memory_space<vmem>> -> memref<32x128xf32, #tpu.memory_space<vmem>>
      %dma_wait3A_484 = arith.constant 0 : i32
      %dma_wait3A_485 = arith.constant 0 : i32
      %dma_wait3A_486 = tpu.memref_slice %arg2[%dma_wait3A_484, %dma_wait3A_485] : memref<160000x128xf32, #tpu.memory_space<hbm>> -> memref<32x128xf32, #tpu.memory_space<hbm>>
      tpu.wait_dma2 semaphore(%arg20 : memref<!tpu.dma_semaphore, #tpu.memory_space<semaphore_mem>>) src(%dma_wait3A_486 : memref<32x128xf32, #tpu.memory_space<hbm>>) dst(%dma_wait3A_483 : memref<32x128xf32, #tpu.memory_space<vmem>>)
      %dma_wait3A_487 = arith.constant 1 : i32
      %dma_wait3A_488 = arith.constant 1 : i32
      %dma_wait3A_489 = arith.constant 0 : i32
      %dma_wait3A_490 = arith.constant 0 : i32
      %dma_wait3A_491 = tpu.memref_slice %arg12[%dma_wait3A_488, %dma_wait3A_489, %dma_wait3A_490] : memref<2x32x128xf32, #tpu.memory_space<vmem>> -> memref<1x32x128xf32, #tpu.memory_space<vmem>>
      %dma_wait3A_492 = tpu.memref_squeeze %dma_wait3A_491 : memref<1x32x128xf32, #tpu.memory_space<vmem>> -> memref<32x128xf32, #tpu.memory_space<vmem>>
      %dma_wait3A_493 = arith.constant 0 : i32
      %dma_wait3A_494 = tpu.memref_slice %arg8[%dma_wait3A_487, %dma_wait3A_493] : memref<2x32xi32, #tpu.memory_space<vmem>> -> memref<1x32xi32, #tpu.memory_space<vmem>>
      %dma_wait3A_495 = tpu.memref_squeeze %dma_wait3A_494 : memref<1x32xi32, #tpu.memory_space<vmem>> -> memref<32xi32, #tpu.memory_space<vmem>>
      %dma_wait3A_496 = arith.constant 0 : i32
      %dma_wait3A_497 = arith.constant 0 : i32
      %dma_wait3A_498 = tpu.memref_slice %arg3[%dma_wait3A_496, %dma_wait3A_497] : memref<10112x128xf32, #tpu.memory_space<hbm>> -> memref<10112x128xf32, #tpu.memory_space<hbm>>
      tpu.wait_indirect_dma semaphore(%arg22 : memref<!tpu.dma_semaphore, #tpu.memory_space<semaphore_mem>>) src(%dma_wait3A_498 : memref<10112x128xf32, #tpu.memory_space<hbm>>) dst(%dma_wait3A_492 : memref<32x128xf32, #tpu.memory_space<vmem>>)
      %dma_wait3A_499 = arith.constant 1 : i32
      %dma_wait3A_500 = arith.constant 1 : i32
      %dma_wait3A_501 = arith.constant 0 : i32
      %dma_wait3A_502 = arith.constant 0 : i32
      %dma_wait3A_503 = tpu.memref_slice %arg13[%dma_wait3A_500, %dma_wait3A_501, %dma_wait3A_502] : memref<2x32x128xf32, #tpu.memory_space<vmem>> -> memref<1x32x128xf32, #tpu.memory_space<vmem>>
      %dma_wait3A_504 = tpu.memref_squeeze %dma_wait3A_503 : memref<1x32x128xf32, #tpu.memory_space<vmem>> -> memref<32x128xf32, #tpu.memory_space<vmem>>
      %dma_wait3A_505 = arith.constant 0 : i32
      %dma_wait3A_506 = tpu.memref_slice %arg7[%dma_wait3A_499, %dma_wait3A_505] : memref<2x32xi32, #tpu.memory_space<vmem>> -> memref<1x32xi32, #tpu.memory_space<vmem>>
      %dma_wait3A_507 = tpu.memref_squeeze %dma_wait3A_506 : memref<1x32xi32, #tpu.memory_space<vmem>> -> memref<32xi32, #tpu.memory_space<vmem>>
      %dma_wait3A_508 = arith.constant 0 : i32
      %dma_wait3A_509 = arith.constant 0 : i32
      %dma_wait3A_510 = tpu.memref_slice %arg3[%dma_wait3A_508, %dma_wait3A_509] : memref<10112x128xf32, #tpu.memory_space<hbm>> -> memref<10112x128xf32, #tpu.memory_space<hbm>>
      tpu.wait_indirect_dma semaphore(%arg22 : memref<!tpu.dma_semaphore, #tpu.memory_space<semaphore_mem>>) src(%dma_wait3A_510 : memref<10112x128xf32, #tpu.memory_space<hbm>>) dst(%dma_wait3A_504 : memref<32x128xf32, #tpu.memory_space<vmem>>)
      %scan3A_511 = arith.constant 0 : i32
      %scan3A_512 = arith.constant 0 : i32
      %scan3A_513 = arith.constant 32 : i32
      %scan3A_514 = arith.addi %scan3A_512, %scan3A_513 : i32
      %scan3A_515 = arith.constant 1 : i32
      scf.for %scan3A_606 = %scan3A_512 to %scan3A_514 step %scan3A_515  : i32 {
        %get3A_607 = arith.constant 1 : i32
        %get3A_608 = arith.constant 0 : i32
        %get3A_609 = arith.constant 0 : i32
        %get3A_610 = tpu.memref_slice %arg11[%get3A_607, %get3A_608, %get3A_609] : memref<2x32x128xf32, #tpu.memory_space<vmem>> -> memref<1x32x128xf32, #tpu.memory_space<vmem>>
        %get3A_611 = tpu.memref_squeeze %get3A_610 : memref<1x32x128xf32, #tpu.memory_space<vmem>> -> memref<32x128xf32, #tpu.memory_space<vmem>>
        %get3A_612 = arith.index_cast %scan3A_606 : i32 to index
        %get3A_613 = arith.constant 0 : index
        %get3A_614 = tpu.vector_load %get3A_611[%get3A_612, %get3A_613] {strides = array<i32>} : memref<32x128xf32, #tpu.memory_space<vmem>>, vector<1x16xf32>,
        %get3A_615 = vector.shape_cast %get3A_614 : vector<1x16xf32> to vector<16xf32>
        %get3A_616 = arith.constant 1 : i32
        %get3A_617 = arith.constant 0 : i32
        %get3A_618 = arith.constant 0 : i32
        %get3A_619 = tpu.memref_slice %arg12[%get3A_616, %get3A_617, %get3A_618] : memref<2x32x128xf32, #tpu.memory_space<vmem>> -> memref<1x32x128xf32, #tpu.memory_space<vmem>>
        %get3A_620 = tpu.memref_squeeze %get3A_619 : memref<1x32x128xf32, #tpu.memory_space<vmem>> -> memref<32x128xf32, #tpu.memory_space<vmem>>
        %get3A_621 = arith.index_cast %scan3A_606 : i32 to index
        %get3A_622 = arith.constant 0 : index
        %get3A_623 = tpu.vector_load %get3A_620[%get3A_621, %get3A_622] {strides = array<i32>} : memref<32x128xf32, #tpu.memory_space<vmem>>, vector<1x16xf32>,
        %get3A_624 = vector.shape_cast %get3A_623 : vector<1x16xf32> to vector<16xf32>
        %mul3A_625 = arith.mulf %get3A_624, %get3A_615 : vector<16xf32>
        %swap3A_626 = arith.constant 1 : i32
        %swap3A_627 = arith.constant 0 : i32
        %swap3A_628 = arith.constant 0 : i32
        %swap3A_629 = tpu.memref_slice %arg14[%swap3A_626, %swap3A_627, %swap3A_628] : memref<2x32x128xf32, #tpu.memory_space<vmem>> -> memref<1x32x128xf32, #tpu.memory_space<vmem>>
        %swap3A_630 = tpu.memref_squeeze %swap3A_629 : memref<1x32x128xf32, #tpu.memory_space<vmem>> -> memref<32x128xf32, #tpu.memory_space<vmem>>
        %swap3A_631 = arith.index_cast %scan3A_606 : i32 to index
        %swap3A_632 = arith.constant 0 : index
        %swap3A_633 = tpu.vector_load %swap3A_630[%swap3A_631, %swap3A_632] {strides = array<i32>} : memref<32x128xf32, #tpu.memory_space<vmem>>, vector<1x16xf32>,
        %swap3A_634 = vector.shape_cast %swap3A_633 : vector<1x16xf32> to vector<16xf32>
        %swap3A_635 = vector.shape_cast %mul3A_625 : vector<16xf32> to vector<1x16xf32>
        tpu.vector_store %swap3A_630[%swap3A_631, %swap3A_632], %swap3A_635 {strides = array<i32>} : memref<32x128xf32, #tpu.memory_space<vmem>>, vector<1x16xf32>,
        %get3A_636 = arith.constant 1 : i32
        %get3A_637 = arith.constant 0 : i32
        %get3A_638 = arith.constant 0 : i32
        %get3A_639 = tpu.memref_slice %arg13[%get3A_636, %get3A_637, %get3A_638] : memref<2x32x128xf32, #tpu.memory_space<vmem>> -> memref<1x32x128xf32, #tpu.memory_space<vmem>>
        %get3A_640 = tpu.memref_squeeze %get3A_639 : memref<1x32x128xf32, #tpu.memory_space<vmem>> -> memref<32x128xf32, #tpu.memory_space<vmem>>
        %get3A_641 = arith.index_cast %scan3A_606 : i32 to index
        %get3A_642 = arith.constant 0 : index
        %get3A_643 = tpu.vector_load %get3A_640[%get3A_641, %get3A_642] {strides = array<i32>} : memref<32x128xf32, #tpu.memory_space<vmem>>, vector<1x16xf32>,
        %get3A_644 = vector.shape_cast %get3A_643 : vector<1x16xf32> to vector<16xf32>
        %mul3A_645 = arith.mulf %get3A_644, %get3A_615 : vector<16xf32>
        %swap3A_646 = arith.constant 1 : i32
        %swap3A_647 = arith.constant 0 : i32
        %swap3A_648 = arith.constant 0 : i32
        %swap3A_649 = tpu.memref_slice %arg15[%swap3A_646, %swap3A_647, %swap3A_648] : memref<2x32x128xf32, #tpu.memory_space<vmem>> -> memref<1x32x128xf32, #tpu.memory_space<vmem>>
        %swap3A_650 = tpu.memref_squeeze %swap3A_649 : memref<1x32x128xf32, #tpu.memory_space<vmem>> -> memref<32x128xf32, #tpu.memory_space<vmem>>
        %swap3A_651 = arith.index_cast %scan3A_606 : i32 to index
        %swap3A_652 = arith.constant 0 : index
        %swap3A_653 = tpu.vector_load %swap3A_650[%swap3A_651, %swap3A_652] {strides = array<i32>} : memref<32x128xf32, #tpu.memory_space<vmem>>, vector<1x16xf32>,
        %swap3A_654 = vector.shape_cast %swap3A_653 : vector<1x16xf32> to vector<16xf32>
        %swap3A_655 = vector.shape_cast %mul3A_645 : vector<16xf32> to vector<1x16xf32>
        tpu.vector_store %swap3A_650[%swap3A_651, %swap3A_652], %swap3A_655 {strides = array<i32>} : memref<32x128xf32, #tpu.memory_space<vmem>>, vector<1x16xf32>,
        %get3A_656 = arith.constant 1 : i32
        %get3A_657 = arith.constant 0 : i32
        %get3A_658 = arith.constant 0 : i32
        %get3A_659 = tpu.memref_slice %arg11[%get3A_656, %get3A_657, %get3A_658] : memref<2x32x128xf32, #tpu.memory_space<vmem>> -> memref<1x32x128xf32, #tpu.memory_space<vmem>>
        %get3A_660 = tpu.memref_squeeze %get3A_659 : memref<1x32x128xf32, #tpu.memory_space<vmem>> -> memref<32x128xf32, #tpu.memory_space<vmem>>
        %get3A_661 = arith.index_cast %scan3A_606 : i32 to index
        %get3A_662 = arith.constant 16 : index
        %get3A_663 = tpu.vector_load %get3A_660[%get3A_661, %get3A_662] {strides = array<i32>} : memref<32x128xf32, #tpu.memory_space<vmem>>, vector<1x16xf32>,
        %get3A_664 = vector.shape_cast %get3A_663 : vector<1x16xf32> to vector<16xf32>
        %get3A_665 = arith.constant 1 : i32
        %get3A_666 = arith.constant 0 : i32
        %get3A_667 = arith.constant 0 : i32
        %get3A_668 = tpu.memref_slice %arg12[%get3A_665, %get3A_666, %get3A_667] : memref<2x32x128xf32, #tpu.memory_space<vmem>> -> memref<1x32x128xf32, #tpu.memory_space<vmem>>
        %get3A_669 = tpu.memref_squeeze %get3A_668 : memref<1x32x128xf32, #tpu.memory_space<vmem>> -> memref<32x128xf32, #tpu.memory_space<vmem>>
        %get3A_670 = arith.index_cast %scan3A_606 : i32 to index
        %get3A_671 = arith.constant 16 : index
        %get3A_672 = tpu.vector_load %get3A_669[%get3A_670, %get3A_671] {strides = array<i32>} : memref<32x128xf32, #tpu.memory_space<vmem>>, vector<1x16xf32>,
        %get3A_673 = vector.shape_cast %get3A_672 : vector<1x16xf32> to vector<16xf32>
        %mul3A_674 = arith.mulf %get3A_673, %get3A_664 : vector<16xf32>
        %swap3A_675 = arith.constant 1 : i32
        %swap3A_676 = arith.constant 0 : i32
        %swap3A_677 = arith.constant 0 : i32
        %swap3A_678 = tpu.memref_slice %arg14[%swap3A_675, %swap3A_676, %swap3A_677] : memref<2x32x128xf32, #tpu.memory_space<vmem>> -> memref<1x32x128xf32, #tpu.memory_space<vmem>>
        %swap3A_679 = tpu.memref_squeeze %swap3A_678 : memref<1x32x128xf32, #tpu.memory_space<vmem>> -> memref<32x128xf32, #tpu.memory_space<vmem>>
        %swap3A_680 = arith.index_cast %scan3A_606 : i32 to index
        %swap3A_681 = arith.constant 16 : index
        %swap3A_682 = tpu.vector_load %swap3A_679[%swap3A_680, %swap3A_681] {strides = array<i32>} : memref<32x128xf32, #tpu.memory_space<vmem>>, vector<1x16xf32>,
        %swap3A_683 = vector.shape_cast %swap3A_682 : vector<1x16xf32> to vector<16xf32>
        %swap3A_684 = vector.shape_cast %mul3A_674 : vector<16xf32> to vector<1x16xf32>
        tpu.vector_store %swap3A_679[%swap3A_680, %swap3A_681], %swap3A_684 {strides = array<i32>} : memref<32x128xf32, #tpu.memory_space<vmem>>, vector<1x16xf32>,
        %get3A_685 = arith.constant 1 : i32
        %get3A_686 = arith.constant 0 : i32
        %get3A_687 = arith.constant 0 : i32
        %get3A_688 = tpu.memref_slice %arg13[%get3A_685, %get3A_686, %get3A_687] : memref<2x32x128xf32, #tpu.memory_space<vmem>> -> memref<1x32x128xf32, #tpu.memory_space<vmem>>
        %get3A_689 = tpu.memref_squeeze %get3A_688 : memref<1x32x128xf32, #tpu.memory_space<vmem>> -> memref<32x128xf32, #tpu.memory_space<vmem>>
        %get3A_690 = arith.index_cast %scan3A_606 : i32 to index
        %get3A_691 = arith.constant 16 : index
        %get3A_692 = tpu.vector_load %get3A_689[%get3A_690, %get3A_691] {strides = array<i32>} : memref<32x128xf32, #tpu.memory_space<vmem>>, vector<1x16xf32>,
        %get3A_693 = vector.shape_cast %get3A_692 : vector<1x16xf32> to vector<16xf32>
        %mul3A_694 = arith.mulf %get3A_693, %get3A_664 : vector<16xf32>
        %swap3A_695 = arith.constant 1 : i32
        %swap3A_696 = arith.constant 0 : i32
        %swap3A_697 = arith.constant 0 : i32
        %swap3A_698 = tpu.memref_slice %arg15[%swap3A_695, %swap3A_696, %swap3A_697] : memref<2x32x128xf32, #tpu.memory_space<vmem>> -> memref<1x32x128xf32, #tpu.memory_space<vmem>>
        %swap3A_699 = tpu.memref_squeeze %swap3A_698 : memref<1x32x128xf32, #tpu.memory_space<vmem>> -> memref<32x128xf32, #tpu.memory_space<vmem>>
        %swap3A_700 = arith.index_cast %scan3A_606 : i32 to index
        %swap3A_701 = arith.constant 16 : index
        %swap3A_702 = tpu.vector_load %swap3A_699[%swap3A_700, %swap3A_701] {strides = array<i32>} : memref<32x128xf32, #tpu.memory_space<vmem>>, vector<1x16xf32>,
        %swap3A_703 = vector.shape_cast %swap3A_702 : vector<1x16xf32> to vector<16xf32>
        %swap3A_704 = vector.shape_cast %mul3A_694 : vector<16xf32> to vector<1x16xf32>
        tpu.vector_store %swap3A_699[%swap3A_700, %swap3A_701], %swap3A_704 {strides = array<i32>} : memref<32x128xf32, #tpu.memory_space<vmem>>, vector<1x16xf32>,
        %get3A_705 = arith.constant 1 : i32
        %get3A_706 = arith.constant 0 : i32
        %get3A_707 = arith.constant 0 : i32
        %get3A_708 = tpu.memref_slice %arg11[%get3A_705, %get3A_706, %get3A_707] : memref<2x32x128xf32, #tpu.memory_space<vmem>> -> memref<1x32x128xf32, #tpu.memory_space<vmem>>
        %get3A_709 = tpu.memref_squeeze %get3A_708 : memref<1x32x128xf32, #tpu.memory_space<vmem>> -> memref<32x128xf32, #tpu.memory_space<vmem>>
        %get3A_710 = arith.index_cast %scan3A_606 : i32 to index
        %get3A_711 = arith.constant 32 : index
        %get3A_712 = tpu.vector_load %get3A_709[%get3A_710, %get3A_711] {strides = array<i32>} : memref<32x128xf32, #tpu.memory_space<vmem>>, vector<1x16xf32>,
        %get3A_713 = vector.shape_cast %get3A_712 : vector<1x16xf32> to vector<16xf32>
        %get3A_714 = arith.constant 1 : i32
        %get3A_715 = arith.constant 0 : i32
        %get3A_716 = arith.constant 0 : i32
        %get3A_717 = tpu.memref_slice %arg12[%get3A_714, %get3A_715, %get3A_716] : memref<2x32x128xf32, #tpu.memory_space<vmem>> -> memref<1x32x128xf32, #tpu.memory_space<vmem>>
        %get3A_718 = tpu.memref_squeeze %get3A_717 : memref<1x32x128xf32, #tpu.memory_space<vmem>> -> memref<32x128xf32, #tpu.memory_space<vmem>>
        %get3A_719 = arith.index_cast %scan3A_606 : i32 to index
        %get3A_720 = arith.constant 32 : index
        %get3A_721 = tpu.vector_load %get3A_718[%get3A_719, %get3A_720] {strides = array<i32>} : memref<32x128xf32, #tpu.memory_space<vmem>>, vector<1x16xf32>,
        %get3A_722 = vector.shape_cast %get3A_721 : vector<1x16xf32> to vector<16xf32>
        %mul3A_723 = arith.mulf %get3A_722, %get3A_713 : vector<16xf32>
        %swap3A_724 = arith.constant 1 : i32
        %swap3A_725 = arith.constant 0 : i32
        %swap3A_726 = arith.constant 0 : i32
        %swap3A_727 = tpu.memref_slice %arg14[%swap3A_724, %swap3A_725, %swap3A_726] : memref<2x32x128xf32, #tpu.memory_space<vmem>> -> memref<1x32x128xf32, #tpu.memory_space<vmem>>
        %swap3A_728 = tpu.memref_squeeze %swap3A_727 : memref<1x32x128xf32, #tpu.memory_space<vmem>> -> memref<32x128xf32, #tpu.memory_space<vmem>>
        %swap3A_729 = arith.index_cast %scan3A_606 : i32 to index
        %swap3A_730 = arith.constant 32 : index
        %swap3A_731 = tpu.vector_load %swap3A_728[%swap3A_729, %swap3A_730] {strides = array<i32>} : memref<32x128xf32, #tpu.memory_space<vmem>>, vector<1x16xf32>,
        %swap3A_732 = vector.shape_cast %swap3A_731 : vector<1x16xf32> to vector<16xf32>
        %swap3A_733 = vector.shape_cast %mul3A_723 : vector<16xf32> to vector<1x16xf32>
        tpu.vector_store %swap3A_728[%swap3A_729, %swap3A_730], %swap3A_733 {strides = array<i32>} : memref<32x128xf32, #tpu.memory_space<vmem>>, vector<1x16xf32>,
        %get3A_734 = arith.constant 1 : i32
        %get3A_735 = arith.constant 0 : i32
        %get3A_736 = arith.constant 0 : i32
        %get3A_737 = tpu.memref_slice %arg13[%get3A_734, %get3A_735, %get3A_736] : memref<2x32x128xf32, #tpu.memory_space<vmem>> -> memref<1x32x128xf32, #tpu.memory_space<vmem>>
        %get3A_738 = tpu.memref_squeeze %get3A_737 : memref<1x32x128xf32, #tpu.memory_space<vmem>> -> memref<32x128xf32, #tpu.memory_space<vmem>>
        %get3A_739 = arith.index_cast %scan3A_606 : i32 to index
        %get3A_740 = arith.constant 32 : index
        %get3A_741 = tpu.vector_load %get3A_738[%get3A_739, %get3A_740] {strides = array<i32>} : memref<32x128xf32, #tpu.memory_space<vmem>>, vector<1x16xf32>,
        %get3A_742 = vector.shape_cast %get3A_741 : vector<1x16xf32> to vector<16xf32>
        %mul3A_743 = arith.mulf %get3A_742, %get3A_713 : vector<16xf32>
        %swap3A_744 = arith.constant 1 : i32
        %swap3A_745 = arith.constant 0 : i32
        %swap3A_746 = arith.constant 0 : i32
        %swap3A_747 = tpu.memref_slice %arg15[%swap3A_744, %swap3A_745, %swap3A_746] : memref<2x32x128xf32, #tpu.memory_space<vmem>> -> memref<1x32x128xf32, #tpu.memory_space<vmem>>
        %swap3A_748 = tpu.memref_squeeze %swap3A_747 : memref<1x32x128xf32, #tpu.memory_space<vmem>> -> memref<32x128xf32, #tpu.memory_space<vmem>>
        %swap3A_749 = arith.index_cast %scan3A_606 : i32 to index
        %swap3A_750 = arith.constant 32 : index
        %swap3A_751 = tpu.vector_load %swap3A_748[%swap3A_749, %swap3A_750] {strides = array<i32>} : memref<32x128xf32, #tpu.memory_space<vmem>>, vector<1x16xf32>,
        %swap3A_752 = vector.shape_cast %swap3A_751 : vector<1x16xf32> to vector<16xf32>
        %swap3A_753 = vector.shape_cast %mul3A_743 : vector<16xf32> to vector<1x16xf32>
        tpu.vector_store %swap3A_748[%swap3A_749, %swap3A_750], %swap3A_753 {strides = array<i32>} : memref<32x128xf32, #tpu.memory_space<vmem>>, vector<1x16xf32>,
        %get3A_754 = arith.constant 1 : i32
        %get3A_755 = arith.constant 0 : i32
        %get3A_756 = arith.constant 0 : i32
        %get3A_757 = tpu.memref_slice %arg11[%get3A_754, %get3A_755, %get3A_756] : memref<2x32x128xf32, #tpu.memory_space<vmem>> -> memref<1x32x128xf32, #tpu.memory_space<vmem>>
        %get3A_758 = tpu.memref_squeeze %get3A_757 : memref<1x32x128xf32, #tpu.memory_space<vmem>> -> memref<32x128xf32, #tpu.memory_space<vmem>>
        %get3A_759 = arith.index_cast %scan3A_606 : i32 to index
        %get3A_760 = arith.constant 48 : index
        %get3A_761 = tpu.vector_load %get3A_758[%get3A_759, %get3A_760] {strides = array<i32>} : memref<32x128xf32, #tpu.memory_space<vmem>>, vector<1x16xf32>,
        %get3A_762 = vector.shape_cast %get3A_761 : vector<1x16xf32> to vector<16xf32>
        %get3A_763 = arith.constant 1 : i32
        %get3A_764 = arith.constant 0 : i32
        %get3A_765 = arith.constant 0 : i32
        %get3A_766 = tpu.memref_slice %arg12[%get3A_763, %get3A_764, %get3A_765] : memref<2x32x128xf32, #tpu.memory_space<vmem>> -> memref<1x32x128xf32, #tpu.memory_space<vmem>>
        %get3A_767 = tpu.memref_squeeze %get3A_766 : memref<1x32x128xf32, #tpu.memory_space<vmem>> -> memref<32x128xf32, #tpu.memory_space<vmem>>
        %get3A_768 = arith.index_cast %scan3A_606 : i32 to index
        %get3A_769 = arith.constant 48 : index
        %get3A_770 = tpu.vector_load %get3A_767[%get3A_768, %get3A_769] {strides = array<i32>} : memref<32x128xf32, #tpu.memory_space<vmem>>, vector<1x16xf32>,
        %get3A_771 = vector.shape_cast %get3A_770 : vector<1x16xf32> to vector<16xf32>
        %mul3A_772 = arith.mulf %get3A_771, %get3A_762 : vector<16xf32>
        %swap3A_773 = arith.constant 1 : i32
        %swap3A_774 = arith.constant 0 : i32
        %swap3A_775 = arith.constant 0 : i32
        %swap3A_776 = tpu.memref_slice %arg14[%swap3A_773, %swap3A_774, %swap3A_775] : memref<2x32x128xf32, #tpu.memory_space<vmem>> -> memref<1x32x128xf32, #tpu.memory_space<vmem>>
        %swap3A_777 = tpu.memref_squeeze %swap3A_776 : memref<1x32x128xf32, #tpu.memory_space<vmem>> -> memref<32x128xf32, #tpu.memory_space<vmem>>
        %swap3A_778 = arith.index_cast %scan3A_606 : i32 to index
        %swap3A_779 = arith.constant 48 : index
        %swap3A_780 = tpu.vector_load %swap3A_777[%swap3A_778, %swap3A_779] {strides = array<i32>} : memref<32x128xf32, #tpu.memory_space<vmem>>, vector<1x16xf32>,
        %swap3A_781 = vector.shape_cast %swap3A_780 : vector<1x16xf32> to vector<16xf32>
        %swap3A_782 = vector.shape_cast %mul3A_772 : vector<16xf32> to vector<1x16xf32>
        tpu.vector_store %swap3A_777[%swap3A_778, %swap3A_779], %swap3A_782 {strides = array<i32>} : memref<32x128xf32, #tpu.memory_space<vmem>>, vector<1x16xf32>,
        %get3A_783 = arith.constant 1 : i32
        %get3A_784 = arith.constant 0 : i32
        %get3A_785 = arith.constant 0 : i32
        %get3A_786 = tpu.memref_slice %arg13[%get3A_783, %get3A_784, %get3A_785] : memref<2x32x128xf32, #tpu.memory_space<vmem>> -> memref<1x32x128xf32, #tpu.memory_space<vmem>>
        %get3A_787 = tpu.memref_squeeze %get3A_786 : memref<1x32x128xf32, #tpu.memory_space<vmem>> -> memref<32x128xf32, #tpu.memory_space<vmem>>
        %get3A_788 = arith.index_cast %scan3A_606 : i32 to index
        %get3A_789 = arith.constant 48 : index
        %get3A_790 = tpu.vector_load %get3A_787[%get3A_788, %get3A_789] {strides = array<i32>} : memref<32x128xf32, #tpu.memory_space<vmem>>, vector<1x16xf32>,
        %get3A_791 = vector.shape_cast %get3A_790 : vector<1x16xf32> to vector<16xf32>
        %mul3A_792 = arith.mulf %get3A_791, %get3A_762 : vector<16xf32>
        %swap3A_793 = arith.constant 1 : i32
        %swap3A_794 = arith.constant 0 : i32
        %swap3A_795 = arith.constant 0 : i32
        %swap3A_796 = tpu.memref_slice %arg15[%swap3A_793, %swap3A_794, %swap3A_795] : memref<2x32x128xf32, #tpu.memory_space<vmem>> -> memref<1x32x128xf32, #tpu.memory_space<vmem>>
        %swap3A_797 = tpu.memref_squeeze %swap3A_796 : memref<1x32x128xf32, #tpu.memory_space<vmem>> -> memref<32x128xf32, #tpu.memory_space<vmem>>
        %swap3A_798 = arith.index_cast %scan3A_606 : i32 to index
        %swap3A_799 = arith.constant 48 : index
        %swap3A_800 = tpu.vector_load %swap3A_797[%swap3A_798, %swap3A_799] {strides = array<i32>} : memref<32x128xf32, #tpu.memory_space<vmem>>, vector<1x16xf32>,
        %swap3A_801 = vector.shape_cast %swap3A_800 : vector<1x16xf32> to vector<16xf32>
        %swap3A_802 = vector.shape_cast %mul3A_792 : vector<16xf32> to vector<1x16xf32>
        tpu.vector_store %swap3A_797[%swap3A_798, %swap3A_799], %swap3A_802 {strides = array<i32>} : memref<32x128xf32, #tpu.memory_space<vmem>>, vector<1x16xf32>,
        %get3A_803 = arith.constant 1 : i32
        %get3A_804 = arith.constant 0 : i32
        %get3A_805 = arith.constant 0 : i32
        %get3A_806 = tpu.memref_slice %arg11[%get3A_803, %get3A_804, %get3A_805] : memref<2x32x128xf32, #tpu.memory_space<vmem>> -> memref<1x32x128xf32, #tpu.memory_space<vmem>>
        %get3A_807 = tpu.memref_squeeze %get3A_806 : memref<1x32x128xf32, #tpu.memory_space<vmem>> -> memref<32x128xf32, #tpu.memory_space<vmem>>
        %get3A_808 = arith.index_cast %scan3A_606 : i32 to index
        %get3A_809 = arith.constant 64 : index
        %get3A_810 = tpu.vector_load %get3A_807[%get3A_808, %get3A_809] {strides = array<i32>} : memref<32x128xf32, #tpu.memory_space<vmem>>, vector<1x16xf32>,
        %get3A_811 = vector.shape_cast %get3A_810 : vector<1x16xf32> to vector<16xf32>
        %get3A_812 = arith.constant 1 : i32
        %get3A_813 = arith.constant 0 : i32
        %get3A_814 = arith.constant 0 : i32
        %get3A_815 = tpu.memref_slice %arg12[%get3A_812, %get3A_813, %get3A_814] : memref<2x32x128xf32, #tpu.memory_space<vmem>> -> memref<1x32x128xf32, #tpu.memory_space<vmem>>
        %get3A_816 = tpu.memref_squeeze %get3A_815 : memref<1x32x128xf32, #tpu.memory_space<vmem>> -> memref<32x128xf32, #tpu.memory_space<vmem>>
        %get3A_817 = arith.index_cast %scan3A_606 : i32 to index
        %get3A_818 = arith.constant 64 : index
        %get3A_819 = tpu.vector_load %get3A_816[%get3A_817, %get3A_818] {strides = array<i32>} : memref<32x128xf32, #tpu.memory_space<vmem>>, vector<1x16xf32>,
        %get3A_820 = vector.shape_cast %get3A_819 : vector<1x16xf32> to vector<16xf32>
        %mul3A_821 = arith.mulf %get3A_820, %get3A_811 : vector<16xf32>
        %swap3A_822 = arith.constant 1 : i32
        %swap3A_823 = arith.constant 0 : i32
        %swap3A_824 = arith.constant 0 : i32
        %swap3A_825 = tpu.memref_slice %arg14[%swap3A_822, %swap3A_823, %swap3A_824] : memref<2x32x128xf32, #tpu.memory_space<vmem>> -> memref<1x32x128xf32, #tpu.memory_space<vmem>>
        %swap3A_826 = tpu.memref_squeeze %swap3A_825 : memref<1x32x128xf32, #tpu.memory_space<vmem>> -> memref<32x128xf32, #tpu.memory_space<vmem>>
        %swap3A_827 = arith.index_cast %scan3A_606 : i32 to index
        %swap3A_828 = arith.constant 64 : index
        %swap3A_829 = tpu.vector_load %swap3A_826[%swap3A_827, %swap3A_828] {strides = array<i32>} : memref<32x128xf32, #tpu.memory_space<vmem>>, vector<1x16xf32>,
        %swap3A_830 = vector.shape_cast %swap3A_829 : vector<1x16xf32> to vector<16xf32>
        %swap3A_831 = vector.shape_cast %mul3A_821 : vector<16xf32> to vector<1x16xf32>
        tpu.vector_store %swap3A_826[%swap3A_827, %swap3A_828], %swap3A_831 {strides = array<i32>} : memref<32x128xf32, #tpu.memory_space<vmem>>, vector<1x16xf32>,
        %get3A_832 = arith.constant 1 : i32
        %get3A_833 = arith.constant 0 : i32
        %get3A_834 = arith.constant 0 : i32
        %get3A_835 = tpu.memref_slice %arg13[%get3A_832, %get3A_833, %get3A_834] : memref<2x32x128xf32, #tpu.memory_space<vmem>> -> memref<1x32x128xf32, #tpu.memory_space<vmem>>
        %get3A_836 = tpu.memref_squeeze %get3A_835 : memref<1x32x128xf32, #tpu.memory_space<vmem>> -> memref<32x128xf32, #tpu.memory_space<vmem>>
        %get3A_837 = arith.index_cast %scan3A_606 : i32 to index
        %get3A_838 = arith.constant 64 : index
        %get3A_839 = tpu.vector_load %get3A_836[%get3A_837, %get3A_838] {strides = array<i32>} : memref<32x128xf32, #tpu.memory_space<vmem>>, vector<1x16xf32>,
        %get3A_840 = vector.shape_cast %get3A_839 : vector<1x16xf32> to vector<16xf32>
        %mul3A_841 = arith.mulf %get3A_840, %get3A_811 : vector<16xf32>
        %swap3A_842 = arith.constant 1 : i32
        %swap3A_843 = arith.constant 0 : i32
        %swap3A_844 = arith.constant 0 : i32
        %swap3A_845 = tpu.memref_slice %arg15[%swap3A_842, %swap3A_843, %swap3A_844] : memref<2x32x128xf32, #tpu.memory_space<vmem>> -> memref<1x32x128xf32, #tpu.memory_space<vmem>>
        %swap3A_846 = tpu.memref_squeeze %swap3A_845 : memref<1x32x128xf32, #tpu.memory_space<vmem>> -> memref<32x128xf32, #tpu.memory_space<vmem>>
        %swap3A_847 = arith.index_cast %scan3A_606 : i32 to index
        %swap3A_848 = arith.constant 64 : index
        %swap3A_849 = tpu.vector_load %swap3A_846[%swap3A_847, %swap3A_848] {strides = array<i32>} : memref<32x128xf32, #tpu.memory_space<vmem>>, vector<1x16xf32>,
        %swap3A_850 = vector.shape_cast %swap3A_849 : vector<1x16xf32> to vector<16xf32>
        %swap3A_851 = vector.shape_cast %mul3A_841 : vector<16xf32> to vector<1x16xf32>
        tpu.vector_store %swap3A_846[%swap3A_847, %swap3A_848], %swap3A_851 {strides = array<i32>} : memref<32x128xf32, #tpu.memory_space<vmem>>, vector<1x16xf32>,
        %get3A_852 = arith.constant 1 : i32
        %get3A_853 = arith.constant 0 : i32
        %get3A_854 = arith.constant 0 : i32
        %get3A_855 = tpu.memref_slice %arg11[%get3A_852, %get3A_853, %get3A_854] : memref<2x32x128xf32, #tpu.memory_space<vmem>> -> memref<1x32x128xf32, #tpu.memory_space<vmem>>
        %get3A_856 = tpu.memref_squeeze %get3A_855 : memref<1x32x128xf32, #tpu.memory_space<vmem>> -> memref<32x128xf32, #tpu.memory_space<vmem>>
        %get3A_857 = arith.index_cast %scan3A_606 : i32 to index
        %get3A_858 = arith.constant 80 : index
        %get3A_859 = tpu.vector_load %get3A_856[%get3A_857, %get3A_858] {strides = array<i32>} : memref<32x128xf32, #tpu.memory_space<vmem>>, vector<1x16xf32>,
        %get3A_860 = vector.shape_cast %get3A_859 : vector<1x16xf32> to vector<16xf32>
        %get3A_861 = arith.constant 1 : i32
        %get3A_862 = arith.constant 0 : i32
        %get3A_863 = arith.constant 0 : i32
        %get3A_864 = tpu.memref_slice %arg12[%get3A_861, %get3A_862, %get3A_863] : memref<2x32x128xf32, #tpu.memory_space<vmem>> -> memref<1x32x128xf32, #tpu.memory_space<vmem>>
        %get3A_865 = tpu.memref_squeeze %get3A_864 : memref<1x32x128xf32, #tpu.memory_space<vmem>> -> memref<32x128xf32, #tpu.memory_space<vmem>>
        %get3A_866 = arith.index_cast %scan3A_606 : i32 to index
        %get3A_867 = arith.constant 80 : index
        %get3A_868 = tpu.vector_load %get3A_865[%get3A_866, %get3A_867] {strides = array<i32>} : memref<32x128xf32, #tpu.memory_space<vmem>>, vector<1x16xf32>,
        %get3A_869 = vector.shape_cast %get3A_868 : vector<1x16xf32> to vector<16xf32>
        %mul3A_870 = arith.mulf %get3A_869, %get3A_860 : vector<16xf32>
        %swap3A_871 = arith.constant 1 : i32
        %swap3A_872 = arith.constant 0 : i32
        %swap3A_873 = arith.constant 0 : i32
        %swap3A_874 = tpu.memref_slice %arg14[%swap3A_871, %swap3A_872, %swap3A_873] : memref<2x32x128xf32, #tpu.memory_space<vmem>> -> memref<1x32x128xf32, #tpu.memory_space<vmem>>
        %swap3A_875 = tpu.memref_squeeze %swap3A_874 : memref<1x32x128xf32, #tpu.memory_space<vmem>> -> memref<32x128xf32, #tpu.memory_space<vmem>>
        %swap3A_876 = arith.index_cast %scan3A_606 : i32 to index
        %swap3A_877 = arith.constant 80 : index
        %swap3A_878 = tpu.vector_load %swap3A_875[%swap3A_876, %swap3A_877] {strides = array<i32>} : memref<32x128xf32, #tpu.memory_space<vmem>>, vector<1x16xf32>,
        %swap3A_879 = vector.shape_cast %swap3A_878 : vector<1x16xf32> to vector<16xf32>
        %swap3A_880 = vector.shape_cast %mul3A_870 : vector<16xf32> to vector<1x16xf32>
        tpu.vector_store %swap3A_875[%swap3A_876, %swap3A_877], %swap3A_880 {strides = array<i32>} : memref<32x128xf32, #tpu.memory_space<vmem>>, vector<1x16xf32>,
        %get3A_881 = arith.constant 1 : i32
        %get3A_882 = arith.constant 0 : i32
        %get3A_883 = arith.constant 0 : i32
        %get3A_884 = tpu.memref_slice %arg13[%get3A_881, %get3A_882, %get3A_883] : memref<2x32x128xf32, #tpu.memory_space<vmem>> -> memref<1x32x128xf32, #tpu.memory_space<vmem>>
        %get3A_885 = tpu.memref_squeeze %get3A_884 : memref<1x32x128xf32, #tpu.memory_space<vmem>> -> memref<32x128xf32, #tpu.memory_space<vmem>>
        %get3A_886 = arith.index_cast %scan3A_606 : i32 to index
        %get3A_887 = arith.constant 80 : index
        %get3A_888 = tpu.vector_load %get3A_885[%get3A_886, %get3A_887] {strides = array<i32>} : memref<32x128xf32, #tpu.memory_space<vmem>>, vector<1x16xf32>,
        %get3A_889 = vector.shape_cast %get3A_888 : vector<1x16xf32> to vector<16xf32>
        %mul3A_890 = arith.mulf %get3A_889, %get3A_860 : vector<16xf32>
        %swap3A_891 = arith.constant 1 : i32
        %swap3A_892 = arith.constant 0 : i32
        %swap3A_893 = arith.constant 0 : i32
        %swap3A_894 = tpu.memref_slice %arg15[%swap3A_891, %swap3A_892, %swap3A_893] : memref<2x32x128xf32, #tpu.memory_space<vmem>> -> memref<1x32x128xf32, #tpu.memory_space<vmem>>
        %swap3A_895 = tpu.memref_squeeze %swap3A_894 : memref<1x32x128xf32, #tpu.memory_space<vmem>> -> memref<32x128xf32, #tpu.memory_space<vmem>>
        %swap3A_896 = arith.index_cast %scan3A_606 : i32 to index
        %swap3A_897 = arith.constant 80 : index
        %swap3A_898 = tpu.vector_load %swap3A_895[%swap3A_896, %swap3A_897] {strides = array<i32>} : memref<32x128xf32, #tpu.memory_space<vmem>>, vector<1x16xf32>,
        %swap3A_899 = vector.shape_cast %swap3A_898 : vector<1x16xf32> to vector<16xf32>
        %swap3A_900 = vector.shape_cast %mul3A_890 : vector<16xf32> to vector<1x16xf32>
        tpu.vector_store %swap3A_895[%swap3A_896, %swap3A_897], %swap3A_900 {strides = array<i32>} : memref<32x128xf32, #tpu.memory_space<vmem>>, vector<1x16xf32>,
        %get3A_901 = arith.constant 1 : i32
        %get3A_902 = arith.constant 0 : i32
        %get3A_903 = arith.constant 0 : i32
        %get3A_904 = tpu.memref_slice %arg11[%get3A_901, %get3A_902, %get3A_903] : memref<2x32x128xf32, #tpu.memory_space<vmem>> -> memref<1x32x128xf32, #tpu.memory_space<vmem>>
        %get3A_905 = tpu.memref_squeeze %get3A_904 : memref<1x32x128xf32, #tpu.memory_space<vmem>> -> memref<32x128xf32, #tpu.memory_space<vmem>>
        %get3A_906 = arith.index_cast %scan3A_606 : i32 to index
        %get3A_907 = arith.constant 96 : index
        %get3A_908 = tpu.vector_load %get3A_905[%get3A_906, %get3A_907] {strides = array<i32>} : memref<32x128xf32, #tpu.memory_space<vmem>>, vector<1x16xf32>,
        %get3A_909 = vector.shape_cast %get3A_908 : vector<1x16xf32> to vector<16xf32>
        %get3A_910 = arith.constant 1 : i32
        %get3A_911 = arith.constant 0 : i32
        %get3A_912 = arith.constant 0 : i32
        %get3A_913 = tpu.memref_slice %arg12[%get3A_910, %get3A_911, %get3A_912] : memref<2x32x128xf32, #tpu.memory_space<vmem>> -> memref<1x32x128xf32, #tpu.memory_space<vmem>>
        %get3A_914 = tpu.memref_squeeze %get3A_913 : memref<1x32x128xf32, #tpu.memory_space<vmem>> -> memref<32x128xf32, #tpu.memory_space<vmem>>
        %get3A_915 = arith.index_cast %scan3A_606 : i32 to index
        %get3A_916 = arith.constant 96 : index
        %get3A_917 = tpu.vector_load %get3A_914[%get3A_915, %get3A_916] {strides = array<i32>} : memref<32x128xf32, #tpu.memory_space<vmem>>, vector<1x16xf32>,
        %get3A_918 = vector.shape_cast %get3A_917 : vector<1x16xf32> to vector<16xf32>
        %mul3A_919 = arith.mulf %get3A_918, %get3A_909 : vector<16xf32>
        %swap3A_920 = arith.constant 1 : i32
        %swap3A_921 = arith.constant 0 : i32
        %swap3A_922 = arith.constant 0 : i32
        %swap3A_923 = tpu.memref_slice %arg14[%swap3A_920, %swap3A_921, %swap3A_922] : memref<2x32x128xf32, #tpu.memory_space<vmem>> -> memref<1x32x128xf32, #tpu.memory_space<vmem>>
        %swap3A_924 = tpu.memref_squeeze %swap3A_923 : memref<1x32x128xf32, #tpu.memory_space<vmem>> -> memref<32x128xf32, #tpu.memory_space<vmem>>
        %swap3A_925 = arith.index_cast %scan3A_606 : i32 to index
        %swap3A_926 = arith.constant 96 : index
        %swap3A_927 = tpu.vector_load %swap3A_924[%swap3A_925, %swap3A_926] {strides = array<i32>} : memref<32x128xf32, #tpu.memory_space<vmem>>, vector<1x16xf32>,
        %swap3A_928 = vector.shape_cast %swap3A_927 : vector<1x16xf32> to vector<16xf32>
        %swap3A_929 = vector.shape_cast %mul3A_919 : vector<16xf32> to vector<1x16xf32>
        tpu.vector_store %swap3A_924[%swap3A_925, %swap3A_926], %swap3A_929 {strides = array<i32>} : memref<32x128xf32, #tpu.memory_space<vmem>>, vector<1x16xf32>,
        %get3A_930 = arith.constant 1 : i32
        %get3A_931 = arith.constant 0 : i32
        %get3A_932 = arith.constant 0 : i32
        %get3A_933 = tpu.memref_slice %arg13[%get3A_930, %get3A_931, %get3A_932] : memref<2x32x128xf32, #tpu.memory_space<vmem>> -> memref<1x32x128xf32, #tpu.memory_space<vmem>>
        %get3A_934 = tpu.memref_squeeze %get3A_933 : memref<1x32x128xf32, #tpu.memory_space<vmem>> -> memref<32x128xf32, #tpu.memory_space<vmem>>
        %get3A_935 = arith.index_cast %scan3A_606 : i32 to index
        %get3A_936 = arith.constant 96 : index
        %get3A_937 = tpu.vector_load %get3A_934[%get3A_935, %get3A_936] {strides = array<i32>} : memref<32x128xf32, #tpu.memory_space<vmem>>, vector<1x16xf32>,
        %get3A_938 = vector.shape_cast %get3A_937 : vector<1x16xf32> to vector<16xf32>
        %mul3A_939 = arith.mulf %get3A_938, %get3A_909 : vector<16xf32>
        %swap3A_940 = arith.constant 1 : i32
        %swap3A_941 = arith.constant 0 : i32
        %swap3A_942 = arith.constant 0 : i32
        %swap3A_943 = tpu.memref_slice %arg15[%swap3A_940, %swap3A_941, %swap3A_942] : memref<2x32x128xf32, #tpu.memory_space<vmem>> -> memref<1x32x128xf32, #tpu.memory_space<vmem>>
        %swap3A_944 = tpu.memref_squeeze %swap3A_943 : memref<1x32x128xf32, #tpu.memory_space<vmem>> -> memref<32x128xf32, #tpu.memory_space<vmem>>
        %swap3A_945 = arith.index_cast %scan3A_606 : i32 to index
        %swap3A_946 = arith.constant 96 : index
        %swap3A_947 = tpu.vector_load %swap3A_944[%swap3A_945, %swap3A_946] {strides = array<i32>} : memref<32x128xf32, #tpu.memory_space<vmem>>, vector<1x16xf32>,
        %swap3A_948 = vector.shape_cast %swap3A_947 : vector<1x16xf32> to vector<16xf32>
        %swap3A_949 = vector.shape_cast %mul3A_939 : vector<16xf32> to vector<1x16xf32>
        tpu.vector_store %swap3A_944[%swap3A_945, %swap3A_946], %swap3A_949 {strides = array<i32>} : memref<32x128xf32, #tpu.memory_space<vmem>>, vector<1x16xf32>,
        %get3A_950 = arith.constant 1 : i32
        %get3A_951 = arith.constant 0 : i32
        %get3A_952 = arith.constant 0 : i32
        %get3A_953 = tpu.memref_slice %arg11[%get3A_950, %get3A_951, %get3A_952] : memref<2x32x128xf32, #tpu.memory_space<vmem>> -> memref<1x32x128xf32, #tpu.memory_space<vmem>>
        %get3A_954 = tpu.memref_squeeze %get3A_953 : memref<1x32x128xf32, #tpu.memory_space<vmem>> -> memref<32x128xf32, #tpu.memory_space<vmem>>
        %get3A_955 = arith.index_cast %scan3A_606 : i32 to index
        %get3A_956 = arith.constant 112 : index
        %get3A_957 = tpu.vector_load %get3A_954[%get3A_955, %get3A_956] {strides = array<i32>} : memref<32x128xf32, #tpu.memory_space<vmem>>, vector<1x16xf32>,
        %get3A_958 = vector.shape_cast %get3A_957 : vector<1x16xf32> to vector<16xf32>
        %get3A_959 = arith.constant 1 : i32
        %get3A_960 = arith.constant 0 : i32
        %get3A_961 = arith.constant 0 : i32
        %get3A_962 = tpu.memref_slice %arg12[%get3A_959, %get3A_960, %get3A_961] : memref<2x32x128xf32, #tpu.memory_space<vmem>> -> memref<1x32x128xf32, #tpu.memory_space<vmem>>
        %get3A_963 = tpu.memref_squeeze %get3A_962 : memref<1x32x128xf32, #tpu.memory_space<vmem>> -> memref<32x128xf32, #tpu.memory_space<vmem>>
        %get3A_964 = arith.index_cast %scan3A_606 : i32 to index
        %get3A_965 = arith.constant 112 : index
        %get3A_966 = tpu.vector_load %get3A_963[%get3A_964, %get3A_965] {strides = array<i32>} : memref<32x128xf32, #tpu.memory_space<vmem>>, vector<1x16xf32>,
        %get3A_967 = vector.shape_cast %get3A_966 : vector<1x16xf32> to vector<16xf32>
        %mul3A_968 = arith.mulf %get3A_967, %get3A_958 : vector<16xf32>
        %swap3A_969 = arith.constant 1 : i32
        %swap3A_970 = arith.constant 0 : i32
        %swap3A_971 = arith.constant 0 : i32
        %swap3A_972 = tpu.memref_slice %arg14[%swap3A_969, %swap3A_970, %swap3A_971] : memref<2x32x128xf32, #tpu.memory_space<vmem>> -> memref<1x32x128xf32, #tpu.memory_space<vmem>>
        %swap3A_973 = tpu.memref_squeeze %swap3A_972 : memref<1x32x128xf32, #tpu.memory_space<vmem>> -> memref<32x128xf32, #tpu.memory_space<vmem>>
        %swap3A_974 = arith.index_cast %scan3A_606 : i32 to index
        %swap3A_975 = arith.constant 112 : index
        %swap3A_976 = tpu.vector_load %swap3A_973[%swap3A_974, %swap3A_975] {strides = array<i32>} : memref<32x128xf32, #tpu.memory_space<vmem>>, vector<1x16xf32>,
        %swap3A_977 = vector.shape_cast %swap3A_976 : vector<1x16xf32> to vector<16xf32>
        %swap3A_978 = vector.shape_cast %mul3A_968 : vector<16xf32> to vector<1x16xf32>
        tpu.vector_store %swap3A_973[%swap3A_974, %swap3A_975], %swap3A_978 {strides = array<i32>} : memref<32x128xf32, #tpu.memory_space<vmem>>, vector<1x16xf32>,
        %get3A_979 = arith.constant 1 : i32
        %get3A_980 = arith.constant 0 : i32
        %get3A_981 = arith.constant 0 : i32
        %get3A_982 = tpu.memref_slice %arg13[%get3A_979, %get3A_980, %get3A_981] : memref<2x32x128xf32, #tpu.memory_space<vmem>> -> memref<1x32x128xf32, #tpu.memory_space<vmem>>
        %get3A_983 = tpu.memref_squeeze %get3A_982 : memref<1x32x128xf32, #tpu.memory_space<vmem>> -> memref<32x128xf32, #tpu.memory_space<vmem>>
        %get3A_984 = arith.index_cast %scan3A_606 : i32 to index
        %get3A_985 = arith.constant 112 : index
        %get3A_986 = tpu.vector_load %get3A_983[%get3A_984, %get3A_985] {strides = array<i32>} : memref<32x128xf32, #tpu.memory_space<vmem>>, vector<1x16xf32>,
        %get3A_987 = vector.shape_cast %get3A_986 : vector<1x16xf32> to vector<16xf32>
        %mul3A_988 = arith.mulf %get3A_987, %get3A_958 : vector<16xf32>
        %swap3A_989 = arith.constant 1 : i32
        %swap3A_990 = arith.constant 0 : i32
        %swap3A_991 = arith.constant 0 : i32
        %swap3A_992 = tpu.memref_slice %arg15[%swap3A_989, %swap3A_990, %swap3A_991] : memref<2x32x128xf32, #tpu.memory_space<vmem>> -> memref<1x32x128xf32, #tpu.memory_space<vmem>>
        %swap3A_993 = tpu.memref_squeeze %swap3A_992 : memref<1x32x128xf32, #tpu.memory_space<vmem>> -> memref<32x128xf32, #tpu.memory_space<vmem>>
        %swap3A_994 = arith.index_cast %scan3A_606 : i32 to index
        %swap3A_995 = arith.constant 112 : index
        %swap3A_996 = tpu.vector_load %swap3A_993[%swap3A_994, %swap3A_995] {strides = array<i32>} : memref<32x128xf32, #tpu.memory_space<vmem>>, vector<1x16xf32>,
        %swap3A_997 = vector.shape_cast %swap3A_996 : vector<1x16xf32> to vector<16xf32>
        %swap3A_998 = vector.shape_cast %mul3A_988 : vector<16xf32> to vector<1x16xf32>
        tpu.vector_store %swap3A_993[%swap3A_994, %swap3A_995], %swap3A_998 {strides = array<i32>} : memref<32x128xf32, #tpu.memory_space<vmem>>, vector<1x16xf32>,
      }
      %scan3A_516 = arith.constant 32 : i32
      %get3A_517 = arith.constant 1 : i32
      %get3A_518 = arith.constant 0 : i32
      %get3A_519 = tpu.memref_slice %arg7[%get3A_517, %get3A_518] : memref<2x32xi32, #tpu.memory_space<vmem>> -> memref<1x32xi32, #tpu.memory_space<vmem>>
      %get3A_520 = tpu.memref_squeeze %get3A_519 : memref<1x32xi32, #tpu.memory_space<vmem>> -> memref<32xi32, #tpu.memory_space<vmem>>
      %get3A_521 = arith.constant 0 : index
      %get3A_522 = tpu.vector_load %get3A_520[%get3A_521] {strides = array<i32>} : memref<32xi32, #tpu.memory_space<vmem>>, vector<16xi32>,
      %get3A_523 = vector.shape_cast %get3A_522 : vector<16xi32> to vector<16xi32>
      %swap3A_524 = arith.constant 1 : i32
      %swap3A_525 = arith.constant 0 : i32
      %swap3A_526 = tpu.memref_slice %arg9[%swap3A_524, %swap3A_525] : memref<2x32xi32, #tpu.memory_space<vmem>> -> memref<1x32xi32, #tpu.memory_space<vmem>>
      %swap3A_527 = tpu.memref_squeeze %swap3A_526 : memref<1x32xi32, #tpu.memory_space<vmem>> -> memref<32xi32, #tpu.memory_space<vmem>>
      %swap3A_528 = arith.constant 0 : index
      %swap3A_529 = tpu.vector_load %swap3A_527[%swap3A_528] {strides = array<i32>} : memref<32xi32, #tpu.memory_space<vmem>>, vector<16xi32>,
      %swap3A_530 = vector.shape_cast %swap3A_529 : vector<16xi32> to vector<16xi32>
      %swap3A_531 = vector.shape_cast %get3A_523 : vector<16xi32> to vector<16xi32>
      tpu.vector_store %swap3A_527[%swap3A_528], %swap3A_531 {strides = array<i32>} : memref<32xi32, #tpu.memory_space<vmem>>, vector<16xi32>,
      %get3A_532 = arith.constant 1 : i32
      %get3A_533 = arith.constant 0 : i32
      %get3A_534 = tpu.memref_slice %arg8[%get3A_532, %get3A_533] : memref<2x32xi32, #tpu.memory_space<vmem>> -> memref<1x32xi32, #tpu.memory_space<vmem>>
      %get3A_535 = tpu.memref_squeeze %get3A_534 : memref<1x32xi32, #tpu.memory_space<vmem>> -> memref<32xi32, #tpu.memory_space<vmem>>
      %get3A_536 = arith.constant 0 : index
      %get3A_537 = tpu.vector_load %get3A_535[%get3A_536] {strides = array<i32>} : memref<32xi32, #tpu.memory_space<vmem>>, vector<16xi32>,
      %get3A_538 = vector.shape_cast %get3A_537 : vector<16xi32> to vector<16xi32>
      %swap3A_539 = arith.constant 1 : i32
      %swap3A_540 = arith.constant 0 : i32
      %swap3A_541 = tpu.memref_slice %arg10[%swap3A_539, %swap3A_540] : memref<2x32xi32, #tpu.memory_space<vmem>> -> memref<1x32xi32, #tpu.memory_space<vmem>>
      %swap3A_542 = tpu.memref_squeeze %swap3A_541 : memref<1x32xi32, #tpu.memory_space<vmem>> -> memref<32xi32, #tpu.memory_space<vmem>>
      %swap3A_543 = arith.constant 0 : index
      %swap3A_544 = tpu.vector_load %swap3A_542[%swap3A_543] {strides = array<i32>} : memref<32xi32, #tpu.memory_space<vmem>>, vector<16xi32>,
      %swap3A_545 = vector.shape_cast %swap3A_544 : vector<16xi32> to vector<16xi32>
      %swap3A_546 = vector.shape_cast %get3A_538 : vector<16xi32> to vector<16xi32>
      tpu.vector_store %swap3A_542[%swap3A_543], %swap3A_546 {strides = array<i32>} : memref<32xi32, #tpu.memory_space<vmem>>, vector<16xi32>,
      %get3A_547 = arith.constant 1 : i32
      %get3A_548 = arith.constant 0 : i32
      %get3A_549 = tpu.memref_slice %arg7[%get3A_547, %get3A_548] : memref<2x32xi32, #tpu.memory_space<vmem>> -> memref<1x32xi32, #tpu.memory_space<vmem>>
      %get3A_550 = tpu.memref_squeeze %get3A_549 : memref<1x32xi32, #tpu.memory_space<vmem>> -> memref<32xi32, #tpu.memory_space<vmem>>
      %get3A_551 = arith.constant 16 : index
      %get3A_552 = tpu.vector_load %get3A_550[%get3A_551] {strides = array<i32>} : memref<32xi32, #tpu.memory_space<vmem>>, vector<16xi32>,
      %get3A_553 = vector.shape_cast %get3A_552 : vector<16xi32> to vector<16xi32>
      %swap3A_554 = arith.constant 1 : i32
      %swap3A_555 = arith.constant 0 : i32
      %swap3A_556 = tpu.memref_slice %arg9[%swap3A_554, %swap3A_555] : memref<2x32xi32, #tpu.memory_space<vmem>> -> memref<1x32xi32, #tpu.memory_space<vmem>>
      %swap3A_557 = tpu.memref_squeeze %swap3A_556 : memref<1x32xi32, #tpu.memory_space<vmem>> -> memref<32xi32, #tpu.memory_space<vmem>>
      %swap3A_558 = arith.constant 16 : index
      %swap3A_559 = tpu.vector_load %swap3A_557[%swap3A_558] {strides = array<i32>} : memref<32xi32, #tpu.memory_space<vmem>>, vector<16xi32>,
      %swap3A_560 = vector.shape_cast %swap3A_559 : vector<16xi32> to vector<16xi32>
      %swap3A_561 = vector.shape_cast %get3A_553 : vector<16xi32> to vector<16xi32>
      tpu.vector_store %swap3A_557[%swap3A_558], %swap3A_561 {strides = array<i32>} : memref<32xi32, #tpu.memory_space<vmem>>, vector<16xi32>,
      %get3A_562 = arith.constant 1 : i32
      %get3A_563 = arith.constant 0 : i32
      %get3A_564 = tpu.memref_slice %arg8[%get3A_562, %get3A_563] : memref<2x32xi32, #tpu.memory_space<vmem>> -> memref<1x32xi32, #tpu.memory_space<vmem>>
      %get3A_565 = tpu.memref_squeeze %get3A_564 : memref<1x32xi32, #tpu.memory_space<vmem>> -> memref<32xi32, #tpu.memory_space<vmem>>
      %get3A_566 = arith.constant 16 : index
      %get3A_567 = tpu.vector_load %get3A_565[%get3A_566] {strides = array<i32>} : memref<32xi32, #tpu.memory_space<vmem>>, vector<16xi32>,
      %get3A_568 = vector.shape_cast %get3A_567 : vector<16xi32> to vector<16xi32>
      %swap3A_569 = arith.constant 1 : i32
      %swap3A_570 = arith.constant 0 : i32
      %swap3A_571 = tpu.memref_slice %arg10[%swap3A_569, %swap3A_570] : memref<2x32xi32, #tpu.memory_space<vmem>> -> memref<1x32xi32, #tpu.memory_space<vmem>>
      %swap3A_572 = tpu.memref_squeeze %swap3A_571 : memref<1x32xi32, #tpu.memory_space<vmem>> -> memref<32xi32, #tpu.memory_space<vmem>>
      %swap3A_573 = arith.constant 16 : index
      %swap3A_574 = tpu.vector_load %swap3A_572[%swap3A_573] {strides = array<i32>} : memref<32xi32, #tpu.memory_space<vmem>>, vector<16xi32>,
      %swap3A_575 = vector.shape_cast %swap3A_574 : vector<16xi32> to vector<16xi32>
      %swap3A_576 = vector.shape_cast %get3A_568 : vector<16xi32> to vector<16xi32>
      tpu.vector_store %swap3A_572[%swap3A_573], %swap3A_576 {strides = array<i32>} : memref<32xi32, #tpu.memory_space<vmem>>, vector<16xi32>,
      %dma_start3A_577 = arith.constant 1 : i32
      %dma_start3A_578 = arith.constant 1 : i32
      %dma_start3A_579 = arith.constant 0 : i32
      %dma_start3A_580 = arith.constant 0 : i32
      %dma_start3A_581 = tpu.memref_slice %arg14[%dma_start3A_577, %dma_start3A_579, %dma_start3A_580] : memref<2x32x128xf32, #tpu.memory_space<vmem>> -> memref<1x32x128xf32, #tpu.memory_space<vmem>>
      %dma_start3A_582 = tpu.memref_squeeze %dma_start3A_581 : memref<1x32x128xf32, #tpu.memory_space<vmem>> -> memref<32x128xf32, #tpu.memory_space<vmem>>
      %dma_start3A_583 = arith.constant 0 : i32
      %dma_start3A_584 = tpu.memref_slice %arg9[%dma_start3A_578, %dma_start3A_583] : memref<2x32xi32, #tpu.memory_space<vmem>> -> memref<1x32xi32, #tpu.memory_space<vmem>>
      %dma_start3A_585 = tpu.memref_squeeze %dma_start3A_584 : memref<1x32xi32, #tpu.memory_space<vmem>> -> memref<32xi32, #tpu.memory_space<vmem>>
      %dma_start3A_586 = arith.constant 0 : i32
      %dma_start3A_587 = arith.constant 0 : i32
      %dma_start3A_588 = tpu.memref_slice %arg16[%dma_start3A_586, %dma_start3A_587] : memref<10112x128xf32, #tpu.memory_space<vmem_shared>> -> memref<10112x128xf32, #tpu.memory_space<vmem_shared>>
      tpu.enqueue_indirect_dma source(%dma_start3A_582 : memref<32x128xf32, #tpu.memory_space<vmem>>) target(%dma_start3A_588 : memref<10112x128xf32, #tpu.memory_space<vmem_shared>>) offsets(%dma_start3A_585 : memref<32xi32, #tpu.memory_space<vmem>>) semaphore(%arg24 : memref<!tpu.dma_semaphore, #tpu.memory_space<semaphore_mem>>) {add = true}
      %dma_start3A_589 = arith.constant 1 : i32
      %dma_start3A_590 = arith.constant 1 : i32
      %dma_start3A_591 = arith.constant 0 : i32
      %dma_start3A_592 = arith.constant 0 : i32
      %dma_start3A_593 = tpu.memref_slice %arg15[%dma_start3A_589, %dma_start3A_591, %dma_start3A_592] : memref<2x32x128xf32, #tpu.memory_space<vmem>> -> memref<1x32x128xf32, #tpu.memory_space<vmem>>
      %dma_start3A_594 = tpu.memref_squeeze %dma_start3A_593 : memref<1x32x128xf32, #tpu.memory_space<vmem>> -> memref<32x128xf32, #tpu.memory_space<vmem>>
      %dma_start3A_595 = arith.constant 0 : i32
      %dma_start3A_596 = tpu.memref_slice %arg10[%dma_start3A_590, %dma_start3A_595] : memref<2x32xi32, #tpu.memory_space<vmem>> -> memref<1x32xi32, #tpu.memory_space<vmem>>
      %dma_start3A_597 = tpu.memref_squeeze %dma_start3A_596 : memref<1x32xi32, #tpu.memory_space<vmem>> -> memref<32xi32, #tpu.memory_space<vmem>>
      %dma_start3A_598 = arith.constant 0 : i32
      %dma_start3A_599 = arith.constant 0 : i32
      %dma_start3A_600 = tpu.memref_slice %arg16[%dma_start3A_598, %dma_start3A_599] : memref<10112x128xf32, #tpu.memory_space<vmem_shared>> -> memref<10112x128xf32, #tpu.memory_space<vmem_shared>>
      tpu.enqueue_indirect_dma source(%dma_start3A_594 : memref<32x128xf32, #tpu.memory_space<vmem>>) target(%dma_start3A_600 : memref<10112x128xf32, #tpu.memory_space<vmem_shared>>) offsets(%dma_start3A_597 : memref<32xi32, #tpu.memory_space<vmem>>) semaphore(%arg24 : memref<!tpu.dma_semaphore, #tpu.memory_space<semaphore_mem>>) {add = true}
      %lt3A_601 = arith.constant 79 : i32
      %lt3A_602 = arith.cmpi slt, %scan3A_285, %lt3A_601 : i32
      %convert_element_type3A_603 = arith.extui %lt3A_602 : i1 to i32
      %cond3A_604 = arith.constant 0 : i32
      %cond3A_605 = arith.cmpi ne, %convert_element_type3A_603, %cond3A_604 : i32
      scf.if %cond3A_605 {
        %add3A_606 = arith.constant 3 : i32
        %add3A_607 = arith.addi %mul3A_287, %add3A_606 : i32
        %mul3A_608 = arith.constant 160 : i32
        %mul3A_609 = arith.muli %add3A, %mul3A_608 : i32
        %add3A_610 = arith.addi %mul3A_609, %add3A_607 : i32
        %mul3A_611 = arith.constant 32 : i32
        %mul3A_612 = arith.muli %add3A_610, %mul3A_611 : i32
        %min3A_613 = arith.constant 159968 : i32
        %min3A_614 = arith.minsi %mul3A_612, %min3A_613 : i32
        %dma_start3A_615 = arith.constant 1 : i32
        %dma_start3A_616 = arith.constant 0 : i32
        %dma_start3A_617 = tpu.memref_slice %arg7[%dma_start3A_615, %dma_start3A_616] : memref<2x32xi32, #tpu.memory_space<vmem>> -> memref<1x32xi32, #tpu.memory_space<vmem>>
        %dma_start3A_618 = tpu.memref_squeeze %dma_start3A_617 : memref<1x32xi32, #tpu.memory_space<vmem>> -> memref<32xi32, #tpu.memory_space<vmem>>
        %dma_start3A_619 = tpu.memref_slice %arg4[%mul3A_612] : memref<163840xi32, #tpu.memory_space<hbm>> -> memref<32xi32, #tpu.memory_space<hbm>>
        %dma_start3A_620 = arith.constant 0 : i32
        %dma_start3A_621 = tpu.memref_slice %arg7[%dma_start3A_615, %dma_start3A_620] : memref<2x32xi32, #tpu.memory_space<vmem>> -> memref<1x32xi32, #tpu.memory_space<vmem>>
        %dma_start3A_622 = tpu.memref_squeeze %dma_start3A_621 : memref<1x32xi32, #tpu.memory_space<vmem>> -> memref<32xi32, #tpu.memory_space<vmem>>
        %dma_start3A_623 = tpu.memref_slice %arg4[%mul3A_612] : memref<163840xi32, #tpu.memory_space<hbm>> -> memref<32xi32, #tpu.memory_space<hbm>>
        tpu.enqueue_dma source(%dma_start3A_623 : memref<32xi32, #tpu.memory_space<hbm>>) target(%dma_start3A_622 : memref<32xi32, #tpu.memory_space<vmem>>) target_semaphore(%arg18 : memref<!tpu.dma_semaphore, #tpu.memory_space<semaphore_mem>>)
        %dma_start3A_624 = arith.constant 1 : i32
        %dma_start3A_625 = arith.constant 0 : i32
        %dma_start3A_626 = tpu.memref_slice %arg8[%dma_start3A_624, %dma_start3A_625] : memref<2x32xi32, #tpu.memory_space<vmem>> -> memref<1x32xi32, #tpu.memory_space<vmem>>
        %dma_start3A_627 = tpu.memref_squeeze %dma_start3A_626 : memref<1x32xi32, #tpu.memory_space<vmem>> -> memref<32xi32, #tpu.memory_space<vmem>>
        %dma_start3A_628 = tpu.memref_slice %arg5[%mul3A_612] : memref<163840xi32, #tpu.memory_space<hbm>> -> memref<32xi32, #tpu.memory_space<hbm>>
        %dma_start3A_629 = arith.constant 0 : i32
        %dma_start3A_630 = tpu.memref_slice %arg8[%dma_start3A_624, %dma_start3A_629] : memref<2x32xi32, #tpu.memory_space<vmem>> -> memref<1x32xi32, #tpu.memory_space<vmem>>
        %dma_start3A_631 = tpu.memref_squeeze %dma_start3A_630 : memref<1x32xi32, #tpu.memory_space<vmem>> -> memref<32xi32, #tpu.memory_space<vmem>>
        %dma_start3A_632 = tpu.memref_slice %arg5[%mul3A_612] : memref<163840xi32, #tpu.memory_space<hbm>> -> memref<32xi32, #tpu.memory_space<hbm>>
        tpu.enqueue_dma source(%dma_start3A_632 : memref<32xi32, #tpu.memory_space<hbm>>) target(%dma_start3A_631 : memref<32xi32, #tpu.memory_space<vmem>>) target_semaphore(%arg18 : memref<!tpu.dma_semaphore, #tpu.memory_space<semaphore_mem>>)
        %dma_start3A_633 = arith.constant 1 : i32
        %dma_start3A_634 = arith.constant 0 : i32
        %dma_start3A_635 = arith.constant 0 : i32
        %dma_start3A_636 = tpu.memref_slice %arg11[%dma_start3A_633, %dma_start3A_634, %dma_start3A_635] : memref<2x32x128xf32, #tpu.memory_space<vmem>> -> memref<1x32x128xf32, #tpu.memory_space<vmem>>
        %dma_start3A_637 = tpu.memref_squeeze %dma_start3A_636 : memref<1x32x128xf32, #tpu.memory_space<vmem>> -> memref<32x128xf32, #tpu.memory_space<vmem>>
        %dma_start3A_638 = arith.constant 0 : i32
        %dma_start3A_639 = tpu.memref_slice %arg2[%min3A_614, %dma_start3A_638] : memref<160000x128xf32, #tpu.memory_space<hbm>> -> memref<32x128xf32, #tpu.memory_space<hbm>>
        %dma_start3A_640 = arith.constant 0 : i32
        %dma_start3A_641 = arith.constant 0 : i32
        %dma_start3A_642 = tpu.memref_slice %arg11[%dma_start3A_633, %dma_start3A_640, %dma_start3A_641] : memref<2x32x128xf32, #tpu.memory_space<vmem>> -> memref<1x32x128xf32, #tpu.memory_space<vmem>>
        %dma_start3A_643 = tpu.memref_squeeze %dma_start3A_642 : memref<1x32x128xf32, #tpu.memory_space<vmem>> -> memref<32x128xf32, #tpu.memory_space<vmem>>
        %dma_start3A_644 = arith.constant 0 : i32
        %dma_start3A_645 = tpu.memref_slice %arg2[%min3A_614, %dma_start3A_644] : memref<160000x128xf32, #tpu.memory_space<hbm>> -> memref<32x128xf32, #tpu.memory_space<hbm>>
        tpu.enqueue_dma source(%dma_start3A_645 : memref<32x128xf32, #tpu.memory_space<hbm>>) target(%dma_start3A_643 : memref<32x128xf32, #tpu.memory_space<vmem>>) target_semaphore(%arg20 : memref<!tpu.dma_semaphore, #tpu.memory_space<semaphore_mem>>)
      } else {
      }
    }
    %scan3A_231 = arith.constant 80 : i32
    %dma_wait3A_232 = arith.constant 0 : i32
    %dma_wait3A_233 = arith.constant 0 : i32
    %dma_wait3A_234 = arith.constant 0 : i32
    %dma_wait3A_235 = arith.constant 0 : i32
    %dma_wait3A_236 = tpu.memref_slice %arg14[%dma_wait3A_232, %dma_wait3A_234, %dma_wait3A_235] : memref<2x32x128xf32, #tpu.memory_space<vmem>> -> memref<1x32x128xf32, #tpu.memory_space<vmem>>
    %dma_wait3A_237 = tpu.memref_squeeze %dma_wait3A_236 : memref<1x32x128xf32, #tpu.memory_space<vmem>> -> memref<32x128xf32, #tpu.memory_space<vmem>>
    %dma_wait3A_238 = arith.constant 0 : i32
    %dma_wait3A_239 = tpu.memref_slice %arg9[%dma_wait3A_233, %dma_wait3A_238] : memref<2x32xi32, #tpu.memory_space<vmem>> -> memref<1x32xi32, #tpu.memory_space<vmem>>
    %dma_wait3A_240 = tpu.memref_squeeze %dma_wait3A_239 : memref<1x32xi32, #tpu.memory_space<vmem>> -> memref<32xi32, #tpu.memory_space<vmem>>
    %dma_wait3A_241 = arith.constant 0 : i32
    %dma_wait3A_242 = arith.constant 0 : i32
    %dma_wait3A_243 = tpu.memref_slice %arg16[%dma_wait3A_241, %dma_wait3A_242] : memref<10112x128xf32, #tpu.memory_space<vmem_shared>> -> memref<10112x128xf32, #tpu.memory_space<vmem_shared>>
    tpu.wait_indirect_dma semaphore(%arg23 : memref<!tpu.dma_semaphore, #tpu.memory_space<semaphore_mem>>) src(%dma_wait3A_237 : memref<32x128xf32, #tpu.memory_space<vmem>>) dst(%dma_wait3A_243 : memref<10112x128xf32, #tpu.memory_space<vmem_shared>>)
    %dma_wait3A_244 = arith.constant 0 : i32
    %dma_wait3A_245 = arith.constant 0 : i32
    %dma_wait3A_246 = arith.constant 0 : i32
    %dma_wait3A_247 = arith.constant 0 : i32
    %dma_wait3A_248 = tpu.memref_slice %arg15[%dma_wait3A_244, %dma_wait3A_246, %dma_wait3A_247] : memref<2x32x128xf32, #tpu.memory_space<vmem>> -> memref<1x32x128xf32, #tpu.memory_space<vmem>>
    %dma_wait3A_249 = tpu.memref_squeeze %dma_wait3A_248 : memref<1x32x128xf32, #tpu.memory_space<vmem>> -> memref<32x128xf32, #tpu.memory_space<vmem>>
    %dma_wait3A_250 = arith.constant 0 : i32
    %dma_wait3A_251 = tpu.memref_slice %arg10[%dma_wait3A_245, %dma_wait3A_250] : memref<2x32xi32, #tpu.memory_space<vmem>> -> memref<1x32xi32, #tpu.memory_space<vmem>>
    %dma_wait3A_252 = tpu.memref_squeeze %dma_wait3A_251 : memref<1x32xi32, #tpu.memory_space<vmem>> -> memref<32xi32, #tpu.memory_space<vmem>>
    %dma_wait3A_253 = arith.constant 0 : i32
    %dma_wait3A_254 = arith.constant 0 : i32
    %dma_wait3A_255 = tpu.memref_slice %arg16[%dma_wait3A_253, %dma_wait3A_254] : memref<10112x128xf32, #tpu.memory_space<vmem_shared>> -> memref<10112x128xf32, #tpu.memory_space<vmem_shared>>
    tpu.wait_indirect_dma semaphore(%arg23 : memref<!tpu.dma_semaphore, #tpu.memory_space<semaphore_mem>>) src(%dma_wait3A_249 : memref<32x128xf32, #tpu.memory_space<vmem>>) dst(%dma_wait3A_255 : memref<10112x128xf32, #tpu.memory_space<vmem_shared>>)
    %dma_wait3A_256 = arith.constant 1 : i32
    %dma_wait3A_257 = arith.constant 1 : i32
    %dma_wait3A_258 = arith.constant 0 : i32
    %dma_wait3A_259 = arith.constant 0 : i32
    %dma_wait3A_260 = tpu.memref_slice %arg14[%dma_wait3A_256, %dma_wait3A_258, %dma_wait3A_259] : memref<2x32x128xf32, #tpu.memory_space<vmem>> -> memref<1x32x128xf32, #tpu.memory_space<vmem>>
    %dma_wait3A_261 = tpu.memref_squeeze %dma_wait3A_260 : memref<1x32x128xf32, #tpu.memory_space<vmem>> -> memref<32x128xf32, #tpu.memory_space<vmem>>
    %dma_wait3A_262 = arith.constant 0 : i32
    %dma_wait3A_263 = tpu.memref_slice %arg9[%dma_wait3A_257, %dma_wait3A_262] : memref<2x32xi32, #tpu.memory_space<vmem>> -> memref<1x32xi32, #tpu.memory_space<vmem>>
    %dma_wait3A_264 = tpu.memref_squeeze %dma_wait3A_263 : memref<1x32xi32, #tpu.memory_space<vmem>> -> memref<32xi32, #tpu.memory_space<vmem>>
    %dma_wait3A_265 = arith.constant 0 : i32
    %dma_wait3A_266 = arith.constant 0 : i32
    %dma_wait3A_267 = tpu.memref_slice %arg16[%dma_wait3A_265, %dma_wait3A_266] : memref<10112x128xf32, #tpu.memory_space<vmem_shared>> -> memref<10112x128xf32, #tpu.memory_space<vmem_shared>>
    tpu.wait_indirect_dma semaphore(%arg24 : memref<!tpu.dma_semaphore, #tpu.memory_space<semaphore_mem>>) src(%dma_wait3A_261 : memref<32x128xf32, #tpu.memory_space<vmem>>) dst(%dma_wait3A_267 : memref<10112x128xf32, #tpu.memory_space<vmem_shared>>)
    %dma_wait3A_268 = arith.constant 1 : i32
    %dma_wait3A_269 = arith.constant 1 : i32
    %dma_wait3A_270 = arith.constant 0 : i32
    %dma_wait3A_271 = arith.constant 0 : i32
    %dma_wait3A_272 = tpu.memref_slice %arg15[%dma_wait3A_268, %dma_wait3A_270, %dma_wait3A_271] : memref<2x32x128xf32, #tpu.memory_space<vmem>> -> memref<1x32x128xf32, #tpu.memory_space<vmem>>
    %dma_wait3A_273 = tpu.memref_squeeze %dma_wait3A_272 : memref<1x32x128xf32, #tpu.memory_space<vmem>> -> memref<32x128xf32, #tpu.memory_space<vmem>>
    %dma_wait3A_274 = arith.constant 0 : i32
    %dma_wait3A_275 = tpu.memref_slice %arg10[%dma_wait3A_269, %dma_wait3A_274] : memref<2x32xi32, #tpu.memory_space<vmem>> -> memref<1x32xi32, #tpu.memory_space<vmem>>
    %dma_wait3A_276 = tpu.memref_squeeze %dma_wait3A_275 : memref<1x32xi32, #tpu.memory_space<vmem>> -> memref<32xi32, #tpu.memory_space<vmem>>
    %dma_wait3A_277 = arith.constant 0 : i32
    %dma_wait3A_278 = arith.constant 0 : i32
    %dma_wait3A_279 = tpu.memref_slice %arg16[%dma_wait3A_277, %dma_wait3A_278] : memref<10112x128xf32, #tpu.memory_space<vmem_shared>> -> memref<10112x128xf32, #tpu.memory_space<vmem_shared>>
    tpu.wait_indirect_dma semaphore(%arg24 : memref<!tpu.dma_semaphore, #tpu.memory_space<semaphore_mem>>) src(%dma_wait3A_273 : memref<32x128xf32, #tpu.memory_space<vmem>>) dst(%dma_wait3A_279 : memref<10112x128xf32, #tpu.memory_space<vmem_shared>>)
    %barrier3A_280 = arith.constant 0 : index
    tpu.barrier barrier_id(%barrier3A_280)
    %mul3A_281 = arith.constant 632 : i32
    %mul3A_282 = arith.muli %arg1, %mul3A_281 : i32
    %mul3A_283 = arith.constant 632 : i32
    %mul3A_284 = arith.muli %arg1, %mul3A_283 : i32
    "tpu.region"() ({
      %run_scoped3A_285 = tpu.sem_alloc : memref<!tpu.dma_semaphore, #tpu.memory_space<semaphore_mem>>
      %dma_start3A_286 = arith.constant 0 : i32
      %dma_start3A_287 = tpu.memref_slice %arg6[%arg0, %mul3A_284, %dma_start3A_286] : memref<2x10112x128xf32, #tpu.memory_space<hbm>> -> memref<1x632x128xf32, #tpu.memory_space<hbm>>
      %dma_start3A_288 = tpu.memref_squeeze %dma_start3A_287 : memref<1x632x128xf32, #tpu.memory_space<hbm>> -> memref<632x128xf32, #tpu.memory_space<hbm>>
      %dma_start3A_289 = arith.constant 0 : i32
      %dma_start3A_290 = tpu.memref_slice %arg16[%mul3A_282, %dma_start3A_289] : memref<10112x128xf32, #tpu.memory_space<vmem_shared>> -> memref<632x128xf32, #tpu.memory_space<vmem_shared>>
      tpu.enqueue_dma source(%dma_start3A_290 : memref<632x128xf32, #tpu.memory_space<vmem_shared>>) target(%dma_start3A_288 : memref<632x128xf32, #tpu.memory_space<hbm>>) target_semaphore(%run_scoped3A_285 : memref<!tpu.dma_semaphore, #tpu.memory_space<semaphore_mem>>)
      %dma_wait3A_291 = arith.constant 0 : i32
      %dma_wait3A_292 = tpu.memref_slice %arg6[%arg0, %mul3A_284, %dma_wait3A_291] : memref<2x10112x128xf32, #tpu.memory_space<hbm>> -> memref<1x632x128xf32, #tpu.memory_space<hbm>>
      %dma_wait3A_293 = tpu.memref_squeeze %dma_wait3A_292 : memref<1x632x128xf32, #tpu.memory_space<hbm>> -> memref<632x128xf32, #tpu.memory_space<hbm>>
      %dma_wait3A_294 = arith.constant 0 : i32
      %dma_wait3A_295 = tpu.memref_slice %arg16[%mul3A_282, %dma_wait3A_294] : memref<10112x128xf32, #tpu.memory_space<vmem_shared>> -> memref<632x128xf32, #tpu.memory_space<vmem_shared>>
      tpu.wait_dma2 semaphore(%run_scoped3A_285 : memref<!tpu.dma_semaphore, #tpu.memory_space<semaphore_mem>>) src(%dma_wait3A_295 : memref<632x128xf32, #tpu.memory_space<vmem_shared>>) dst(%dma_wait3A_293 : memref<632x128xf32, #tpu.memory_space<hbm>>)
      tpu.yield
    }) : () -> ()
    return
  }
}

module attributes {stable_mosaic.version = 14 : i64} {
  func.func @_a_body(%arg0: i32, %arg1: memref<8000x16xf32, #tpu.memory_space<vmem>>, %arg2: memref<16x128xf32, #tpu.memory_space<vmem>>, %arg3: memref<1x128xf32, #tpu.memory_space<vmem>>, %arg4: memref<8000x128xf32, #tpu.memory_space<vmem>>) attributes {dimension_semantics = [#tpu.dimension_semantics<arbitrary>], iteration_bounds = array<i64: 20>, scalar_prefetch = 0 : i64, scratch_operands = 0 : i64, tpu.core_type = #tpu.core_type<tc>, window_params = [{transform_indices = @transform_0, window_bounds = array<i64: 8000, 16>}, {pipeline_mode = #tpu.pipeline_mode<synchronous>, transform_indices = @transform_1, window_bounds = array<i64: 16, 128>}, {pipeline_mode = #tpu.pipeline_mode<synchronous>, transform_indices = @transform_2, window_bounds = array<i64: 1, 128>}, {transform_indices = @transform_3, window_bounds = array<i64: 8000, 128>}]} {
    %get3A = arith.constant 0 : index
    %get3A_0 = arith.constant 0 : index
    %get3A_1 = vector.load %arg1[%get3A, %get3A_0] : memref<8000x16xf32, #tpu.memory_space<vmem>>, vector<8000x16xf32>
    %get3A_2 = arith.constant 0 : index
    %get3A_3 = arith.constant 0 : index
    %get3A_4 = vector.load %arg2[%get3A_2, %get3A_3] : memref<16x128xf32, #tpu.memory_space<vmem>>, vector<16x128xf32>
    %dot_general3A = arith.constant dense<0.000000e+00> : vector<8000x128xf32>
    %dot_general3A_5 = tpu.matmul %get3A_1, %get3A_4, %dot_general3A {dimension_numbers = #tpu.dot_dimension_numbers<[1], [0], [0], [1], [0, 0, 1, 1], [], []>, transpose_lhs_hint = false} : vector<8000x16xf32>, vector<16x128xf32>, vector<8000x128xf32> -> vector<8000x128xf32>
    %get3A_6 = arith.constant 0 : index
    %get3A_7 = arith.constant 0 : index
    %get3A_8 = vector.load %arg3[%get3A_6, %get3A_7] : memref<1x128xf32, #tpu.memory_space<vmem>>, vector<1x128xf32>
    %add3A = vector.broadcast %get3A_8 : vector<1x128xf32> to vector<8000x128xf32>
    %add3A_9 = arith.addf %dot_general3A_5, %add3A : vector<8000x128xf32>
    %slice3A = vector.extract_strided_slice %get3A_1 {offsets = [0, 0], sizes = [8000, 1], strides = [1, 1]} : vector<8000x16xf32> to vector<8000x1xf32>
    %eq3A = arith.constant -9.990000e+02 : f32
    %eq3A_10 = vector.broadcast %eq3A : f32 to vector<8000x1xf32>
    %eq3A_11 = arith.cmpf oeq, %slice3A, %eq3A_10 : vector<8000x1xf32>
    %jit3A = arith.constant 0.000000e+00 : f32
    %broadcast_in_dim3A = vector.shape_cast %eq3A_11 : vector<8000x1xi1> to vector<8000x1xi1>
    %broadcast_in_dim3A_12 = vector.broadcast %broadcast_in_dim3A : vector<8000x1xi1> to vector<8000x128xi1>
    %broadcast_in_dim3A_13 = vector.broadcast %jit3A : f32 to vector<8000x128xf32>
    %select_n3A = arith.select %broadcast_in_dim3A_12, %broadcast_in_dim3A_13, %add3A_9 : vector<8000x128xi1>, vector<8000x128xf32>
    %swap3A = arith.constant 0 : index
    %swap3A_14 = arith.constant 0 : index
    %swap3A_15 = vector.load %arg4[%swap3A, %swap3A_14] : memref<8000x128xf32, #tpu.memory_space<vmem>>, vector<8000x128xf32>
    tpu.vector_store %arg4[%swap3A, %swap3A_14], %select_n3A {strides = array<i32>} : memref<8000x128xf32, #tpu.memory_space<vmem>>, vector<8000x128xf32>,
    return
  }
  func.func @transform_0(%arg0: i32) -> (i32, i32) {
    %c0_i32 = arith.constant 0 : i32
    %c0_i32_0 = arith.constant 0 : i32
    return %arg0, %c0_i32 : i32, i32
  }
  func.func @transform_1(%arg0: i32) -> (i32, i32) {
    %c0_i32 = arith.constant 0 : i32
    %c0_i32_0 = arith.constant 0 : i32
    %c0_i32_1 = arith.constant 0 : i32
    return %c0_i32, %c0_i32_0 : i32, i32
  }
  func.func @transform_2(%arg0: i32) -> (i32, i32) {
    %c0_i32 = arith.constant 0 : i32
    %c0_i32_0 = arith.constant 0 : i32
    %c0_i32_1 = arith.constant 0 : i32
    return %c0_i32, %c0_i32_0 : i32, i32
  }
  func.func @transform_3(%arg0: i32) -> (i32, i32) {
    %c0_i32 = arith.constant 0 : i32
    %c0_i32_0 = arith.constant 0 : i32
    return %arg0, %c0_i32 : i32, i32
  }
}

module attributes {stable_mosaic.version = 14 : i64} {
  func.func @_sum_body(%arg0: i32, %arg1: memref<2x1000x128xf32, #tpu.memory_space<vmem>>, %arg2: memref<1000x128xf32, #tpu.memory_space<vmem>>) attributes {dimension_semantics = [#tpu.dimension_semantics<arbitrary>], iteration_bounds = array<i64: 10>, scalar_prefetch = 0 : i64, scratch_operands = 0 : i64, tpu.core_type = #tpu.core_type<tc>, window_params = [{transform_indices = @transform_0, window_bounds = array<i64: 2, 1000, 128>}, {transform_indices = @transform_1, window_bounds = array<i64: 1000, 128>}]} {
    %get3A = arith.constant 0 : index
    %get3A_0 = arith.constant 0 : index
    %get3A_1 = arith.constant 0 : index
    %get3A_2 = vector.load %arg1[%get3A, %get3A_0, %get3A_1] : memref<2x1000x128xf32, #tpu.memory_space<vmem>>, vector<1x1000x128xf32>
    %get3A_3 = vector.shape_cast %get3A_2 : vector<1x1000x128xf32> to vector<1000x128xf32>
    %get3A_4 = arith.constant 1 : index
    %get3A_5 = arith.constant 0 : index
    %get3A_6 = arith.constant 0 : index
    %get3A_7 = vector.load %arg1[%get3A_4, %get3A_5, %get3A_6] : memref<2x1000x128xf32, #tpu.memory_space<vmem>>, vector<1x1000x128xf32>
    %get3A_8 = vector.shape_cast %get3A_7 : vector<1x1000x128xf32> to vector<1000x128xf32>
    %add3A = arith.addf %get3A_3, %get3A_8 : vector<1000x128xf32>
    %swap3A = arith.constant 0 : index
    %swap3A_9 = arith.constant 0 : index
    %swap3A_10 = vector.load %arg2[%swap3A, %swap3A_9] : memref<1000x128xf32, #tpu.memory_space<vmem>>, vector<1000x128xf32>
    tpu.vector_store %arg2[%swap3A, %swap3A_9], %add3A {strides = array<i32>} : memref<1000x128xf32, #tpu.memory_space<vmem>>, vector<1000x128xf32>,
    return
  }
  func.func @transform_0(%arg0: i32) -> (i32, i32, i32) {
    %c0_i32 = arith.constant 0 : i32
    %c0_i32_0 = arith.constant 0 : i32
    %c0_i32_1 = arith.constant 0 : i32
    return %c0_i32, %arg0, %c0_i32_0 : i32, i32, i32
  }
  func.func @transform_1(%arg0: i32) -> (i32, i32) {
    %c0_i32 = arith.constant 0 : i32
    %c0_i32_0 = arith.constant 0 : i32
    return %arg0, %c0_i32 : i32, i32
  }
}

</mosaic_0001>

<sc_bundles>
// kernel: kernel.5.cloned.1.call-start
scs
__scs_entry_jumppad:
0x0: {  	(pc) =	sbr.rel $0x88, $3  }
0x1: {  	(tag) =	ssettag $0x0;
	lr =	simm.s32 $0x1  }
0x2: {  	[smem:$0x3F9C] =	sst lr;
	_ =	strace $0xD0000000  }
0x3: {  	_ = 	snop  }
0x4: {  	_ = 	snop  }
0x5: {  	_ = 	snop  }
0x6: {  	_ = 	snop  }
0x7: {  	_ = 	snop  }
__scs_overlays_trampoline_lowered:
0x8: {  	[smem:$0x3FAB] =	sst s0  }
0x9: {  	[smem:$0x3FAC] =	sst s1  }
0xa: {  	[smem:$0x3FAD] =	sst s2  }
0xb: {  	[smem:$0x3FAE] =	sst s3  }
0xc: {  	[smem:$0x3FAF] =	sst s4  }
0xd: {  	[smem:$0x3FB0] =	sst s5  }
0xe: {  	[smem:$0x3FB1] =	sst s6  }
0xf: {  	[smem:$0x3FB2] =	sst s7  }
0x10: {  	[smem:$0x3FB3] =	sst s8  }
0x11: {  	[smem:$0x3FB4] =	sst s9;
	s0 =	simm.s32 @!p0 $0x0  }
0x12: {  	s1 =	sld [smem:$0x3F9A];
	s0 =	simm.s32 @p0 $0x1  }
0x13: {  	[smem:$0x3FB5] =	sst s0;
	s0 =	simm.s32 @!p1 $0x0  }
0x14: {  	s2 =	sld [smem:$0x3F99];
	s0 =	simm.s32 @p1 $0x1  }
0x15: {  	[smem:$0x3FB6] =	sst s0;
	s0 =	simm.s32 @!p2 $0x0  }
0x16: {  	s3 =	sld [smem:$0x3FDB];
	s0 =	simm.s32 @p2 $0x1  }
0x17: {  	s4 =	simm.s32 $0x1BF5;
	[smem:$0x3FB8] =	sst s0  }
0x18: {  	s0 =	sld [smem:$0x3F9B];
	_ =	swait.ge [sflag:s4], $0x0  }
0x19: {  	s7 =	sld [smem:$0x3F9C]  }
0x1a: {  	s8 =	sadd.s32 $0xFFFFE003, lr  }
0x1b: {  	s9 =	sadd.s32 $0xFFFFFEF7, lr;
	s5 =	simm.s32 $0xFFFFFFFF;
	p2 =	slt.u32 s8, $0xFFFFF086  }
0x1c: {  	p1 =	slt.u32 s9, $0xF7A;
	s5 =	simm.s32 @!p2 $0x0  }
0x1d: {  	s5 =	simm.s32 @p1 $0x1;
	p0 =	seq.s32 s7, s2  }
0x1e: {  	s7 =	smul.u32 @!p0 $0xF7A, s2;
	p2 =	seq.s32 @!p0 s5, $0x0  }
0x1f: {  	s9 =	smul.u32 $0xF7A, s1;
	s8 =	simm.s32 @!p0 $0x1BF5;
	p2 =	por !p2, p0  }
0x20: {  	[sflag:s8] =	ssyncset.s32 @!p0 $0xFFFFF086;
	s6 =	sadd.s32 @!p0 s3, s7;
	s7 =	simm.s32 @!p0 $0x108  }
0x21: {  	s3 =	sadd.s32 s3, s9;
	s6 =	sadd.s32 @!p0 $0x88, s6;
	s7 =	simm.s32 @p2 $0x1082  }
0x22: {  	[simem:s7], [sflag:s8] =	dma.local @!p0 [hbm:s6], $0xF7A  }
0x23: {  	s9 =	sor.u32 $0xD0000000, s2;
	s6 =	simm.s32 $0x108;
	_ =	swait.ge @!p0 [sflag:s8], $0x0  }
0x24: {  	s3 =	sadd.s32 $0x88, s3;
	s6 =	simm.s32 @!p1 $0x1082;
	[sflag:s4] =	ssyncset.s32 $0xFFFFF086  }
0x25: {  	[simem:s6], [sflag:s4] =	dma.local [hbm:s3], $0xF7A  }
0x26: {  	[smem:$0x3F9C] =	sst s1;
	(tag) =	ssettag s2;
	_ =	strace s9  }
0x27: {  	s1 =	sld [smem:$0x3FAC]  }
0x28: {  	s2 =	sld [smem:$0x3FAD]  }
0x29: {  	s4 =	sld [smem:$0x3FAF]  }
0x2a: {  	p0 =	seq.s32 s5, $0x0;
	s5 =	sld [smem:$0x3FB0]  }
0x2b: {  	s6 =	sld [smem:$0x3FB1]  }
0x2c: {  	s7 =	sld [smem:$0x3FB2]  }
0x2d: {  	s3 =	simm.s32 $0x108;
	s8 =	sld [smem:$0x3FB3]  }
0x2e: {  	s3 =	simm.s32 @!p0 $0x1082;
	s9 =	sld [smem:$0x3FB4]  }
0x2f: {  	lr =	sadd.s32 s0, s3;
	s0 =	sld [smem:$0x3FAB]  }
0x30: {  	s3 =	sld [smem:$0x3FAE]  }
0x31: {  	[smem:$0x3FB7] =	sst s10  }
0x32: {  	s10 =	sld [smem:$0x3FB5];
	_ =	sdelay $0x3  }
0x33: {  	p0 =	seq.s32 s10, $0x1;
	s10 =	sld [smem:$0x3FB7];
	_ =	sdelay $0x3  }
0x34: {  	[smem:$0x3FB7] =	sst s10  }
0x35: {  	s10 =	sld [smem:$0x3FB6];
	_ =	sdelay $0x3  }
0x36: {  	p1 =	seq.s32 s10, $0x1;
	s10 =	sld [smem:$0x3FB7];
	_ =	sdelay $0x3  }
0x37: {  	[smem:$0x3FB7] =	sst s10  }
0x38: {  	s10 =	sld [smem:$0x3FB8]  }
0x39: {  	_ = 	snop;
	(pc) =	sbr.ind lr, $3  }
0x3a: {  	_ = 	snop  }
0x3b: {  	_ = 	snop  }
0x3c: {  	p2 =	seq.s32 s10, $0x1;
	s10 =	sld [smem:$0x3FB7]  }
0x3d: {  	_ =	shalt  }
0x3e: {  	_ =	shalt  }
0x3f: {  	_ =	shalt  }
0x40: {  	_ =	shalt  }
0x41: {  	_ =	shalt  }
0x42: {  	_ =	shalt  }
0x43: {  	_ =	shalt  }
0x44: {  	_ =	shalt  }
0x45: {  	_ =	shalt  }
0x46: {  	_ =	shalt  }
0x47: {  	_ =	shalt  }
0x48: {  	_ =	shalt  }
0x49: {  	_ =	shalt  }
0x4a: {  	_ =	shalt  }
0x4b: {  	_ =	shalt  }
0x4c: {  	_ =	shalt  }
0x4d: {  	_ =	shalt  }
0x4e: {  	_ =	shalt  }
0x4f: {  	_ =	shalt  }
0x50: {  	_ =	shalt  }
0x51: {  	_ =	shalt  }
0x52: {  	_ =	shalt  }
0x53: {  	_ =	shalt  }
0x54: {  	_ =	shalt  }
0x55: {  	_ =	shalt  }
0x56: {  	_ =	shalt  }
0x57: {  	_ =	shalt  }
0x58: {  	_ =	shalt  }
0x59: {  	_ =	shalt  }
0x5a: {  	_ =	shalt  }
0x5b: {  	_ =	shalt  }
0x5c: {  	_ =	shalt  }
0x5d: {  	_ =	shalt  }
0x5e: {  	_ =	shalt  }
0x5f: {  	_ =	shalt  }
0x60: {  	_ =	shalt  }
0x61: {  	_ =	shalt  }
0x62: {  	_ =	shalt  }
0x63: {  	_ =	shalt  }
0x64: {  	_ =	shalt  }
0x65: {  	_ =	shalt  }
0x66: {  	_ =	shalt  }
0x67: {  	_ =	shalt  }
0x68: {  	_ =	shalt  }
0x69: {  	_ =	shalt  }
0x6a: {  	_ =	shalt  }
0x6b: {  	_ =	shalt  }
0x6c: {  	_ =	shalt  }
0x6d: {  	_ =	shalt  }
0x6e: {  	_ =	shalt  }
0x6f: {  	_ =	shalt  }
0x70: {  	_ =	shalt  }
0x71: {  	_ =	shalt  }
0x72: {  	_ =	shalt  }
0x73: {  	_ =	shalt  }
0x74: {  	_ =	shalt  }
0x75: {  	_ =	shalt  }
0x76: {  	_ =	shalt  }
0x77: {  	_ =	shalt  }
0x78: {  	_ =	shalt  }
0x79: {  	_ =	shalt  }
0x7a: {  	_ =	shalt  }
0x7b: {  	_ =	shalt  }
0x7c: {  	_ =	shalt  }
0x7d: {  	_ =	shalt  }
0x7e: {  	_ =	shalt  }
0x7f: {  	_ =	shalt  }
0x80: {  	_ =	shalt  }
0x81: {  	_ =	shalt  }
0x82: {  	_ =	shalt  }
0x83: {  	_ =	shalt  }
0x84: {  	_ =	shalt  }
0x85: {  	_ =	shalt  }
0x86: {  	_ =	shalt  }
0x87: {  	_ =	shalt  }
.Lfunc_end0:
.L_simem_size_0:
called_computation_lowered:
.L_overlay_start_0:
0x88: {  	s2 =	sld [smem:$0x3FD9]  }
0x89: {  	s3 =	sld [smem:$0x3FFE];
	_ =	sdelay $0x1  }
0x8a: {  	s1 =	srdreg.scid  }
0x8b: {  	s0 =	sand.u32 $0x1, s1  }
0x8c: {  	s17 =	sshll.u32 s0, $0xA;
	s2 =	sadd.s32 s3, s2  }
0x8d: {  	s2 =	sadd.s32 s2, s17  }
0x8e: {  	[smem:$0x3FC3] =	sst s2  }
0x8f: {  	_ = 	snop  }
0x90: {  	s2 =	sld [smem:$0x3FD0];
	(tm) =	ssettm $0x1  }
0x91: {  	s18 =	sld [smem:$0x3FFB];
	_ =	sdelay $0x3  }
0x92: {  	_ =	strace s18  }
0x93: {  	s3 =	sld [smem:$0x3FFC];
	_ =	sdelay $0x3  }
0x94: {  	_ =	strace s3  }
0x95: {  	s3 =	sld [smem:$0x3FFD];
	_ =	sdelay $0x3  }
0x96: {  	_ =	strace s3  }
0x97: {  	_ =	strace $0x8FFFFFFF  }
0x98: {  	s19 =	sld [smem:$0x3FDB];
	_ =	sdelay $0x1  }
0x99: {  	s4 =	simm.s32 $_scs_section_size  }
0x9a: {  	s5 =	simm.s32 $_size__tile_overlayer_lowered;
	s6 =	simm.s32 $_tile_overlayer_lowered  }
0x9b: {  	s22 =	simm.s32 $0x1BFF;
	s21 =	sshll.u32 s6, $0x1;
	s3 =	sadd.s32 s4, s19  }
0x9c: {  	s7 =	simm.s32 $0x0;
	s20 =	sshll.u32 s5, $0x1;
	s5 =	sadd.s32 s21, s3  }
0x9d: {  	[timem:s7], [sflag:s22] =	dma.local [hbm:s5], s20  }
0x9e: {  	_ =	swait.ge [sflag:s22], s20  }
0x9f: {  	s4 =	ssub.s32 $0x0, s20;
	[sflag:s22] =	ssyncset.done $0x0  }
0xa0: {  	[sflag:s22] =	ssyncadd.s32 s4;
	_ =	sdelay $0x1  }
0xa1: {  	s23 =	simm.s32 $0x1B8B  }
0xa2: {  	_ =	swait.ge [sflag:s23], $0x1  }
0xa3: {  	[sflag:s23] =	ssyncset.done $0x0  }
0xa4: {  	s25 =	simm.s32 $0x1B8E;
	s24 =	sld [smem:$0x3FFE];
	[sflag:s23] =	ssyncadd.s32 $0xFFFFFFFF  }
0xa5: {  	s26 =	simm.s32 $execute0_lowered;
	[smem:$0x3FD2] =	sst s25  }
0xa6: {  	s5 =	sshll.u32 s26, $0x1;
	_ =	strace $0x80000046;
	[dreg:$0x1] =	wrdreg $0xFFFFFFFF  }
0xa7: {  	s28 =	simm.s32 $_size_execute0_lowered;
	s3 =	sadd.s32 s3, s5;
	[dreg:$0x0] =	wrdreg $0x0  }
0xa8: {  	s5 =	sshll.u32 s28, $0x1;
	[dreg:$0x2] =	wrdreg s3  }
0xa9: {  	[dreg:$0x3] =	wrdreg s5  }
0xaa: {  	[dreg:$0x4] =	wrdreg $0xC0  }
0xab: {  	_ =	task [dreg:s7], $0x5FFFF  }
0xac: {  	[dreg:$0x1] =	wrdreg $0xFFFFFFFF  }
0xad: {  	[dreg:$0x0] =	wrdreg $0x60  }
0xae: {  	[dreg:$0x2] =	wrdreg s24  }
0xaf: {  	[dreg:$0x3] =	wrdreg s2  }
0xb0: {  	[dreg:$0x4] =	wrdreg $0xA4000  }
0xb1: {  	[dreg:$0x5] =	wrdreg $0x9  }
0xb2: {  	_ =	task.clear_ibuf [dreg:s7], $0x6FFFF;
	_ =	strace $0x90000046  }
0xb3: {  	s29 =	simm.s32 $0x9;
	_ =	strace $0x80000048  }
0xb4: {  	_ =	swait.ge [sflag:s29], $0x1  }
0xb5: {  	[sflag:s29] =	ssyncadd.s32 $0xFFFFFFFF  }
0xb6: {  	_ =	strace $0x90000048  }
0xb7: {  	_ =	sfence  }
0xb8: {  	s30 =	sld [smem:$0x0];
	_ =	sdelay $0x2  }
0xb9: {  	s31 =	sshll.u32 s1, $0xD;
	s1 =	sshrl.u32 s1, $0x2  }
0xba: {  	s3 =	sand.u32 $0x4000, s31;
	s1 =	sadd.s32 s1, s30  }
0xbb: {  	s0 =	sor.u32 s3, s0;
	s1 =	sshll.u32 s1, $0x11  }
0xbc: {  	s0 =	sor.u32 s1, s0  }
0xbd: {  	s0 =	sadd.s32 $0x8F2B, s0  }
0xbe: {  	[sflag:s0] =	ssyncadd.remote.s32 $0x1  }
0xbf: {  	_ =	sfence.sel $0xFFFF  }
0xc0: {  	[dreg:$0x0] =	wrdreg $0xFFFFFFFF;
	(pc) =	sbr.abs _section_cstart, $3  }
0xc1: {  	[dreg:$0x1] =	wrdreg $0xFFFFFFFF  }
0xc2: {  	_ =	task.clear_ibuf [dreg:s7], $0x2FFFF;
	_ =	strace $0x9FFFFFFF  }
0xc3: {  	(tm) =	ssettm $0x7FFFFFFF  }
tec
execute0_lowered:
.L_overlay_start_1:
0x0: {  	(tag) =	ssettag $0x1  }
0x1: {  	s0 =	rddreg [dreg:$0x0]  }
0x2: {  	s1 =	rddreg [dreg:$0x1]  }
0x3: {  	s2 =	rddreg [dreg:$0x2]  }
0x4: {  	s3 =	srdreg.scid;
	s4 =	simm.s32 $0x0;
	s11 =	stileid.u32  }
0x5: {  	s28 =	simm.s32 $0x3;
	s29 =	simm.s32 $0x5;
	s30 =	simm.s32 $0x6400  }
0x6: {  	s31 =	simm.s32 $0x300;
	s3 =	sand.u32 $0x1, s3;
	s7 =	smul.u32 $0x13C00, s11  }
0x7: {  	[smem:$0x7FF] =	sst s4;
	s5 =	sadd.s32 $0x299000, s0;
	s9 =	smul.u32 $0x4F000, s11  }
0x8: {  	s11 =	sshll.u32 s11, $0x1;
	s6 =	smul.u32 $0x13C000, s3;
	_ =	strace $0x80000047  }
0x9: {  	s14 =	ssub.s32 $0x2, s3;
	s3 =	sor.u32 s3, s11;
	s9 =	sshrl.u32 s9, $0x2  }
0xa: {  	s10 =	sshrl.u32 s14, $0x1;
	s18 =	smul.u32 $0x1400, s3;
	s16 =	sadd.s32 s9, s2  }
0xb: {  	s11 =	smul.u32 $0x14000, s3;
	s9 =	sadd.s32 $0x1000, s16;
	[dreg:$0x4] =	wrdreg s16  }
0xc: {  	s3 =	smul.u32 $0xA0, s3;
	s15 =	sadd.s32 $0x2000, s16;
	[dreg:$0x5] =	wrdreg s9  }
0xd: {  	s8 =	sadd.s32 s7, s6;
	s17 =	sadd.s32 $0x3000, s16;
	[dreg:$0x6] =	wrdreg s15  }
0xe: {  	s6 =	sadd.s32 $0x271800, s0;
	s19 =	sadd.s32 $0x4000, s16;
	[dreg:$0x7] =	wrdreg s17  }
0xf: {  	s7 =	sadd.s32 $0x800, s0;
	s20 =	sadd.s32 $0x5000, s16;
	[dreg:$0x8] =	wrdreg s19  }
0x10: {  	s8 =	sshrl.u32 s8, $0x3;
	s21 =	sadd.s32 $0x6000, s16;
	[dreg:$0x9] =	wrdreg s20  }
0x11: {  	s22 =	sadd.s32 $0x7000, s16;
	s23 =	sshrl.u32 s18, $0x3;
	[dreg:$0xa] =	wrdreg s21  }
0x12: {  	s24 =	sadd.s32 s5, s11;
	s13 =	sadd.s32 $0x9000, s16;
	[dreg:$0xb] =	wrdreg s22  }
0x13: {  	s0 =	sadd.s32 s8, s0;
	s8 =	ssub.s32 s14, s10;
	[dreg:$0xe] =	wrdreg s24  }
0x14: {  	s12 =	sadd.s32 s7, s23;
	s10 =	sadd.s32 s1, s23;
	[dreg:$0x15] =	wrdreg s13  }
0x15: {  	s9 =	sor.u32 $0x20, s18;
	s22 =	sor.u32 $0x2, s3;
	[dreg:$0xc] =	wrdreg s12  }
0x16: {  	s23 =	sor.u32 $0x3, s3;
	s14 =	sadd.s32 $0xA000, s16;
	[dreg:$0xd] =	wrdreg s10  }
0x17: {  	s15 =	sadd.s32 $0xB000, s16;
	s17 =	sadd.s32 $0xC000, s16;
	[dreg:$0x16] =	wrdreg s14  }
0x18: {  	s18 =	sadd.s32 $0xD000, s16;
	s19 =	sadd.s32 $0xE000, s16;
	[dreg:$0x17] =	wrdreg s15  }
0x19: {  	s20 =	sadd.s32 $0xF000, s16;
	s21 =	sadd.s32 $0x10000, s16;
	[dreg:$0x18] =	wrdreg s17  }
0x1a: {  	s24 =	sadd.s32 $0x11000, s16;
	s3 =	simm.s32 $0x4;
	[dreg:$0x19] =	wrdreg s18  }
0x1b: {  	s13 =	simm.s32 $0x9400;
	s25 =	sshrl.u32 s9, $0x3;
	[dreg:$0x1a] =	wrdreg s19  }
0x1c: {  	s9 =	sshll.u32 s9, $0x4;
	s0 =	sadd.s32 $0x5800, s0;
	[dreg:$0x1b] =	wrdreg s20  }
0x1d: {  	s11 =	smax.u32 s8, $0x1;
	s12 =	sadd.s32 $0x8000, s16;
	[dreg:$0x1c] =	wrdreg s21  }
0x1e: {  	[dreg:$0x1d] =	wrdreg s24;
	s15 =	simm.s32 $0x9;
	s17 =	simm.s32 $0x80  }
0x1f: {  	s18 =	simm.s32 $0x180;
	s21 =	simm.s32 $0x20;
	[dreg:$0x12] =	wrdreg s0  }
0x20: {  	s24 =	simm.s32 $0x2;
	s20 =	simm.s32 $0x8;
	[dreg:$0x13] =	wrdreg s11  }
0x21: {  	s14 =	simm.s32 $0x0;
	s26 =	sadd.s32 s7, s25;
	[dreg:$0x14] =	wrdreg s12  }
.Ltmp0:
0x22: {  	s10 =	sadd.s32 s1, s25;
	[dreg:$0xf] =	wrdreg s26;
	(pc) =	sbr.rel .LBB2_1-.Ltmp0, $4  }
0x23: {  	s9 =	sadd.s32 s5, s9;
	s25 =	sadd.s32 $0x12000, s16;
	[dreg:$0x10] =	wrdreg s10  }
0x24: {  	s0 =	simm.s32 $0x8400;
	s11 =	simm.s32 $0x7400;
	[dreg:$0x11] =	wrdreg s9  }
0x25: {  	s12 =	simm.s32 $0x380;
	[dreg:$0x1e] =	wrdreg s25;
	s26 =	sadd.s32 $0x13000, s16  }
0x26: {  	v0 =	vimm.f32 $0.0e+00;
	s9 =	simm.s32 $0x6;
	s10 =	simm.s32 $0x280;
	[dreg:$0x1f] =	wrdreg s26  }
.LBB2_10:
0x27: {  	s8 =	simm.s32 $0x7  }
0x28: {  	_ =	swait.ge [sflag:s8], $0x1000  }
0x29: {  	[sflag:s8] =	ssyncset.done $0x0  }
0x2a: {  	[sflag:s8] =	ssyncadd.s32 $0xFFFFF000  }
0x2b: {  	_ =	swait.ge [sflag:s8], $0x1000  }
0x2c: {  	[sflag:s8] =	ssyncset.done $0x0  }
0x2d: {  	[sflag:s8] =	ssyncadd.s32 $0xFFFFF000  }
0x2e: {  	_ =	swait.ge [sflag:s20], $0x1000  }
0x2f: {  	[sflag:s20] =	ssyncset.done $0x0  }
0x30: {  	[sflag:s20] =	ssyncadd.s32 $0xFFFFF000  }
0x31: {  	_ =	swait.ge [sflag:s20], $0x1000  }
0x32: {  	[sflag:s20] =	ssyncset.done $0x0  }
0x33: {  	[sflag:s20] =	ssyncadd.s32 $0xFFFFF000  }
0x34: {  	s19 =	stileid.u32;
	[bflag:$0x0] =	sbarrier.arrive $0xFFFF  }
0x35: {  	s8 =	sshll.u32 s19, $0x6;
	s16 =	rddreg [dreg:$0x4]  }
0x36: {  	s8 =	sor.u32 $0x1C09, s8;
	s19 =	rddreg [dreg:$0x12];
	s14 =	sshrl.u32 s16, $0x3  }
0x37: {  	[hbm:s19], [sflag:s8] =	dma.local [spmem:s14], $0x2780  }
0x38: {  	_ =	swait.ge [sflag:s15], $0x2780  }
0x39: {  	s25 =	sld [smem:$0x7FD];
	_ =	sdelay $0x2  }
0x3a: {  	s26 =	rddreg [dreg:$0x13];
	s14 =	sadd.s32 $0x1, s25  }
0x3b: {  	p0 =	sne.s32 s14, s26  }
.Ltmp1:
0x3c: {  	_ = 	snop;
	(pc) =	sbr.rel @!p0 .LBB2_11-.Ltmp1, $3  }
0x3d: {  	_ =	sdelay $0x1  }
0x3e: {  	[sflag:s15] =	ssyncset.done $0x0  }
0x3f: {  	[sflag:s15] =	ssyncadd.s32 $0xFFFFD880  }
.LBB2_1:
0x40: {  	[smem:$0x7FD] =	sst s14;
	s8 =	simm.s32 $0x0;
	s14 =	simm.s32 $0x200  }
.LBB2_2:
0x41: {  	p0 =	sne.s32 s14, $0x3E00;
	[tilespmem:s8+$0x2470] =	vst v0  }
0x42: {  	[tilespmem:s8+$0x2400] =	vst v0  }
0x43: {  	[tilespmem:s8+$0x2410] =	vst v0  }
.Ltmp2:
0x44: {  	[tilespmem:s8+$0x2420] =	vst v0;
	(pc) =	sbr.rel @p0 .LBB2_2-.Ltmp2, $4  }
0x45: {  	[tilespmem:s8+$0x2430] =	vst v0  }
0x46: {  	[tilespmem:s8+$0x2440] =	vst v0  }
0x47: {  	[tilespmem:s8+$0x2450] =	vst v0  }
0x48: {  	[tilespmem:s8+$0x2460] =	vst v0;
	s8 =	sshra.s32 s14, $0x2;
	s14 =	sadd.s32 $0x200, s14  }
0x49: {  	[tilespmem:s8+$0x2470] =	vst v0  }
0x4a: {  	[tilespmem:s8+$0x2400] =	vst v0  }
0x4b: {  	[tilespmem:s8+$0x2410] =	vst v0  }
0x4c: {  	[tilespmem:s8+$0x2420] =	vst v0  }
0x4d: {  	[tilespmem:s8+$0x2430] =	vst v0  }
0x4e: {  	[tilespmem:s8+$0x2440] =	vst v0  }
0x4f: {  	[tilespmem:s8+$0x2450] =	vst v0  }
0x50: {  	[tilespmem:s8+$0x2460] =	vst v0;
	s19 =	simm.s32 $0x2400  }
0x51: {  	[spmem:s16] =	stream.linear.scatter [tilespmem:s19], [sflag:$0x9], $0x1000, $0x38;
	[tilespmem:$0x1E000] =	vst v63  }
0x52: {  	_ =	swait.ge [sflag:s15], $0x1000  }
0x53: {  	[sflag:s15] =	ssyncset.done $0x0  }
0x54: {  	s26 =	rddreg [dreg:$0x5];
	[sflag:s15] =	ssyncadd.s32 $0xFFFFF000  }
0x55: {  	[spmem:s26] =	stream.linear.scatter [tilespmem:s19], [sflag:$0x9], $0x1000, $0x38;
	[tilespmem:$0x1E000] =	vst v63  }
0x56: {  	_ =	swait.ge [sflag:s15], $0x1000  }
0x57: {  	[sflag:s15] =	ssyncset.done $0x0  }
0x58: {  	s14 =	rddreg [dreg:$0x6];
	[sflag:s15] =	ssyncadd.s32 $0xFFFFF000  }
0x59: {  	[spmem:s14] =	stream.linear.scatter [tilespmem:s19], [sflag:$0x9], $0x1000, $0x38;
	[tilespmem:$0x1E000] =	vst v63  }
0x5a: {  	_ =	swait.ge [sflag:s15], $0x1000  }
0x5b: {  	[sflag:s15] =	ssyncset.done $0x0  }
0x5c: {  	s16 =	rddreg [dreg:$0x7];
	[sflag:s15] =	ssyncadd.s32 $0xFFFFF000  }
0x5d: {  	[spmem:s16] =	stream.linear.scatter [tilespmem:s19], [sflag:$0x9], $0x1000, $0x38;
	[tilespmem:$0x1E000] =	vst v63  }
0x5e: {  	_ =	swait.ge [sflag:s15], $0x1000  }
0x5f: {  	[sflag:s15] =	ssyncset.done $0x0  }
0x60: {  	s25 =	rddreg [dreg:$0x8];
	[sflag:s15] =	ssyncadd.s32 $0xFFFFF000  }
0x61: {  	[spmem:s25] =	stream.linear.scatter [tilespmem:s19], [sflag:$0x9], $0x1000, $0x38;
	[tilespmem:$0x1E000] =	vst v63  }
0x62: {  	_ =	swait.ge [sflag:s15], $0x1000  }
0x63: {  	[sflag:s15] =	ssyncset.done $0x0  }
0x64: {  	s26 =	rddreg [dreg:$0x9];
	[sflag:s15] =	ssyncadd.s32 $0xFFFFF000  }
0x65: {  	[spmem:s26] =	stream.linear.scatter [tilespmem:s19], [sflag:$0x9], $0x1000, $0x38;
	[tilespmem:$0x1E000] =	vst v63  }
0x66: {  	_ =	swait.ge [sflag:s15], $0x1000  }
0x67: {  	[sflag:s15] =	ssyncset.done $0x0  }
0x68: {  	s14 =	rddreg [dreg:$0xa];
	[sflag:s15] =	ssyncadd.s32 $0xFFFFF000  }
0x69: {  	[spmem:s14] =	stream.linear.scatter [tilespmem:s19], [sflag:$0x9], $0x1000, $0x38;
	[tilespmem:$0x1E000] =	vst v63  }
0x6a: {  	_ =	swait.ge [sflag:s15], $0x1000  }
0x6b: {  	[sflag:s15] =	ssyncset.done $0x0  }
0x6c: {  	s16 =	rddreg [dreg:$0xb];
	[sflag:s15] =	ssyncadd.s32 $0xFFFFF000  }
0x6d: {  	[spmem:s16] =	stream.linear.scatter [tilespmem:s19], [sflag:$0x9], $0x1000, $0x38;
	[tilespmem:$0x1E000] =	vst v63  }
0x6e: {  	_ =	swait.ge [sflag:s15], $0x1000  }
0x6f: {  	[sflag:s15] =	ssyncset.done $0x0  }
0x70: {  	s25 =	rddreg [dreg:$0x14];
	[sflag:s15] =	ssyncadd.s32 $0xFFFFF000  }
0x71: {  	[spmem:s25] =	stream.linear.scatter [tilespmem:s19], [sflag:$0x9], $0x1000, $0x38;
	[tilespmem:$0x1E000] =	vst v63  }
0x72: {  	_ =	swait.ge [sflag:s15], $0x1000  }
0x73: {  	[sflag:s15] =	ssyncset.done $0x0  }
0x74: {  	s26 =	rddreg [dreg:$0x15];
	[sflag:s15] =	ssyncadd.s32 $0xFFFFF000  }
0x75: {  	[spmem:s26] =	stream.linear.scatter [tilespmem:s19], [sflag:$0x9], $0x1000, $0x38;
	[tilespmem:$0x1E000] =	vst v63  }
0x76: {  	_ =	swait.ge [sflag:s15], $0x1000  }
0x77: {  	[sflag:s15] =	ssyncset.done $0x0  }
0x78: {  	s14 =	rddreg [dreg:$0x16];
	[sflag:s15] =	ssyncadd.s32 $0xFFFFF000  }
0x79: {  	[spmem:s14] =	stream.linear.scatter [tilespmem:s19], [sflag:$0x9], $0x1000, $0x38;
	[tilespmem:$0x1E000] =	vst v63  }
0x7a: {  	_ =	swait.ge [sflag:s15], $0x1000  }
0x7b: {  	[sflag:s15] =	ssyncset.done $0x0  }
0x7c: {  	s16 =	rddreg [dreg:$0x17];
	[sflag:s15] =	ssyncadd.s32 $0xFFFFF000  }
0x7d: {  	[spmem:s16] =	stream.linear.scatter [tilespmem:s19], [sflag:$0x9], $0x1000, $0x38;
	[tilespmem:$0x1E000] =	vst v63  }
0x7e: {  	_ =	swait.ge [sflag:s15], $0x1000  }
0x7f: {  	[sflag:s15] =	ssyncset.done $0x0  }
0x80: {  	s25 =	rddreg [dreg:$0x18];
	[sflag:s15] =	ssyncadd.s32 $0xFFFFF000  }
0x81: {  	[spmem:s25] =	stream.linear.scatter [tilespmem:s19], [sflag:$0x9], $0x1000, $0x38;
	[tilespmem:$0x1E000] =	vst v63  }
0x82: {  	_ =	swait.ge [sflag:s15], $0x1000  }
0x83: {  	[sflag:s15] =	ssyncset.done $0x0  }
0x84: {  	s26 =	rddreg [dreg:$0x19];
	[sflag:s15] =	ssyncadd.s32 $0xFFFFF000  }
0x85: {  	[spmem:s26] =	stream.linear.scatter [tilespmem:s19], [sflag:$0x9], $0x1000, $0x38;
	[tilespmem:$0x1E000] =	vst v63  }
0x86: {  	_ =	swait.ge [sflag:s15], $0x1000  }
0x87: {  	[sflag:s15] =	ssyncset.done $0x0  }
0x88: {  	s14 =	rddreg [dreg:$0x1a];
	[sflag:s15] =	ssyncadd.s32 $0xFFFFF000  }
0x89: {  	[spmem:s14] =	stream.linear.scatter [tilespmem:s19], [sflag:$0x9], $0x1000, $0x38;
	[tilespmem:$0x1E000] =	vst v63  }
0x8a: {  	_ =	swait.ge [sflag:s15], $0x1000  }
0x8b: {  	[sflag:s15] =	ssyncset.done $0x0  }
0x8c: {  	s16 =	rddreg [dreg:$0x1b];
	[sflag:s15] =	ssyncadd.s32 $0xFFFFF000  }
0x8d: {  	[spmem:s16] =	stream.linear.scatter [tilespmem:s19], [sflag:$0x9], $0x1000, $0x38;
	[tilespmem:$0x1E000] =	vst v63  }
0x8e: {  	_ =	swait.ge [sflag:s15], $0x1000  }
0x8f: {  	[sflag:s15] =	ssyncset.done $0x0  }
0x90: {  	s25 =	rddreg [dreg:$0x1c];
	[sflag:s15] =	ssyncadd.s32 $0xFFFFF000  }
0x91: {  	[spmem:s25] =	stream.linear.scatter [tilespmem:s19], [sflag:$0x9], $0x1000, $0x38;
	[tilespmem:$0x1E000] =	vst v63  }
0x92: {  	_ =	swait.ge [sflag:s15], $0x1000  }
0x93: {  	[sflag:s15] =	ssyncset.done $0x0  }
0x94: {  	s26 =	rddreg [dreg:$0x1d];
	[sflag:s15] =	ssyncadd.s32 $0xFFFFF000  }
0x95: {  	[spmem:s26] =	stream.linear.scatter [tilespmem:s19], [sflag:$0x9], $0x1000, $0x38;
	[tilespmem:$0x1E000] =	vst v63  }
0x96: {  	_ =	swait.ge [sflag:s15], $0x1000  }
0x97: {  	[sflag:s15] =	ssyncset.done $0x0  }
0x98: {  	s14 =	rddreg [dreg:$0x1e];
	[sflag:s15] =	ssyncadd.s32 $0xFFFFF000  }
0x99: {  	[spmem:s14] =	stream.linear.scatter [tilespmem:s19], [sflag:$0x9], $0x1000, $0x38;
	[tilespmem:$0x1E000] =	vst v63  }
0x9a: {  	_ =	swait.ge [sflag:s15], $0x1000  }
0x9b: {  	[sflag:s15] =	ssyncset.done $0x0  }
0x9c: {  	s16 =	rddreg [dreg:$0x1f];
	[sflag:s15] =	ssyncadd.s32 $0xFFFFF000  }
0x9d: {  	[spmem:s16] =	stream.linear.scatter [tilespmem:s19], [sflag:$0x9], $0xC00, $0x38;
	[tilespmem:$0x1E000] =	vst v63  }
0x9e: {  	_ =	swait.ge [sflag:s15], $0xC00  }
0x9f: {  	[sflag:s15] =	ssyncset.done $0x0  }
0xa0: {  	[sflag:s15] =	ssyncadd.s32 $0xFFFFF400  }
0xa1: {  	[bflag:$0x0] =	sbarrier.arrive $0xFFFF  }
0xa2: {  	s8 =	simm.s32 $0x0;
	s14 =	rddreg [dreg:$0xc]  }
0xa3: {  	[tilespmem:s8], [sflag:$0x1] =	stream.linear.gather [hbm4b:s14+s8], $0x20, $0x38;
	[tilespmem:$0x1E000] =	vst v63  }
0xa4: {  	s16 =	simm.s32 $0x100;
	s25 =	rddreg [dreg:$0xd]  }
0xa5: {  	[tilespmem:s16], [sflag:$0x1] =	stream.linear.gather [hbm4b:s25+s8], $0x20, $0x38;
	[tilespmem:$0x1E000] =	vst v63  }
0xa6: {  	s26 =	rddreg [dreg:$0xe];
	s25 =	simm.s32 $0x400  }
0xa7: {  	[tilespmem:s25], [sflag:$0x3] =	stream.linear.gather [hbm4b:s26+s8], $0x1000, $0x38;
	[tilespmem:$0x1E000] =	vst v63  }
0xa8: {  	s25 =	rddreg [dreg:$0xf]  }
0xa9: {  	[tilespmem:s17], [sflag:$0x2] =	stream.linear.gather [hbm4b:s25+s8], $0x20, $0x38;
	[tilespmem:$0x1E000] =	vst v63  }
0xaa: {  	s26 =	rddreg [dreg:$0x10]  }
0xab: {  	[tilespmem:s18], [sflag:$0x2] =	stream.linear.gather [hbm4b:s26+s8], $0x20, $0x38;
	[tilespmem:$0x1E000] =	vst v63  }
0xac: {  	s25 =	rddreg [dreg:$0x11];
	s26 =	simm.s32 $0x1400  }
0xad: {  	[tilespmem:s26], [sflag:$0x4] =	stream.linear.gather [hbm4b:s25+s8], $0x1000, $0x38;
	[tilespmem:$0x1E000] =	vst v63  }
0xae: {  	s25 =	simm.s32 $0x1  }
0xaf: {  	_ =	swait.ge [sflag:s25], $0x20  }
0xb0: {  	[sflag:s25] =	ssyncset.done $0x0  }
0xb1: {  	[sflag:s25] =	ssyncadd.s32 $0xFFFFFFE0  }
0xb2: {  	_ =	swait.ge [sflag:s25], $0x20  }
0xb3: {  	[sflag:s25] =	ssyncset.done $0x0  }
0xb4: {  	[sflag:s25] =	ssyncadd.s32 $0xFFFFFFE0  }
0xb5: {  	[tilespmem:s19], [sflag:$0x5] =	stream.indirect.gather [hbm4b:s6+s21], $0x80, s16, s21, $0xb8;
	[tilespmem:$0x1E000] =	vst v63  }
0xb6: {  	s26 =	simm.s32 $0x4400  }
0xb7: {  	[tilespmem:s26], [sflag:$0x5] =	stream.indirect.gather [hbm4b:s6+s21], $0x80, s8, s21, $0xb8;
	[tilespmem:$0x1E000] =	vst v63  }
.LBB2_4:
0xb8: {  	_ =	swait.ge [sflag:s24], $0x20  }
0xb9: {  	[sflag:s24] =	ssyncset.done $0x0  }
0xba: {  	[sflag:s24] =	ssyncadd.s32 $0xFFFFFFE0  }
0xbb: {  	_ =	swait.ge [sflag:s24], $0x20  }
0xbc: {  	[sflag:s24] =	ssyncset.done $0x0  }
0xbd: {  	s14 =	simm.s32 $0x3400;
	p0 =	seq.s32 s8, $0x0;
	[sflag:s24] =	ssyncadd.s32 $0xFFFFFFE0  }
0xbe: {  	[tilespmem:s14], [sflag:$0x6] =	stream.indirect.gather [hbm4b:s6+s21], $0x80, s18, s21, $0xb8;
	[tilespmem:$0x1E000] =	vst v63  }
0xbf: {  	s26 =	simm.s32 $0x5400;
	s14 =	simm.s32 @!p0 $0x7  }
0xc0: {  	[tilespmem:s26], [sflag:$0x6] =	stream.indirect.gather [hbm4b:s6+s21], $0x80, s17, s21, $0xb8;
	[tilespmem:$0x1E000] =	vst v63  }
0xc1: {  	_ =	swait.ge @!p0 [sflag:s14], $0x1000  }
0xc2: {  	[sflag:s14] =	ssyncset.done @!p0 $0x0  }
0xc3: {  	[sflag:s14] =	ssyncadd.s32 @!p0 $0xFFFFF000  }
0xc4: {  	_ =	swait.ge @!p0 [sflag:s14], $0x1000  }
0xc5: {  	[sflag:s14] =	ssyncset.done @!p0 $0x0  }
0xc6: {  	[sflag:s14] =	ssyncadd.s32 @!p0 $0xFFFFF000  }
0xc7: {  	_ =	swait.ge [sflag:s28], $0x1000  }
0xc8: {  	[sflag:s28] =	ssyncset.done $0x0  }
0xc9: {  	[sflag:s28] =	ssyncadd.s32 $0xFFFFF000  }
0xca: {  	_ =	swait.ge [sflag:s29], $0x1000  }
0xcb: {  	[sflag:s29] =	ssyncset.done $0x0  }
0xcc: {  	[sflag:s29] =	ssyncadd.s32 $0xFFFFF000  }
0xcd: {  	_ =	swait.ge [sflag:s29], $0x1000  }
0xce: {  	[sflag:s29] =	ssyncset.done $0x0  }
0xcf: {  	s19 =	simm.s32 $0x0;
	[sflag:s29] =	ssyncadd.s32 $0xFFFFF000  }
0xd0: {  	v1 =	vld [tilespmem:s19+$0x470]  }
0xd1: {  	v2 =	vld [tilespmem:s19+$0x4470]  }
0xd2: {  	v3 =	vld [tilespmem:s19+$0x400]  }
0xd3: {  	v4 =	vld [tilespmem:s19+$0x2400]  }
0xd4: {  	v5 =	vld [tilespmem:s19+$0x4400]  }
0xd5: {  	v6 =	vld [tilespmem:s19+$0x410]  }
0xd6: {  	v7 =	vld [tilespmem:s19+$0x2410]  }
0xd7: {  	v8 =	vld [tilespmem:s19+$0x4410];
	v2 =	vmul.f32 v2, v1  }
0xd8: {  	v9 =	vld [tilespmem:s19+$0x420];
	v4 =	vmul.f32 v4, v3  }
0xd9: {  	v3 =	vmul.f32 v5, v3;
	[tilespmem:s19+$0x8470] =	vst v2;
	v2 =	vld [tilespmem:s19+$0x2420]  }
0xda: {  	v5 =	vld [tilespmem:s19+$0x430];
	[tilespmem:s19+$0x6400] =	vst v4  }
0xdb: {  	v4 =	vld [tilespmem:s19+$0x4420];
	[tilespmem:s19+$0x8400] =	vst v3;
	v3 =	vmul.f32 v7, v6  }
0xdc: {  	v7 =	vld [tilespmem:s19+$0x2430]  }
0xdd: {  	v6 =	vmul.f32 v8, v6;
	[tilespmem:s19+$0x6410] =	vst v3;
	v3 =	vld [tilespmem:s19+$0x4430]  }
0xde: {  	v8 =	vld [tilespmem:s19+$0x2440];
	v2 =	vmul.f32 v2, v9  }
0xdf: {  	[tilespmem:s19+$0x8410] =	vst v6;
	v6 =	vld [tilespmem:s19+$0x440]  }
0xe0: {  	v4 =	vmul.f32 v4, v9;
	[tilespmem:s19+$0x6420] =	vst v2;
	v2 =	vld [tilespmem:s19+$0x4440]  }
0xe1: {  	v9 =	vld [tilespmem:s19+$0x450]  }
0xe2: {  	[tilespmem:s19+$0x8420] =	vst v4;
	v4 =	vmul.f32 v7, v5;
	v7 =	vld [tilespmem:s19+$0x2450];
	v3 =	vmul.f32 v3, v5  }
0xe3: {  	v10 =	vld [tilespmem:s19+$0x4450]  }
0xe4: {  	v5 =	vmul.f32 v8, v6;
	[tilespmem:s19+$0x8430] =	vst v3;
	v3 =	vld [tilespmem:s19+$0x460]  }
0xe5: {  	[tilespmem:s19+$0x6430] =	vst v4;
	v4 =	vld [tilespmem:s19+$0x2460];
	v2 =	vmul.f32 v2, v6  }
0xe6: {  	[tilespmem:s19+$0x6440] =	vst v5;
	v5 =	vld [tilespmem:s19+$0x4460]  }
0xe7: {  	s25 =	simm.s32 $0x80;
	v6 =	vld [tilespmem:s19+$0x2470];
	v7 =	vmul.f32 v7, v9;
	[tilespmem:s19+$0x8440] =	vst v2  }
0xe8: {  	s26 =	simm.s32 $0x400;
	s14 =	sshll.u32 s8, $0x1;
	v8 =	vmul.f32 v10, v9;
	v2 =	vld [tilespmem:s25+$0x470]  }
.LBB2_5:
0xe9: {  	p0 =	sne.s32 s26, $0x3E00;
	v9 =	vld [tilespmem:s25+$0x4470];
	[tilespmem:s19+$0x6450] =	vst v7  }
0xea: {  	v7 =	vld [tilespmem:s25+$0x400];
	[tilespmem:s19+$0x8450] =	vst v8;
	v4 =	vmul.f32 v4, v3  }
0xeb: {  	v8 =	vld [tilespmem:s25+$0x2400];
	v3 =	vmul.f32 v5, v3  }
0xec: {  	v5 =	vld [tilespmem:s25+$0x4400];
	[tilespmem:s19+$0x6460] =	vst v4;
	v4 =	vmul.f32 v6, v1  }
0xed: {  	v6 =	vld [tilespmem:s25+$0x410];
	[tilespmem:s19+$0x8460] =	vst v3;
	v1 =	vmov v2  }
0xee: {  	v2 =	vld [tilespmem:s25+$0x2410];
	v3 =	vmul.f32 v9, v1;
	[tilespmem:s19+$0x6470] =	vst v4;
	s19 =	smov.u32 s25  }
0xef: {  	v4 =	vld [tilespmem:s19+$0x4410]  }
0xf0: {  	v8 =	vmul.f32 v8, v7;
	v9 =	vld [tilespmem:s19+$0x420];
	[tilespmem:s19+$0x8470] =	vst v3  }
0xf1: {  	v3 =	vmul.f32 v5, v7;
	v5 =	vld [tilespmem:s19+$0x2420]  }
0xf2: {  	[tilespmem:s19+$0x6400] =	vst v8;
	v7 =	vld [tilespmem:s19+$0x4420]  }
0xf3: {  	[tilespmem:s19+$0x8400] =	vst v3;
	v2 =	vmul.f32 v2, v6;
	v3 =	vld [tilespmem:s19+$0x430]  }
0xf4: {  	v4 =	vmul.f32 v4, v6;
	v6 =	vld [tilespmem:s19+$0x2430]  }
0xf5: {  	[tilespmem:s19+$0x6410] =	vst v2;
	v2 =	vld [tilespmem:s19+$0x4430]  }
0xf6: {  	[tilespmem:s19+$0x8410] =	vst v4;
	v4 =	vmul.f32 v5, v9;
	v5 =	vld [tilespmem:s19+$0x440]  }
0xf7: {  	v7 =	vmul.f32 v7, v9;
	v8 =	vld [tilespmem:s19+$0x2440]  }
0xf8: {  	[tilespmem:s19+$0x6420] =	vst v4;
	v4 =	vld [tilespmem:s19+$0x4440]  }
0xf9: {  	[tilespmem:s19+$0x8420] =	vst v7;
	v6 =	vmul.f32 v6, v3;
	v9 =	vld [tilespmem:s19+$0x450]  }
0xfa: {  	v2 =	vmul.f32 v2, v3;
	v7 =	vld [tilespmem:s19+$0x2450]  }
0xfb: {  	[tilespmem:s19+$0x6430] =	vst v6;
	v10 =	vld [tilespmem:s19+$0x4450]  }
.Ltmp3:
0xfc: {  	[tilespmem:s19+$0x8430] =	vst v2;
	v2 =	vmul.f32 v8, v5;
	v3 =	vld [tilespmem:s19+$0x460];
	(pc) =	sbr.rel @p0 .LBB2_5-.Ltmp3, $4  }
0xfd: {  	v6 =	vmul.f32 v4, v5;
	v4 =	vld [tilespmem:s19+$0x2460]  }
0xfe: {  	[tilespmem:s19+$0x6440] =	vst v2;
	v5 =	vld [tilespmem:s19+$0x4460]  }
0xff: {  	s25 =	sshra.s32 s26, $0x2;
	[tilespmem:s19+$0x8440] =	vst v6;
	v7 =	vmul.f32 v7, v9;
	v6 =	vld [tilespmem:s19+$0x2470]  }
0x100: {  	s26 =	sadd.s32 $0x200, s26;
	v2 =	vld [tilespmem:s25+$0x470];
	v8 =	vmul.f32 v10, v9  }
0x101: {  	v9 =	vld [tilespmem:s25+$0x4470];
	[tilespmem:s19+$0x6450] =	vst v7  }
0x102: {  	v7 =	vld [tilespmem:s25+$0x400];
	[tilespmem:s19+$0x8450] =	vst v8;
	v4 =	vmul.f32 v4, v3  }
0x103: {  	v8 =	vld [tilespmem:s25+$0x2400];
	v3 =	vmul.f32 v5, v3  }
0x104: {  	v10 =	vld [tilespmem:s25+$0x4400];
	[tilespmem:s19+$0x6460] =	vst v4;
	v1 =	vmul.f32 v6, v1  }
0x105: {  	v4 =	vld [tilespmem:s25+$0x410];
	[tilespmem:s19+$0x8460] =	vst v3  }
0x106: {  	v3 =	vld [tilespmem:s25+$0x2410];
	[tilespmem:s19+$0x6470] =	vst v1  }
0x107: {  	v1 =	vmul.f32 v9, v2;
	v5 =	vld [tilespmem:s25+$0x4410]  }
0x108: {  	v6 =	vld [tilespmem:s25+$0x420];
	v8 =	vmul.f32 v8, v7  }
0x109: {  	[tilespmem:s25+$0x8470] =	vst v1;
	v1 =	vld [tilespmem:s25+$0x2420]  }
0x10a: {  	v7 =	vmul.f32 v10, v7;
	[tilespmem:s25+$0x6400] =	vst v8;
	v8 =	vld [tilespmem:s25+$0x4420]  }
0x10b: {  	v9 =	vld [tilespmem:s25+$0x2430];
	v3 =	vmul.f32 v3, v4  }
0x10c: {  	[tilespmem:s25+$0x8400] =	vst v7;
	v7 =	vld [tilespmem:s25+$0x430]  }
0x10d: {  	v4 =	vmul.f32 v5, v4;
	[tilespmem:s25+$0x6410] =	vst v3;
	v3 =	vld [tilespmem:s25+$0x4430]  }
0x10e: {  	v5 =	vld [tilespmem:s25+$0x2440];
	v1 =	vmul.f32 v1, v6  }
0x10f: {  	[tilespmem:s25+$0x8410] =	vst v4;
	v4 =	vld [tilespmem:s25+$0x440];
	v6 =	vmul.f32 v8, v6  }
0x110: {  	[tilespmem:s25+$0x6420] =	vst v1;
	v1 =	vld [tilespmem:s25+$0x4440]  }
0x111: {  	v8 =	vld [tilespmem:s25+$0x450];
	[tilespmem:s25+$0x8420] =	vst v6;
	v6 =	vmul.f32 v9, v7  }
0x112: {  	v9 =	vld [tilespmem:s25+$0x2450];
	v3 =	vmul.f32 v3, v7  }
0x113: {  	v7 =	vld [tilespmem:s25+$0x2460];
	[tilespmem:s25+$0x6430] =	vst v6  }
0x114: {  	v6 =	vld [tilespmem:s25+$0x4450];
	[tilespmem:s25+$0x8430] =	vst v3;
	v3 =	vmul.f32 v5, v4  }
0x115: {  	v5 =	vld [tilespmem:s25+$0x460];
	v1 =	vmul.f32 v1, v4  }
0x116: {  	[tilespmem:s25+$0x6440] =	vst v3;
	v3 =	vld [tilespmem:s25+$0x4460]  }
0x117: {  	[tilespmem:s25+$0x8440] =	vst v1;
	v1 =	vld [tilespmem:s25+$0x2470]  }
0x118: {  	v4 =	vmul.f32 v9, v8  }
0x119: {  	v6 =	vmul.f32 v6, v8  }
0x11a: {  	[tilespmem:s25+$0x6450] =	vst v4;
	v4 =	vmul.f32 v7, v5  }
0x11b: {  	[tilespmem:s25+$0x8450] =	vst v6;
	v3 =	vmul.f32 v3, v5  }
0x11c: {  	[tilespmem:s25+$0x6460] =	vst v4;
	v1 =	vmul.f32 v1, v2  }
0x11d: {  	[tilespmem:s25+$0x8460] =	vst v3  }
0x11e: {  	[tilespmem:s25+$0x6470] =	vst v1  }
0x11f: {  	v1 =	vld [tilespmem:$0x0]  }
0x120: {  	v2 =	vld [tilespmem:$0x100]  }
0x121: {  	v3 =	vld [tilespmem:$0x10]  }
0x122: {  	v4 =	vld [tilespmem:$0x110];
	_ =	sdelay $0x1  }
0x123: {  	[tilespmem:$0x200] =	vst v1  }
0x124: {  	[tilespmem:$0x300] =	vst v2  }
0x125: {  	p0 =	seq.s32 s8, $0x4F;
	[tilespmem:$0x210] =	vst v3  }
0x126: {  	s16 =	simm.s32 $0x200;
	s19 =	sadd.s32 @!p0 s14, s22;
	[tilespmem:$0x310] =	vst v4  }
0x127: {  	[spmem:s2] =	stream.indirect.scatter.add.f32 [tilespmem:s30], [sflag:$0x7], $0x80, s16, s21, $0xb8;
	[tilespmem:$0x1E000] =	vst v63  }
0x128: {  	s25 =	sshll.u32 @!p0 s19, $0x2;
	s19 =	sshll.u32 @!p0 s19, $0x5  }
0x129: {  	[spmem:s2] =	stream.indirect.scatter.add.f32 [tilespmem:s0], [sflag:$0x7], $0x80, s31, s21, $0xb8;
	[tilespmem:$0x1E000] =	vst v63  }
0x12a: {  	s26 =	sadd.s32 @!p0 s7, s25;
	s19 =	smin.u32 @!p0 s19, $0x270E0;
	s16 =	simm.s32 @!p0 $0x0  }
0x12b: {  	[tilespmem:s16], [sflag:$0x1] =	stream.linear.gather @!p0 [hbm4b:s26+s16], $0x20, $0x38;
	[tilespmem:$0x1E000] =	vst v63  }
0x12c: {  	s25 =	sadd.s32 @!p0 s1, s25;
	s19 =	sshll.u32 @!p0 s19, $0x4;
	s26 =	simm.s32 @!p0 $0x100  }
0x12d: {  	[tilespmem:s26], [sflag:$0x1] =	stream.linear.gather @!p0 [hbm4b:s25+s16], $0x20, $0x38;
	[tilespmem:$0x1E000] =	vst v63  }
0x12e: {  	s19 =	sadd.s32 @!p0 s5, s19;
	s25 =	simm.s32 @!p0 $0x400  }
0x12f: {  	[tilespmem:s25], [sflag:$0x3] =	stream.linear.gather @!p0 [hbm4b:s19+s16], $0x1000, $0x38;
	[tilespmem:$0x1E000] =	vst v63  }
0x130: {  	s19 =	simm.s32 @!p0 $0x1  }
0x131: {  	_ =	swait.ge @!p0 [sflag:s19], $0x20  }
0x132: {  	[sflag:s19] =	ssyncset.done @!p0 $0x0  }
0x133: {  	[sflag:s19] =	ssyncadd.s32 @!p0 $0xFFFFFFE0  }
0x134: {  	_ =	swait.ge @!p0 [sflag:s19], $0x20  }
0x135: {  	p1 =	seq.s32 @!p0 s8, $0x0;
	[sflag:s19] =	ssyncset.done @!p0 $0x0  }
0x136: {  	s25 =	simm.s32 @!p0 $0x2400;
	[sflag:s19] =	ssyncadd.s32 @!p0 $0xFFFFFFE0;
	s19 =	simm.s32 @!p0 $0x20  }
0x137: {  	[tilespmem:s25], [sflag:$0x5] =	stream.indirect.gather @!p0 [hbm4b:s6+s19], $0x80, s26, s19, $0xb8;
	[tilespmem:$0x1E000] =	vst v63  }
0x138: {  	p1 =	por p0, !p1;
	s25 =	simm.s32 @!p0 $0x4400  }
0x139: {  	[tilespmem:s25], [sflag:$0x5] =	stream.indirect.gather @!p0 [hbm4b:s6+s19], $0x80, s16, s19, $0xb8;
	[tilespmem:$0x1E000] =	vst v63  }
0x13a: {  	_ =	swait.ge @p1 [sflag:s20], $0x1000  }
0x13b: {  	[sflag:s20] =	ssyncset.done @p1 $0x0  }
0x13c: {  	[sflag:s20] =	ssyncadd.s32 @p1 $0xFFFFF000  }
0x13d: {  	_ =	swait.ge @p1 [sflag:s20], $0x1000  }
0x13e: {  	[sflag:s20] =	ssyncset.done @p1 $0x0  }
0x13f: {  	[sflag:s20] =	ssyncadd.s32 @p1 $0xFFFFF000  }
0x140: {  	_ =	swait.ge [sflag:s3], $0x1000  }
0x141: {  	[sflag:s3] =	ssyncset.done $0x0  }
0x142: {  	[sflag:s3] =	ssyncadd.s32 $0xFFFFF000  }
0x143: {  	_ =	swait.ge [sflag:s9], $0x1000  }
0x144: {  	[sflag:s9] =	ssyncset.done $0x0  }
0x145: {  	[sflag:s9] =	ssyncadd.s32 $0xFFFFF000  }
0x146: {  	_ =	swait.ge [sflag:s9], $0x1000  }
0x147: {  	[sflag:s9] =	ssyncset.done $0x0  }
0x148: {  	s19 =	simm.s32 $0x0;
	[sflag:s9] =	ssyncadd.s32 $0xFFFFF000  }
0x149: {  	v1 =	vld [tilespmem:s19+$0x1470]  }
0x14a: {  	v2 =	vld [tilespmem:s19+$0x5470]  }
0x14b: {  	v3 =	vld [tilespmem:s19+$0x1400]  }
0x14c: {  	v4 =	vld [tilespmem:s19+$0x3400]  }
0x14d: {  	v5 =	vld [tilespmem:s19+$0x5400]  }
0x14e: {  	v6 =	vld [tilespmem:s19+$0x1410]  }
0x14f: {  	v7 =	vld [tilespmem:s19+$0x3410]  }
0x150: {  	v8 =	vld [tilespmem:s19+$0x5410];
	v2 =	vmul.f32 v2, v1  }
0x151: {  	v9 =	vld [tilespmem:s19+$0x1420];
	v4 =	vmul.f32 v4, v3  }
0x152: {  	v3 =	vmul.f32 v5, v3;
	[tilespmem:s19+$0x9470] =	vst v2;
	v2 =	vld [tilespmem:s19+$0x3420]  }
0x153: {  	v5 =	vld [tilespmem:s19+$0x1430];
	[tilespmem:s19+$0x7400] =	vst v4  }
0x154: {  	v4 =	vld [tilespmem:s19+$0x5420];
	[tilespmem:s19+$0x9400] =	vst v3;
	v3 =	vmul.f32 v7, v6  }
0x155: {  	v7 =	vld [tilespmem:s19+$0x3430]  }
0x156: {  	v6 =	vmul.f32 v8, v6;
	[tilespmem:s19+$0x7410] =	vst v3;
	v3 =	vld [tilespmem:s19+$0x5430]  }
0x157: {  	v8 =	vld [tilespmem:s19+$0x3440];
	v2 =	vmul.f32 v2, v9  }
0x158: {  	[tilespmem:s19+$0x9410] =	vst v6;
	v6 =	vld [tilespmem:s19+$0x1440]  }
0x159: {  	v4 =	vmul.f32 v4, v9;
	[tilespmem:s19+$0x7420] =	vst v2;
	v2 =	vld [tilespmem:s19+$0x5440]  }
0x15a: {  	v9 =	vld [tilespmem:s19+$0x1450]  }
0x15b: {  	[tilespmem:s19+$0x9420] =	vst v4;
	v4 =	vmul.f32 v7, v5;
	v7 =	vld [tilespmem:s19+$0x3450];
	v3 =	vmul.f32 v3, v5  }
0x15c: {  	v10 =	vld [tilespmem:s19+$0x5450]  }
0x15d: {  	v5 =	vmul.f32 v8, v6;
	[tilespmem:s19+$0x9430] =	vst v3;
	v3 =	vld [tilespmem:s19+$0x1460]  }
0x15e: {  	[tilespmem:s19+$0x7430] =	vst v4;
	v4 =	vld [tilespmem:s19+$0x3460];
	v2 =	vmul.f32 v2, v6  }
0x15f: {  	[tilespmem:s19+$0x7440] =	vst v5;
	v5 =	vld [tilespmem:s19+$0x5460]  }
0x160: {  	s25 =	simm.s32 $0x80;
	v6 =	vld [tilespmem:s19+$0x3470];
	v7 =	vmul.f32 v7, v9;
	[tilespmem:s19+$0x9440] =	vst v2  }
0x161: {  	s26 =	simm.s32 $0x400;
	v8 =	vmul.f32 v10, v9;
	v2 =	vld [tilespmem:s25+$0x1470]  }
.LBB2_7:
0x162: {  	p1 =	sne.s32 s26, $0x3E00;
	v9 =	vld [tilespmem:s25+$0x5470];
	[tilespmem:s19+$0x7450] =	vst v7  }
0x163: {  	v7 =	vld [tilespmem:s25+$0x1400];
	[tilespmem:s19+$0x9450] =	vst v8;
	v4 =	vmul.f32 v4, v3  }
0x164: {  	v8 =	vld [tilespmem:s25+$0x3400];
	v3 =	vmul.f32 v5, v3  }
0x165: {  	v5 =	vld [tilespmem:s25+$0x5400];
	[tilespmem:s19+$0x7460] =	vst v4;
	v4 =	vmul.f32 v6, v1  }
0x166: {  	v6 =	vld [tilespmem:s25+$0x1410];
	[tilespmem:s19+$0x9460] =	vst v3;
	v1 =	vmov v2  }
0x167: {  	v2 =	vld [tilespmem:s25+$0x3410];
	v3 =	vmul.f32 v9, v1;
	[tilespmem:s19+$0x7470] =	vst v4;
	s19 =	smov.u32 s25  }
0x168: {  	v4 =	vld [tilespmem:s19+$0x5410]  }
0x169: {  	v8 =	vmul.f32 v8, v7;
	v9 =	vld [tilespmem:s19+$0x1420];
	[tilespmem:s19+$0x9470] =	vst v3  }
0x16a: {  	v3 =	vmul.f32 v5, v7;
	v5 =	vld [tilespmem:s19+$0x3420]  }
0x16b: {  	[tilespmem:s19+$0x7400] =	vst v8;
	v7 =	vld [tilespmem:s19+$0x5420]  }
0x16c: {  	[tilespmem:s19+$0x9400] =	vst v3;
	v2 =	vmul.f32 v2, v6;
	v3 =	vld [tilespmem:s19+$0x1430]  }
0x16d: {  	v4 =	vmul.f32 v4, v6;
	v6 =	vld [tilespmem:s19+$0x3430]  }
0x16e: {  	[tilespmem:s19+$0x7410] =	vst v2;
	v2 =	vld [tilespmem:s19+$0x5430]  }
0x16f: {  	[tilespmem:s19+$0x9410] =	vst v4;
	v4 =	vmul.f32 v5, v9;
	v5 =	vld [tilespmem:s19+$0x1440]  }
0x170: {  	v7 =	vmul.f32 v7, v9;
	v8 =	vld [tilespmem:s19+$0x3440]  }
0x171: {  	[tilespmem:s19+$0x7420] =	vst v4;
	v4 =	vld [tilespmem:s19+$0x5440]  }
0x172: {  	[tilespmem:s19+$0x9420] =	vst v7;
	v6 =	vmul.f32 v6, v3;
	v9 =	vld [tilespmem:s19+$0x1450]  }
0x173: {  	v2 =	vmul.f32 v2, v3;
	v7 =	vld [tilespmem:s19+$0x3450]  }
0x174: {  	[tilespmem:s19+$0x7430] =	vst v6;
	v10 =	vld [tilespmem:s19+$0x5450]  }
.Ltmp4:
0x175: {  	[tilespmem:s19+$0x9430] =	vst v2;
	v2 =	vmul.f32 v8, v5;
	v3 =	vld [tilespmem:s19+$0x1460];
	(pc) =	sbr.rel @p1 .LBB2_7-.Ltmp4, $4  }
0x176: {  	v6 =	vmul.f32 v4, v5;
	v4 =	vld [tilespmem:s19+$0x3460]  }
0x177: {  	[tilespmem:s19+$0x7440] =	vst v2;
	v5 =	vld [tilespmem:s19+$0x5460]  }
0x178: {  	s25 =	sshra.s32 s26, $0x2;
	[tilespmem:s19+$0x9440] =	vst v6;
	v7 =	vmul.f32 v7, v9;
	v6 =	vld [tilespmem:s19+$0x3470]  }
0x179: {  	s26 =	sadd.s32 $0x200, s26;
	v2 =	vld [tilespmem:s25+$0x1470];
	v8 =	vmul.f32 v10, v9  }
0x17a: {  	v9 =	vld [tilespmem:s25+$0x5470];
	[tilespmem:s19+$0x7450] =	vst v7  }
0x17b: {  	v7 =	vld [tilespmem:s25+$0x1400];
	[tilespmem:s19+$0x9450] =	vst v8;
	v4 =	vmul.f32 v4, v3  }
0x17c: {  	v8 =	vld [tilespmem:s25+$0x3400];
	v3 =	vmul.f32 v5, v3  }
0x17d: {  	v10 =	vld [tilespmem:s25+$0x5400];
	[tilespmem:s19+$0x7460] =	vst v4;
	v1 =	vmul.f32 v6, v1  }
0x17e: {  	v4 =	vld [tilespmem:s25+$0x1410];
	[tilespmem:s19+$0x9460] =	vst v3  }
0x17f: {  	v3 =	vld [tilespmem:s25+$0x3410];
	[tilespmem:s19+$0x7470] =	vst v1  }
0x180: {  	v1 =	vmul.f32 v9, v2;
	v49 =	vld [tilespmem:s25+$0x5410]  }
0x181: {  	v50 =	vld [tilespmem:s25+$0x1420]  }
0x182: {  	[tilespmem:s25+$0x9470] =	vst v1;
	v1 =	vld [tilespmem:s25+$0x3420]  }
0x183: {  	v51 =	vld [tilespmem:s25+$0x5420]  }
0x184: {  	v52 =	vld [tilespmem:s25+$0x1430];
	v3 =	vmul.f32 v3, v4  }
0x185: {  	v53 =	vld [tilespmem:s25+$0x3430]  }
0x186: {  	[tilespmem:s25+$0x7410] =	vst v3;
	v3 =	vld [tilespmem:s25+$0x5430]  }
0x187: {  	v54 =	vld [tilespmem:s25+$0x1440];
	v1 =	vmul.f32 v1, v50  }
0x188: {  	v55 =	vld [tilespmem:s25+$0x3440]  }
0x189: {  	v8 =	vmul.f32 v8, v7;
	[tilespmem:s25+$0x7420] =	vst v1;
	v1 =	vld [tilespmem:s25+$0x5440]  }
0x18a: {  	v57 =	vld [tilespmem:s25+$0x1450];
	v7 =	vmul.f32 v10, v7  }
0x18b: {  	v58 =	vld [tilespmem:s25+$0x3450];
	[tilespmem:s25+$0x7400] =	vst v8;
	v3 =	vmul.f32 v3, v52  }
0x18c: {  	v60 =	vld [tilespmem:s25+$0x1460];
	[tilespmem:s25+$0x9400] =	vst v7;
	v4 =	vmul.f32 v49, v4  }
0x18d: {  	v61 =	vld [tilespmem:s25+$0x3460];
	[tilespmem:s25+$0x9430] =	vst v3;
	v3 =	vmul.f32 v55, v54  }
0x18e: {  	v59 =	vld [tilespmem:s25+$0x5450];
	[tilespmem:s25+$0x9410] =	vst v4;
	v1 =	vmul.f32 v1, v54  }
0x18f: {  	v6 =	vmul.f32 v51, v50;
	[tilespmem:s25+$0x7440] =	vst v3;
	v3 =	vld [tilespmem:s25+$0x5460]  }
0x190: {  	v56 =	vmul.f32 v53, v52;
	[tilespmem:s25+$0x9440] =	vst v1;
	v1 =	vld [tilespmem:s25+$0x3470]  }
0x191: {  	v62 =	vmul.f32 v58, v57;
	[tilespmem:s25+$0x9420] =	vst v6  }
0x192: {  	v63 =	vmul.f32 v61, v60;
	[tilespmem:s25+$0x7430] =	vst v56  }
0x193: {  	v6 =	vmul.f32 v59, v57;
	[tilespmem:s25+$0x7450] =	vst v62  }
0x194: {  	[tilespmem:s25+$0x7460] =	vst v63;
	v3 =	vmul.f32 v3, v60  }
0x195: {  	[tilespmem:s25+$0x9450] =	vst v6;
	v1 =	vmul.f32 v1, v2  }
0x196: {  	[tilespmem:s25+$0x9460] =	vst v3  }
0x197: {  	[tilespmem:s25+$0x7470] =	vst v1  }
0x198: {  	v1 =	vld [tilespmem:$0x80]  }
0x199: {  	v2 =	vld [tilespmem:$0x180]  }
0x19a: {  	v3 =	vld [tilespmem:$0x90]  }
0x19b: {  	v4 =	vld [tilespmem:$0x190];
	_ =	sdelay $0x1  }
0x19c: {  	[tilespmem:$0x280] =	vst v1  }
0x19d: {  	[tilespmem:$0x380] =	vst v2  }
.Ltmp5:
0x19e: {  	[tilespmem:$0x290] =	vst v3;
	(pc) =	sbr.rel @p0 .LBB2_10-.Ltmp5, $4  }
0x19f: {  	[tilespmem:$0x390] =	vst v4  }
0x1a0: {  	[spmem:s2] =	stream.indirect.scatter.add.f32 [tilespmem:s11], [sflag:$0x8], $0x80, s10, s21, $0xb8;
	[tilespmem:$0x1E000] =	vst v63  }
0x1a1: {  	_ = 	snop  }
0x1a2: {  	[spmem:s2] =	stream.indirect.scatter.add.f32 [tilespmem:s13], [sflag:$0x8], $0x80, s12, s21, $0xb8;
	[tilespmem:$0x1E000] =	vst v63  }
0x1a3: {  	s14 =	sadd.s32 s14, s23  }
0x1a4: {  	s16 =	sshll.u32 s14, $0x2  }
0x1a5: {  	s14 =	sshll.u32 s14, $0x5;
	s19 =	sadd.s32 s7, s16  }
0x1a6: {  	[tilespmem:s17], [sflag:$0x2] =	stream.linear.gather [hbm4b:s19+s4], $0x20, $0x38;
	[tilespmem:$0x1E000] =	vst v63  }
.Ltmp6:
0x1a7: {  	s14 =	smin.u32 s14, $0x270E0;
	(pc) =	sbr.rel .LBB2_4-.Ltmp6, $4  }
0x1a8: {  	s16 =	sadd.s32 s1, s16;
	s14 =	sshll.u32 s14, $0x4  }
0x1a9: {  	[tilespmem:s18], [sflag:$0x2] =	stream.linear.gather [hbm4b:s16+s4], $0x20, $0x38;
	[tilespmem:$0x1E000] =	vst v63  }
0x1aa: {  	s26 =	simm.s32 $0x1400;
	s8 =	sadd.s32 $0x1, s8;
	s14 =	sadd.s32 s5, s14  }
0x1ab: {  	[tilespmem:s26], [sflag:$0x4] =	stream.linear.gather [hbm4b:s14+s4], $0x1000, $0x38;
	[tilespmem:$0x1E000] =	vst v63  }
.LBB2_11:
0x1ac: {  	_ =	sfence.sel $0x180000  }
0x1ad: {  	[bflag:$0x0] =	sbarrier.arrive $0xFFFF  }
0x1ae: {  	_ =	strace $0x90000047  }
0x1af: {  	s0 =	stileid.u32;
	[bflag:$0x2] =	sbarrier.arrive $0xFFFF  }
0x1b0: {  	p0 =	sne.s32 s0, $0x0;
	s0 =	rddreg [dreg:$0x3]  }
0x1b1: {  	s0 =	sadd.s32 @!p0 $0x100000, s0  }
0x1b2: {  	[sflag:s0] =	ssyncadd.tile.s32 @!p0 $0x1;
	_ =	shalt  }
.Lfunc_end2:
_tile_overlayer_lowered:
.L_overlay_start_2:
0x1b3: {  	(tag) =	ssettag $0x2  }
0x1b4: {  	s0 =	rddreg [dreg:$0x0];
	s2 =	stileid.u32  }
0x1b5: {  	s1 =	rddreg [dreg:$0x1];
	p0 =	sne.s32 s2, $0x0  }
0x1b6: {  	s3 =	rddreg [dreg:$0x2];
	[bflag:$0x3] =	sbarrier.arrive $0xFFFF;
	s2 =	simm.s32 @!p0 $0x1C09  }
0x1b7: {  	[timem:s3], [sflag:s2] =	dma.local @!p0 [hbm:s0], s1  }
0x1b8: {  	s0 =	simm.s32 @!p0 $0x9  }
0x1b9: {  	_ =	swait.ge @!p0 [sflag:s0], s1  }
0x1ba: {  	s1 =	ssub.s32 @!p0 $0x0, s1;
	[sflag:s0] =	ssyncset.done @!p0 $0x0  }
0x1bb: {  	[sflag:s0] =	ssyncadd.s32 @!p0 s1  }
0x1bc: {  	[bflag:$0x3] =	sbarrier.arrive $0xFFFF  }
0x1bd: {  	_ =	shalt  }

</sc_bundles>
